<compile_context>
chip_gen: v7x
topology: tpu7x:2x2x1
jax: 0.10.2.dev20260603
libtpu: 0.0.44.dev20260713+nightly
codegen_flags: <defaults>
</compile_context>

<pallas_src>
import functools

import jax
import jax.numpy as jnp
from jax import lax
from jax.experimental import pallas as pl
from jax.experimental.pallas import tpu as pltpu
from jax.experimental.pallas import tpu_sc as plsc

N = 10000
E = 320000
D = 128
H = 128
C = 64

NC = 2
NS = 16
NT = NC * NS
EPT = E // NT
K = 80
NCHUNK = EPT // K

N_PAD = 10240
RPT = N_PAD // NS
B_R = 1024



def _make_agg(w, with_deg, tc_tiling=True):
  mesh = plsc.VectorSubcoreMesh(core_axis_name="c", subcore_axis_name="s")
  out_type = [jax.ShapeDtypeStruct((NC, N_PAD, w), jnp.float32)]
  scratch = [
      pltpu.VMEM((NCHUNK, K), jnp.int32),
      pltpu.VMEM((NCHUNK, K), jnp.int32),
      pltpu.VMEM((K, w), jnp.float32),
      pltpu.VMEM((K, w), jnp.float32),
      pltpu.VMEM_SHARED((N_PAD, w), jnp.float32),
      pltpu.SemaphoreType.DMA,
      pltpu.SemaphoreType.DMA,
  ]
  if with_deg:
    out_type.append(jax.ShapeDtypeStruct((NC, N_PAD), jnp.float32))
    scratch += [
        pltpu.VMEM((K,), jnp.float32),
        pltpu.VMEM_SHARED((N_PAD,), jnp.float32),
    ]

  def body(*refs):
    if with_deg:
      (zrows, src, dst, p, ones, dzer, agg_out, deg_out,
       s_idx, d_idx, rows0, rows1, acc, sem0, sem1, ones_v, dacc) = refs
    else:
      (zrows, src, dst, p, agg_out,
       s_idx, d_idx, rows0, rows1, acc, sem0, sem1) = refs
    c = lax.axis_index("c")
    s = lax.axis_index("s")
    tid = c * NS + s
    row0 = s * RPT

    pltpu.sync_copy(src.at[tid], s_idx)
    pltpu.sync_copy(dst.at[tid], d_idx)
    pltpu.sync_copy(zrows, acc.at[pl.ds(row0, RPT)])
    if with_deg:
      pltpu.sync_copy(ones, ones_v)
      pltpu.sync_copy(dzer, dacc.at[pl.ds(row0, RPT)])
    plsc.subcore_barrier()

    def scat(j, r):
      pltpu.sync_copy(r, acc.at[d_idx.at[j]], add=True)
      if with_deg:
        pltpu.sync_copy(ones_v, dacc.at[d_idx.at[j]], add=True)

    U = 5
    buf = ((rows0, sem0), (rows1, sem1))

    def gath(j, b):
      r, sm = buf[b % 2]
      return pltpu.async_copy(p.at[s_idx.at[j]], r, sm)

    def chunks(i, carry):
      j0 = U * i
      g = [gath(j0, 0), gath(j0 + 1, 1)]
      for k in range(U):
        g[k].wait()
        scat(j0 + k, buf[k % 2][0])
        if k + 2 < U:
          g.append(gath(j0 + k + 2, k))
      return carry

    lax.fori_loop(0, NCHUNK // U, chunks, 0)
    plsc.subcore_barrier()

    pltpu.sync_copy(acc.at[pl.ds(row0, RPT)], agg_out.at[c, pl.ds(row0, RPT)])
    if with_deg:
      pltpu.sync_copy(dacc.at[pl.ds(row0, RPT)], deg_out.at[c, pl.ds(row0, RPT)])

  return pl.kernel(body, out_type=tuple(out_type), mesh=mesh,
                   scratch_types=scratch,
                   compiler_params=pltpu.CompilerParams(
                       use_tc_tiling_on_sc=tc_tiling))



def _entry_body(x, wn, ws, b, p, s):
  h = x[...]
  p[...] = jnp.dot(h, wn[...], preferred_element_type=jnp.float32)
  s[...] = jnp.dot(h, ws[...], preferred_element_type=jnp.float32) + b[...]


def _mid_body(sp, agg, deg, wn, ws, b, p, s):
  d = jnp.maximum(deg[:, 0:1] + deg[:, 1:2], 1.0)
  h = jnp.maximum(sp[...] + (agg[0] + agg[1]) / d, 0.0)
  p[...] = jnp.dot(h, wn[...], preferred_element_type=jnp.float32)
  s[...] = jnp.dot(h, ws[...], preferred_element_type=jnp.float32) + b[...]


def _fin_body(sp, agg, deg, out):
  d = jnp.maximum(deg[:, 0:1] + deg[:, 1:2], 1.0)
  out[...] = sp[...] + (agg[0] + agg[1]) / d


def _rows(w):
  return pl.BlockSpec((B_R, w), lambda i: (i, 0))


def _full(shape):
  return pl.BlockSpec(shape, lambda i: tuple(0 for _ in shape))


_GRID = N_PAD // B_R


def _entry_call(x, wn, ws, b, w_out):
  return pl.pallas_call(
      _entry_body,
      grid=(_GRID,),
      in_specs=[_rows(128), _full((128, w_out)), _full((128, w_out)),
                _full((1, w_out))],
      out_specs=[_rows(w_out), _rows(w_out)],
      out_shape=[jax.ShapeDtypeStruct((N_PAD, w_out), jnp.float32)] * 2,
  )(x, wn, ws, b)


def _mid_call(sp, agg, deg, wn, ws, b, w_in, w_out):
  return pl.pallas_call(
      _mid_body,
      grid=(_GRID,),
      in_specs=[_rows(w_in),
                pl.BlockSpec((NC, B_R, w_in), lambda i: (0, i, 0)),
                pl.BlockSpec((B_R, NC), lambda i: (i, 0)),
                _full((w_in, w_out)), _full((w_in, w_out)), _full((1, w_out))],
      out_specs=[_rows(w_out), _rows(w_out)],
      out_shape=[jax.ShapeDtypeStruct((N_PAD, w_out), jnp.float32)] * 2,
  )(sp, agg, deg, wn, ws, b)


def _fin_call(sp, agg, deg, w):
  return pl.pallas_call(
      _fin_body,
      grid=(_GRID,),
      in_specs=[_rows(w),
                pl.BlockSpec((NC, B_R, w), lambda i: (0, i, 0)),
                pl.BlockSpec((B_R, NC), lambda i: (i, 0))],
      out_specs=_rows(w),
      out_shape=jax.ShapeDtypeStruct((N_PAD, w), jnp.float32),
  )(sp, agg, deg)



def kernel(x, edge_index, Ws0, Wn0, b0, Ws1, Wn1, b1, Ws2, Wn2, b2):
  src = edge_index[0].reshape(NT, NCHUNK, K)
  dst = edge_index[1].reshape(NT, NCHUNK, K)
  xp = jnp.concatenate([x, jnp.zeros((N_PAD - N, D), jnp.float32)], axis=0)

  z128 = jnp.zeros((RPT, 128), jnp.float32)
  z64 = jnp.zeros((RPT, 64), jnp.float32)
  dzer = jnp.zeros((RPT,), jnp.float32)
  ones_k = jnp.ones((K,), jnp.float32)

  agg128_deg = _make_agg(128, True, tc_tiling=False)
  agg128 = _make_agg(128, False, tc_tiling=False)
  agg64 = _make_agg(64, False, tc_tiling=False)

  p0, s0 = _entry_call(xp, Wn0, Ws0, b0.reshape(1, -1), 128)
  agg0, degp = agg128_deg(z128, src, dst, p0, ones_k, dzer)
  degT = degp.T

  p1, s1 = _mid_call(s0, agg0, degT, Wn1, Ws1, b1.reshape(1, -1), 128, 128)
  (agg1,) = agg128(z128, src, dst, p1)

  p2, s2 = _mid_call(s1, agg1, degT, Wn2, Ws2, b2.reshape(1, -1), 128, 64)
  (agg2,) = agg64(z64, src, dst, p2)

  out = _fin_call(s2, agg2, degT, 64)
  return out[:N]

# --- scband reference (transcript-rebuilt; emitter-appended) ---
"""Pipeline reference for scband-sage-40991167873049 (READ-ONLY COPY).

The authoritative reference and input builder live on the scoring server;
editing this copy changes nothing except your own understanding.
"""

import jax, jax.numpy as jnp
import numpy as np

N = 10000
E = 320000
D = 128   # in_feats
H = 128   # n_hidden
C = 64    # n_classes
N_LAYERS = 3


def setup_inputs(seed: int = 0) -> dict:
    key = jax.random.key(seed)
    ks = jax.random.split(key, 12)
    x = jax.random.normal(ks[0], (N, D), dtype=jnp.float32)
    edge_index = jax.random.randint(ks[1], (2, E), 0, N, dtype=jnp.int32)
    dims = [(D, H), (H, H), (H, C)]
    inp = {"x": x, "edge_index": edge_index}
    for l, (din, dout) in enumerate(dims):
        scale = 1.0 / np.sqrt(din)
        inp[f"Ws{l}"] = jax.random.normal(ks[2 + 3 * l], (din, dout), dtype=jnp.float32) * scale
        inp[f"Wn{l}"] = jax.random.normal(ks[3 + 3 * l], (din, dout), dtype=jnp.float32) * scale
        inp[f"b{l}"] = jnp.zeros((dout,), dtype=jnp.float32)
    return inp


def reference(x, edge_index, Ws0, Wn0, b0, Ws1, Wn1, b1, Ws2, Wn2, b2):
    # DGL SAGEConv('mean') stack: h = fc_self(h_dst) + fc_neigh(mean_{src->dst} h_src) + b
    # Full-graph blocks: dst nodes == all nodes, same edge_index reused each layer.
    # Dropout is inference-mode (identity); activation = relu between layers.
    src = edge_index[0]
    dst = edge_index[1]
    params = [(Ws0, Wn0, b0), (Ws1, Wn1, b1), (Ws2, Wn2, b2)]
    h = x
    ones = jnp.ones((E,), dtype=x.dtype)
    deg = jax.ops.segment_sum(ones, dst, num_segments=N)
    deg = jnp.clip(deg, 1.0, None)
    for l, (Ws, Wn, b) in enumerate(params):
        m = jnp.take(h, src, axis=0)                       # gather src features per edge
        agg = jax.ops.segment_sum(m, dst, num_segments=N)  # scatter-add into dst
        h_neigh = agg / deg[:, None]                       # mean aggregation
        h = h @ Ws + h_neigh @ Wn + b
        if l != N_LAYERS - 1:
            h = jax.nn.relu(h)
    return h

if __name__ == "__main__":
    import jax
    _d = setup_inputs()
    print(jax.jit(kernel)(*tuple(_d.values())))

</pallas_src>

<mosaic_0001>
#map = affine_map<(d0, d1) -> (0, 0)>
#map1 = affine_map<(d0, d1) -> (0, 0, 0)>
module attributes {stable_mosaic.version = 14 : i64} {
  func.func @body(%arg0: i32, %arg1: i32, %arg2: memref<640x64xf32, #tpu.memory_space<hbm>>, %arg3: memref<32x125x80xi32, #tpu.memory_space<hbm>>, %arg4: memref<32x125x80xi32, #tpu.memory_space<hbm>>, %arg5: memref<10240x64xf32, #tpu.memory_space<hbm>>, %arg6: memref<2x10240x64xf32, #tpu.memory_space<hbm>>, %arg7: memref<125x80xi32, #tpu.memory_space<vmem>>, %arg8: memref<125x80xi32, #tpu.memory_space<vmem>>, %arg9: memref<80x64xf32, #tpu.memory_space<vmem>>, %arg10: memref<80x64xf32, #tpu.memory_space<vmem>>, %arg11: memref<10240x64xf32, #tpu.memory_space<vmem_shared>>, %arg12: memref<!tpu.dma_semaphore, #tpu.memory_space<semaphore_mem>>, %arg13: memref<!tpu.dma_semaphore, #tpu.memory_space<semaphore_mem>>) attributes {dimension_semantics = [#tpu.dimension_semantics<core_parallel>, #tpu.dimension_semantics<subcore_parallel>], iteration_bounds = array<i64: 2, 16>, scalar_prefetch = 0 : i64, scratch_operands = 7 : i64, tpu.core_type = #tpu.core_type<sc_vector_subcore>, window_params = [{transform_indices = #map}, {transform_indices = #map1}, {transform_indices = #map1}, {transform_indices = #map}, {transform_indices = #map1}]} {
    %mul3A = arith.constant 16 : i32
    %mul3A_0 = arith.muli %arg0, %mul3A : i32
    %add3A = arith.addi %mul3A_0, %arg1 : i32
    %mul3A_1 = arith.constant 640 : i32
    %mul3A_2 = arith.muli %arg1, %mul3A_1 : i32
    "tpu.region"() ({
      %run_scoped3A = tpu.sem_alloc : memref<!tpu.dma_semaphore, #tpu.memory_space<semaphore_mem>>
      %dma_start3A = arith.constant 0 : i32
      %dma_start3A_9 = arith.constant 0 : i32
      %dma_start3A_10 = tpu.memref_slice %arg3[%add3A, %dma_start3A, %dma_start3A_9] : memref<32x125x80xi32, #tpu.memory_space<hbm>> -> memref<1x125x80xi32, #tpu.memory_space<hbm>>
      %dma_start3A_11 = tpu.memref_squeeze %dma_start3A_10 : memref<1x125x80xi32, #tpu.memory_space<hbm>> -> memref<125x80xi32, #tpu.memory_space<hbm>>
      %dma_start3A_12 = arith.constant 0 : i32
      %dma_start3A_13 = arith.constant 0 : i32
      %dma_start3A_14 = tpu.memref_slice %arg3[%add3A, %dma_start3A_12, %dma_start3A_13] : memref<32x125x80xi32, #tpu.memory_space<hbm>> -> memref<1x125x80xi32, #tpu.memory_space<hbm>>
      %dma_start3A_15 = tpu.memref_squeeze %dma_start3A_14 : memref<1x125x80xi32, #tpu.memory_space<hbm>> -> memref<125x80xi32, #tpu.memory_space<hbm>>
      tpu.enqueue_dma source(%dma_start3A_15 : memref<125x80xi32, #tpu.memory_space<hbm>>) target(%arg7 : memref<125x80xi32, #tpu.memory_space<vmem>>) target_semaphore(%run_scoped3A : memref<!tpu.dma_semaphore, #tpu.memory_space<semaphore_mem>>)
      %dma_wait3A = arith.constant 0 : i32
      %dma_wait3A_16 = arith.constant 0 : i32
      %dma_wait3A_17 = tpu.memref_slice %arg3[%add3A, %dma_wait3A, %dma_wait3A_16] : memref<32x125x80xi32, #tpu.memory_space<hbm>> -> memref<1x125x80xi32, #tpu.memory_space<hbm>>
      %dma_wait3A_18 = tpu.memref_squeeze %dma_wait3A_17 : memref<1x125x80xi32, #tpu.memory_space<hbm>> -> memref<125x80xi32, #tpu.memory_space<hbm>>
      %dma_wait3A_19 = arith.constant 0 : i32
      %dma_wait3A_20 = arith.constant 0 : i32
      %dma_wait3A_21 = tpu.memref_slice %arg3[%add3A, %dma_wait3A_19, %dma_wait3A_20] : memref<32x125x80xi32, #tpu.memory_space<hbm>> -> memref<1x125x80xi32, #tpu.memory_space<hbm>>
      %dma_wait3A_22 = tpu.memref_squeeze %dma_wait3A_21 : memref<1x125x80xi32, #tpu.memory_space<hbm>> -> memref<125x80xi32, #tpu.memory_space<hbm>>
      tpu.wait_dma2 semaphore(%run_scoped3A : memref<!tpu.dma_semaphore, #tpu.memory_space<semaphore_mem>>) src(%dma_wait3A_22 : memref<125x80xi32, #tpu.memory_space<hbm>>) dst(%arg7 : memref<125x80xi32, #tpu.memory_space<vmem>>)
      tpu.yield
    }) : () -> ()
    "tpu.region"() ({
      %run_scoped3A = tpu.sem_alloc : memref<!tpu.dma_semaphore, #tpu.memory_space<semaphore_mem>>
      %dma_start3A = arith.constant 0 : i32
      %dma_start3A_9 = arith.constant 0 : i32
      %dma_start3A_10 = tpu.memref_slice %arg4[%add3A, %dma_start3A, %dma_start3A_9] : memref<32x125x80xi32, #tpu.memory_space<hbm>> -> memref<1x125x80xi32, #tpu.memory_space<hbm>>
      %dma_start3A_11 = tpu.memref_squeeze %dma_start3A_10 : memref<1x125x80xi32, #tpu.memory_space<hbm>> -> memref<125x80xi32, #tpu.memory_space<hbm>>
      %dma_start3A_12 = arith.constant 0 : i32
      %dma_start3A_13 = arith.constant 0 : i32
      %dma_start3A_14 = tpu.memref_slice %arg4[%add3A, %dma_start3A_12, %dma_start3A_13] : memref<32x125x80xi32, #tpu.memory_space<hbm>> -> memref<1x125x80xi32, #tpu.memory_space<hbm>>
      %dma_start3A_15 = tpu.memref_squeeze %dma_start3A_14 : memref<1x125x80xi32, #tpu.memory_space<hbm>> -> memref<125x80xi32, #tpu.memory_space<hbm>>
      tpu.enqueue_dma source(%dma_start3A_15 : memref<125x80xi32, #tpu.memory_space<hbm>>) target(%arg8 : memref<125x80xi32, #tpu.memory_space<vmem>>) target_semaphore(%run_scoped3A : memref<!tpu.dma_semaphore, #tpu.memory_space<semaphore_mem>>)
      %dma_wait3A = arith.constant 0 : i32
      %dma_wait3A_16 = arith.constant 0 : i32
      %dma_wait3A_17 = tpu.memref_slice %arg4[%add3A, %dma_wait3A, %dma_wait3A_16] : memref<32x125x80xi32, #tpu.memory_space<hbm>> -> memref<1x125x80xi32, #tpu.memory_space<hbm>>
      %dma_wait3A_18 = tpu.memref_squeeze %dma_wait3A_17 : memref<1x125x80xi32, #tpu.memory_space<hbm>> -> memref<125x80xi32, #tpu.memory_space<hbm>>
      %dma_wait3A_19 = arith.constant 0 : i32
      %dma_wait3A_20 = arith.constant 0 : i32
      %dma_wait3A_21 = tpu.memref_slice %arg4[%add3A, %dma_wait3A_19, %dma_wait3A_20] : memref<32x125x80xi32, #tpu.memory_space<hbm>> -> memref<1x125x80xi32, #tpu.memory_space<hbm>>
      %dma_wait3A_22 = tpu.memref_squeeze %dma_wait3A_21 : memref<1x125x80xi32, #tpu.memory_space<hbm>> -> memref<125x80xi32, #tpu.memory_space<hbm>>
      tpu.wait_dma2 semaphore(%run_scoped3A : memref<!tpu.dma_semaphore, #tpu.memory_space<semaphore_mem>>) src(%dma_wait3A_22 : memref<125x80xi32, #tpu.memory_space<hbm>>) dst(%arg8 : memref<125x80xi32, #tpu.memory_space<vmem>>)
      tpu.yield
    }) : () -> ()
    "tpu.region"() ({
      %run_scoped3A = tpu.sem_alloc : memref<!tpu.dma_semaphore, #tpu.memory_space<semaphore_mem>>
      %dma_start3A = arith.constant 0 : i32
      %dma_start3A_9 = tpu.memref_slice %arg11[%mul3A_2, %dma_start3A] : memref<10240x64xf32, #tpu.memory_space<vmem_shared>> -> memref<640x64xf32, #tpu.memory_space<vmem_shared>>
      tpu.enqueue_dma source(%arg2 : memref<640x64xf32, #tpu.memory_space<hbm>>) target(%dma_start3A_9 : memref<640x64xf32, #tpu.memory_space<vmem_shared>>) target_semaphore(%run_scoped3A : memref<!tpu.dma_semaphore, #tpu.memory_space<semaphore_mem>>)
      %dma_wait3A = arith.constant 0 : i32
      %dma_wait3A_10 = tpu.memref_slice %arg11[%mul3A_2, %dma_wait3A] : memref<10240x64xf32, #tpu.memory_space<vmem_shared>> -> memref<640x64xf32, #tpu.memory_space<vmem_shared>>
      tpu.wait_dma2 semaphore(%run_scoped3A : memref<!tpu.dma_semaphore, #tpu.memory_space<semaphore_mem>>) src(%arg2 : memref<640x64xf32, #tpu.memory_space<hbm>>) dst(%dma_wait3A_10 : memref<640x64xf32, #tpu.memory_space<vmem_shared>>)
      tpu.yield
    }) : () -> ()
    %barrier3A = arith.constant 0 : index
    tpu.barrier barrier_id(%barrier3A)
    %scan3A = arith.constant 0 : i32
    %scan3A_3 = arith.constant 0 : i32
    %scan3A_4 = arith.constant 25 : i32
    %scan3A_5 = arith.addi %scan3A_3, %scan3A_4 : i32
    %scan3A_6 = arith.constant 1 : i32
    scf.for %scan3A_9 = %scan3A_3 to %scan3A_5 step %scan3A_6  : i32 {
      %mul3A_10 = arith.constant 5 : i32
      %mul3A_11 = arith.muli %mul3A_10, %scan3A_9 : i32
      %dma_start3A = arith.constant 0 : i32
      %dma_start3A_12 = tpu.memref_slice %arg7[%mul3A_11, %dma_start3A] : memref<125x80xi32, #tpu.memory_space<vmem>> -> memref<1x80xi32, #tpu.memory_space<vmem>>
      %dma_start3A_13 = tpu.memref_squeeze %dma_start3A_12 : memref<1x80xi32, #tpu.memory_space<vmem>> -> memref<80xi32, #tpu.memory_space<vmem>>
      %dma_start3A_14 = arith.constant 0 : i32
      %dma_start3A_15 = arith.constant 0 : i32
      %dma_start3A_16 = tpu.memref_slice %arg5[%dma_start3A_14, %dma_start3A_15] : memref<10240x64xf32, #tpu.memory_space<hbm>> -> memref<10240x64xf32, #tpu.memory_space<hbm>>
      tpu.enqueue_indirect_dma source(%dma_start3A_16 : memref<10240x64xf32, #tpu.memory_space<hbm>>) target(%arg9 : memref<80x64xf32, #tpu.memory_space<vmem>>) offsets(%dma_start3A_13 : memref<80xi32, #tpu.memory_space<vmem>>) semaphore(%arg12 : memref<!tpu.dma_semaphore, #tpu.memory_space<semaphore_mem>>)
      %add3A_17 = arith.constant 1 : i32
      %add3A_18 = arith.addi %mul3A_11, %add3A_17 : i32
      %dma_start3A_19 = arith.constant 0 : i32
      %dma_start3A_20 = tpu.memref_slice %arg7[%add3A_18, %dma_start3A_19] : memref<125x80xi32, #tpu.memory_space<vmem>> -> memref<1x80xi32, #tpu.memory_space<vmem>>
      %dma_start3A_21 = tpu.memref_squeeze %dma_start3A_20 : memref<1x80xi32, #tpu.memory_space<vmem>> -> memref<80xi32, #tpu.memory_space<vmem>>
      %dma_start3A_22 = arith.constant 0 : i32
      %dma_start3A_23 = arith.constant 0 : i32
      %dma_start3A_24 = tpu.memref_slice %arg5[%dma_start3A_22, %dma_start3A_23] : memref<10240x64xf32, #tpu.memory_space<hbm>> -> memref<10240x64xf32, #tpu.memory_space<hbm>>
      tpu.enqueue_indirect_dma source(%dma_start3A_24 : memref<10240x64xf32, #tpu.memory_space<hbm>>) target(%arg10 : memref<80x64xf32, #tpu.memory_space<vmem>>) offsets(%dma_start3A_21 : memref<80xi32, #tpu.memory_space<vmem>>) semaphore(%arg13 : memref<!tpu.dma_semaphore, #tpu.memory_space<semaphore_mem>>)
      %dma_wait3A = arith.constant 0 : i32
      %dma_wait3A_25 = tpu.memref_slice %arg7[%mul3A_11, %dma_wait3A] : memref<125x80xi32, #tpu.memory_space<vmem>> -> memref<1x80xi32, #tpu.memory_space<vmem>>
      %dma_wait3A_26 = tpu.memref_squeeze %dma_wait3A_25 : memref<1x80xi32, #tpu.memory_space<vmem>> -> memref<80xi32, #tpu.memory_space<vmem>>
      %dma_wait3A_27 = arith.constant 0 : i32
      %dma_wait3A_28 = arith.constant 0 : i32
      %dma_wait3A_29 = tpu.memref_slice %arg5[%dma_wait3A_27, %dma_wait3A_28] : memref<10240x64xf32, #tpu.memory_space<hbm>> -> memref<10240x64xf32, #tpu.memory_space<hbm>>
      tpu.wait_indirect_dma semaphore(%arg12 : memref<!tpu.dma_semaphore, #tpu.memory_space<semaphore_mem>>) src(%dma_wait3A_29 : memref<10240x64xf32, #tpu.memory_space<hbm>>) dst(%arg9 : memref<80x64xf32, #tpu.memory_space<vmem>>)
      %add3A_30 = arith.constant 0 : i32
      %add3A_31 = arith.addi %mul3A_11, %add3A_30 : i32
      "tpu.region"() ({
        %run_scoped3A = tpu.sem_alloc : memref<!tpu.dma_semaphore, #tpu.memory_space<semaphore_mem>>
        %dma_start3A_94 = arith.constant 0 : i32
        %dma_start3A_95 = tpu.memref_slice %arg8[%add3A_31, %dma_start3A_94] : memref<125x80xi32, #tpu.memory_space<vmem>> -> memref<1x80xi32, #tpu.memory_space<vmem>>
        %dma_start3A_96 = tpu.memref_squeeze %dma_start3A_95 : memref<1x80xi32, #tpu.memory_space<vmem>> -> memref<80xi32, #tpu.memory_space<vmem>>
        %dma_start3A_97 = arith.constant 0 : i32
        %dma_start3A_98 = arith.constant 0 : i32
        %dma_start3A_99 = tpu.memref_slice %arg11[%dma_start3A_97, %dma_start3A_98] : memref<10240x64xf32, #tpu.memory_space<vmem_shared>> -> memref<10240x64xf32, #tpu.memory_space<vmem_shared>>
        tpu.enqueue_indirect_dma source(%arg9 : memref<80x64xf32, #tpu.memory_space<vmem>>) target(%dma_start3A_99 : memref<10240x64xf32, #tpu.memory_space<vmem_shared>>) offsets(%dma_start3A_96 : memref<80xi32, #tpu.memory_space<vmem>>) semaphore(%run_scoped3A : memref<!tpu.dma_semaphore, #tpu.memory_space<semaphore_mem>>) {add = true}
        %dma_wait3A_100 = arith.constant 0 : i32
        %dma_wait3A_101 = tpu.memref_slice %arg8[%add3A_31, %dma_wait3A_100] : memref<125x80xi32, #tpu.memory_space<vmem>> -> memref<1x80xi32, #tpu.memory_space<vmem>>
        %dma_wait3A_102 = tpu.memref_squeeze %dma_wait3A_101 : memref<1x80xi32, #tpu.memory_space<vmem>> -> memref<80xi32, #tpu.memory_space<vmem>>
        %dma_wait3A_103 = arith.constant 0 : i32
        %dma_wait3A_104 = arith.constant 0 : i32
        %dma_wait3A_105 = tpu.memref_slice %arg11[%dma_wait3A_103, %dma_wait3A_104] : memref<10240x64xf32, #tpu.memory_space<vmem_shared>> -> memref<10240x64xf32, #tpu.memory_space<vmem_shared>>
        tpu.wait_indirect_dma semaphore(%run_scoped3A : memref<!tpu.dma_semaphore, #tpu.memory_space<semaphore_mem>>) src(%arg9 : memref<80x64xf32, #tpu.memory_space<vmem>>) dst(%dma_wait3A_105 : memref<10240x64xf32, #tpu.memory_space<vmem_shared>>)
        tpu.yield
      }) : () -> ()
      %add3A_32 = arith.constant 0 : i32
      %add3A_33 = arith.addi %mul3A_11, %add3A_32 : i32
      %add3A_34 = arith.constant 2 : i32
      %add3A_35 = arith.addi %add3A_33, %add3A_34 : i32
      %dma_start3A_36 = arith.constant 0 : i32
      %dma_start3A_37 = tpu.memref_slice %arg7[%add3A_35, %dma_start3A_36] : memref<125x80xi32, #tpu.memory_space<vmem>> -> memref<1x80xi32, #tpu.memory_space<vmem>>
      %dma_start3A_38 = tpu.memref_squeeze %dma_start3A_37 : memref<1x80xi32, #tpu.memory_space<vmem>> -> memref<80xi32, #tpu.memory_space<vmem>>
      %dma_start3A_39 = arith.constant 0 : i32
      %dma_start3A_40 = arith.constant 0 : i32
      %dma_start3A_41 = tpu.memref_slice %arg5[%dma_start3A_39, %dma_start3A_40] : memref<10240x64xf32, #tpu.memory_space<hbm>> -> memref<10240x64xf32, #tpu.memory_space<hbm>>
      tpu.enqueue_indirect_dma source(%dma_start3A_41 : memref<10240x64xf32, #tpu.memory_space<hbm>>) target(%arg9 : memref<80x64xf32, #tpu.memory_space<vmem>>) offsets(%dma_start3A_38 : memref<80xi32, #tpu.memory_space<vmem>>) semaphore(%arg12 : memref<!tpu.dma_semaphore, #tpu.memory_space<semaphore_mem>>)
      %dma_wait3A_42 = arith.constant 0 : i32
      %dma_wait3A_43 = tpu.memref_slice %arg7[%add3A_18, %dma_wait3A_42] : memref<125x80xi32, #tpu.memory_space<vmem>> -> memref<1x80xi32, #tpu.memory_space<vmem>>
      %dma_wait3A_44 = tpu.memref_squeeze %dma_wait3A_43 : memref<1x80xi32, #tpu.memory_space<vmem>> -> memref<80xi32, #tpu.memory_space<vmem>>
      %dma_wait3A_45 = arith.constant 0 : i32
      %dma_wait3A_46 = arith.constant 0 : i32
      %dma_wait3A_47 = tpu.memref_slice %arg5[%dma_wait3A_45, %dma_wait3A_46] : memref<10240x64xf32, #tpu.memory_space<hbm>> -> memref<10240x64xf32, #tpu.memory_space<hbm>>
      tpu.wait_indirect_dma semaphore(%arg13 : memref<!tpu.dma_semaphore, #tpu.memory_space<semaphore_mem>>) src(%dma_wait3A_47 : memref<10240x64xf32, #tpu.memory_space<hbm>>) dst(%arg10 : memref<80x64xf32, #tpu.memory_space<vmem>>)
      %add3A_48 = arith.constant 1 : i32
      %add3A_49 = arith.addi %mul3A_11, %add3A_48 : i32
      "tpu.region"() ({
        %run_scoped3A = tpu.sem_alloc : memref<!tpu.dma_semaphore, #tpu.memory_space<semaphore_mem>>
        %dma_start3A_94 = arith.constant 0 : i32
        %dma_start3A_95 = tpu.memref_slice %arg8[%add3A_49, %dma_start3A_94] : memref<125x80xi32, #tpu.memory_space<vmem>> -> memref<1x80xi32, #tpu.memory_space<vmem>>
        %dma_start3A_96 = tpu.memref_squeeze %dma_start3A_95 : memref<1x80xi32, #tpu.memory_space<vmem>> -> memref<80xi32, #tpu.memory_space<vmem>>
        %dma_start3A_97 = arith.constant 0 : i32
        %dma_start3A_98 = arith.constant 0 : i32
        %dma_start3A_99 = tpu.memref_slice %arg11[%dma_start3A_97, %dma_start3A_98] : memref<10240x64xf32, #tpu.memory_space<vmem_shared>> -> memref<10240x64xf32, #tpu.memory_space<vmem_shared>>
        tpu.enqueue_indirect_dma source(%arg10 : memref<80x64xf32, #tpu.memory_space<vmem>>) target(%dma_start3A_99 : memref<10240x64xf32, #tpu.memory_space<vmem_shared>>) offsets(%dma_start3A_96 : memref<80xi32, #tpu.memory_space<vmem>>) semaphore(%run_scoped3A : memref<!tpu.dma_semaphore, #tpu.memory_space<semaphore_mem>>) {add = true}
        %dma_wait3A_100 = arith.constant 0 : i32
        %dma_wait3A_101 = tpu.memref_slice %arg8[%add3A_49, %dma_wait3A_100] : memref<125x80xi32, #tpu.memory_space<vmem>> -> memref<1x80xi32, #tpu.memory_space<vmem>>
        %dma_wait3A_102 = tpu.memref_squeeze %dma_wait3A_101 : memref<1x80xi32, #tpu.memory_space<vmem>> -> memref<80xi32, #tpu.memory_space<vmem>>
        %dma_wait3A_103 = arith.constant 0 : i32
        %dma_wait3A_104 = arith.constant 0 : i32
        %dma_wait3A_105 = tpu.memref_slice %arg11[%dma_wait3A_103, %dma_wait3A_104] : memref<10240x64xf32, #tpu.memory_space<vmem_shared>> -> memref<10240x64xf32, #tpu.memory_space<vmem_shared>>
        tpu.wait_indirect_dma semaphore(%run_scoped3A : memref<!tpu.dma_semaphore, #tpu.memory_space<semaphore_mem>>) src(%arg10 : memref<80x64xf32, #tpu.memory_space<vmem>>) dst(%dma_wait3A_105 : memref<10240x64xf32, #tpu.memory_space<vmem_shared>>)
        tpu.yield
      }) : () -> ()
      %add3A_50 = arith.constant 1 : i32
      %add3A_51 = arith.addi %mul3A_11, %add3A_50 : i32
      %add3A_52 = arith.constant 2 : i32
      %add3A_53 = arith.addi %add3A_51, %add3A_52 : i32
      %dma_start3A_54 = arith.constant 0 : i32
      %dma_start3A_55 = tpu.memref_slice %arg7[%add3A_53, %dma_start3A_54] : memref<125x80xi32, #tpu.memory_space<vmem>> -> memref<1x80xi32, #tpu.memory_space<vmem>>
      %dma_start3A_56 = tpu.memref_squeeze %dma_start3A_55 : memref<1x80xi32, #tpu.memory_space<vmem>> -> memref<80xi32, #tpu.memory_space<vmem>>
      %dma_start3A_57 = arith.constant 0 : i32
      %dma_start3A_58 = arith.constant 0 : i32
      %dma_start3A_59 = tpu.memref_slice %arg5[%dma_start3A_57, %dma_start3A_58] : memref<10240x64xf32, #tpu.memory_space<hbm>> -> memref<10240x64xf32, #tpu.memory_space<hbm>>
      tpu.enqueue_indirect_dma source(%dma_start3A_59 : memref<10240x64xf32, #tpu.memory_space<hbm>>) target(%arg10 : memref<80x64xf32, #tpu.memory_space<vmem>>) offsets(%dma_start3A_56 : memref<80xi32, #tpu.memory_space<vmem>>) semaphore(%arg13 : memref<!tpu.dma_semaphore, #tpu.memory_space<semaphore_mem>>)
      %dma_wait3A_60 = arith.constant 0 : i32
      %dma_wait3A_61 = tpu.memref_slice %arg7[%add3A_35, %dma_wait3A_60] : memref<125x80xi32, #tpu.memory_space<vmem>> -> memref<1x80xi32, #tpu.memory_space<vmem>>
      %dma_wait3A_62 = tpu.memref_squeeze %dma_wait3A_61 : memref<1x80xi32, #tpu.memory_space<vmem>> -> memref<80xi32, #tpu.memory_space<vmem>>
      %dma_wait3A_63 = arith.constant 0 : i32
      %dma_wait3A_64 = arith.constant 0 : i32
      %dma_wait3A_65 = tpu.memref_slice %arg5[%dma_wait3A_63, %dma_wait3A_64] : memref<10240x64xf32, #tpu.memory_space<hbm>> -> memref<10240x64xf32, #tpu.memory_space<hbm>>
      tpu.wait_indirect_dma semaphore(%arg12 : memref<!tpu.dma_semaphore, #tpu.memory_space<semaphore_mem>>) src(%dma_wait3A_65 : memref<10240x64xf32, #tpu.memory_space<hbm>>) dst(%arg9 : memref<80x64xf32, #tpu.memory_space<vmem>>)
      %add3A_66 = arith.constant 2 : i32
      %add3A_67 = arith.addi %mul3A_11, %add3A_66 : i32
      "tpu.region"() ({
        %run_scoped3A = tpu.sem_alloc : memref<!tpu.dma_semaphore, #tpu.memory_space<semaphore_mem>>
        %dma_start3A_94 = arith.constant 0 : i32
        %dma_start3A_95 = tpu.memref_slice %arg8[%add3A_67, %dma_start3A_94] : memref<125x80xi32, #tpu.memory_space<vmem>> -> memref<1x80xi32, #tpu.memory_space<vmem>>
        %dma_start3A_96 = tpu.memref_squeeze %dma_start3A_95 : memref<1x80xi32, #tpu.memory_space<vmem>> -> memref<80xi32, #tpu.memory_space<vmem>>
        %dma_start3A_97 = arith.constant 0 : i32
        %dma_start3A_98 = arith.constant 0 : i32
        %dma_start3A_99 = tpu.memref_slice %arg11[%dma_start3A_97, %dma_start3A_98] : memref<10240x64xf32, #tpu.memory_space<vmem_shared>> -> memref<10240x64xf32, #tpu.memory_space<vmem_shared>>
        tpu.enqueue_indirect_dma source(%arg9 : memref<80x64xf32, #tpu.memory_space<vmem>>) target(%dma_start3A_99 : memref<10240x64xf32, #tpu.memory_space<vmem_shared>>) offsets(%dma_start3A_96 : memref<80xi32, #tpu.memory_space<vmem>>) semaphore(%run_scoped3A : memref<!tpu.dma_semaphore, #tpu.memory_space<semaphore_mem>>) {add = true}
        %dma_wait3A_100 = arith.constant 0 : i32
        %dma_wait3A_101 = tpu.memref_slice %arg8[%add3A_67, %dma_wait3A_100] : memref<125x80xi32, #tpu.memory_space<vmem>> -> memref<1x80xi32, #tpu.memory_space<vmem>>
        %dma_wait3A_102 = tpu.memref_squeeze %dma_wait3A_101 : memref<1x80xi32, #tpu.memory_space<vmem>> -> memref<80xi32, #tpu.memory_space<vmem>>
        %dma_wait3A_103 = arith.constant 0 : i32
        %dma_wait3A_104 = arith.constant 0 : i32
        %dma_wait3A_105 = tpu.memref_slice %arg11[%dma_wait3A_103, %dma_wait3A_104] : memref<10240x64xf32, #tpu.memory_space<vmem_shared>> -> memref<10240x64xf32, #tpu.memory_space<vmem_shared>>
        tpu.wait_indirect_dma semaphore(%run_scoped3A : memref<!tpu.dma_semaphore, #tpu.memory_space<semaphore_mem>>) src(%arg9 : memref<80x64xf32, #tpu.memory_space<vmem>>) dst(%dma_wait3A_105 : memref<10240x64xf32, #tpu.memory_space<vmem_shared>>)
        tpu.yield
      }) : () -> ()
      %add3A_68 = arith.constant 2 : i32
      %add3A_69 = arith.addi %mul3A_11, %add3A_68 : i32
      %add3A_70 = arith.constant 2 : i32
      %add3A_71 = arith.addi %add3A_69, %add3A_70 : i32
      %dma_start3A_72 = arith.constant 0 : i32
      %dma_start3A_73 = tpu.memref_slice %arg7[%add3A_71, %dma_start3A_72] : memref<125x80xi32, #tpu.memory_space<vmem>> -> memref<1x80xi32, #tpu.memory_space<vmem>>
      %dma_start3A_74 = tpu.memref_squeeze %dma_start3A_73 : memref<1x80xi32, #tpu.memory_space<vmem>> -> memref<80xi32, #tpu.memory_space<vmem>>
      %dma_start3A_75 = arith.constant 0 : i32
      %dma_start3A_76 = arith.constant 0 : i32
      %dma_start3A_77 = tpu.memref_slice %arg5[%dma_start3A_75, %dma_start3A_76] : memref<10240x64xf32, #tpu.memory_space<hbm>> -> memref<10240x64xf32, #tpu.memory_space<hbm>>
      tpu.enqueue_indirect_dma source(%dma_start3A_77 : memref<10240x64xf32, #tpu.memory_space<hbm>>) target(%arg9 : memref<80x64xf32, #tpu.memory_space<vmem>>) offsets(%dma_start3A_74 : memref<80xi32, #tpu.memory_space<vmem>>) semaphore(%arg12 : memref<!tpu.dma_semaphore, #tpu.memory_space<semaphore_mem>>)
      %dma_wait3A_78 = arith.constant 0 : i32
      %dma_wait3A_79 = tpu.memref_slice %arg7[%add3A_53, %dma_wait3A_78] : memref<125x80xi32, #tpu.memory_space<vmem>> -> memref<1x80xi32, #tpu.memory_space<vmem>>
      %dma_wait3A_80 = tpu.memref_squeeze %dma_wait3A_79 : memref<1x80xi32, #tpu.memory_space<vmem>> -> memref<80xi32, #tpu.memory_space<vmem>>
      %dma_wait3A_81 = arith.constant 0 : i32
      %dma_wait3A_82 = arith.constant 0 : i32
      %dma_wait3A_83 = tpu.memref_slice %arg5[%dma_wait3A_81, %dma_wait3A_82] : memref<10240x64xf32, #tpu.memory_space<hbm>> -> memref<10240x64xf32, #tpu.memory_space<hbm>>
      tpu.wait_indirect_dma semaphore(%arg13 : memref<!tpu.dma_semaphore, #tpu.memory_space<semaphore_mem>>) src(%dma_wait3A_83 : memref<10240x64xf32, #tpu.memory_space<hbm>>) dst(%arg10 : memref<80x64xf32, #tpu.memory_space<vmem>>)
      %add3A_84 = arith.constant 3 : i32
      %add3A_85 = arith.addi %mul3A_11, %add3A_84 : i32
      "tpu.region"() ({
        %run_scoped3A = tpu.sem_alloc : memref<!tpu.dma_semaphore, #tpu.memory_space<semaphore_mem>>
        %dma_start3A_94 = arith.constant 0 : i32
        %dma_start3A_95 = tpu.memref_slice %arg8[%add3A_85, %dma_start3A_94] : memref<125x80xi32, #tpu.memory_space<vmem>> -> memref<1x80xi32, #tpu.memory_space<vmem>>
        %dma_start3A_96 = tpu.memref_squeeze %dma_start3A_95 : memref<1x80xi32, #tpu.memory_space<vmem>> -> memref<80xi32, #tpu.memory_space<vmem>>
        %dma_start3A_97 = arith.constant 0 : i32
        %dma_start3A_98 = arith.constant 0 : i32
        %dma_start3A_99 = tpu.memref_slice %arg11[%dma_start3A_97, %dma_start3A_98] : memref<10240x64xf32, #tpu.memory_space<vmem_shared>> -> memref<10240x64xf32, #tpu.memory_space<vmem_shared>>
        tpu.enqueue_indirect_dma source(%arg10 : memref<80x64xf32, #tpu.memory_space<vmem>>) target(%dma_start3A_99 : memref<10240x64xf32, #tpu.memory_space<vmem_shared>>) offsets(%dma_start3A_96 : memref<80xi32, #tpu.memory_space<vmem>>) semaphore(%run_scoped3A : memref<!tpu.dma_semaphore, #tpu.memory_space<semaphore_mem>>) {add = true}
        %dma_wait3A_100 = arith.constant 0 : i32
        %dma_wait3A_101 = tpu.memref_slice %arg8[%add3A_85, %dma_wait3A_100] : memref<125x80xi32, #tpu.memory_space<vmem>> -> memref<1x80xi32, #tpu.memory_space<vmem>>
        %dma_wait3A_102 = tpu.memref_squeeze %dma_wait3A_101 : memref<1x80xi32, #tpu.memory_space<vmem>> -> memref<80xi32, #tpu.memory_space<vmem>>
        %dma_wait3A_103 = arith.constant 0 : i32
        %dma_wait3A_104 = arith.constant 0 : i32
        %dma_wait3A_105 = tpu.memref_slice %arg11[%dma_wait3A_103, %dma_wait3A_104] : memref<10240x64xf32, #tpu.memory_space<vmem_shared>> -> memref<10240x64xf32, #tpu.memory_space<vmem_shared>>
        tpu.wait_indirect_dma semaphore(%run_scoped3A : memref<!tpu.dma_semaphore, #tpu.memory_space<semaphore_mem>>) src(%arg10 : memref<80x64xf32, #tpu.memory_space<vmem>>) dst(%dma_wait3A_105 : memref<10240x64xf32, #tpu.memory_space<vmem_shared>>)
        tpu.yield
      }) : () -> ()
      %dma_wait3A_86 = arith.constant 0 : i32
      %dma_wait3A_87 = tpu.memref_slice %arg7[%add3A_71, %dma_wait3A_86] : memref<125x80xi32, #tpu.memory_space<vmem>> -> memref<1x80xi32, #tpu.memory_space<vmem>>
      %dma_wait3A_88 = tpu.memref_squeeze %dma_wait3A_87 : memref<1x80xi32, #tpu.memory_space<vmem>> -> memref<80xi32, #tpu.memory_space<vmem>>
      %dma_wait3A_89 = arith.constant 0 : i32
      %dma_wait3A_90 = arith.constant 0 : i32
      %dma_wait3A_91 = tpu.memref_slice %arg5[%dma_wait3A_89, %dma_wait3A_90] : memref<10240x64xf32, #tpu.memory_space<hbm>> -> memref<10240x64xf32, #tpu.memory_space<hbm>>
      tpu.wait_indirect_dma semaphore(%arg12 : memref<!tpu.dma_semaphore, #tpu.memory_space<semaphore_mem>>) src(%dma_wait3A_91 : memref<10240x64xf32, #tpu.memory_space<hbm>>) dst(%arg9 : memref<80x64xf32, #tpu.memory_space<vmem>>)
      %add3A_92 = arith.constant 4 : i32
      %add3A_93 = arith.addi %mul3A_11, %add3A_92 : i32
      "tpu.region"() ({
        %run_scoped3A = tpu.sem_alloc : memref<!tpu.dma_semaphore, #tpu.memory_space<semaphore_mem>>
        %dma_start3A_94 = arith.constant 0 : i32
        %dma_start3A_95 = tpu.memref_slice %arg8[%add3A_93, %dma_start3A_94] : memref<125x80xi32, #tpu.memory_space<vmem>> -> memref<1x80xi32, #tpu.memory_space<vmem>>
        %dma_start3A_96 = tpu.memref_squeeze %dma_start3A_95 : memref<1x80xi32, #tpu.memory_space<vmem>> -> memref<80xi32, #tpu.memory_space<vmem>>
        %dma_start3A_97 = arith.constant 0 : i32
        %dma_start3A_98 = arith.constant 0 : i32
        %dma_start3A_99 = tpu.memref_slice %arg11[%dma_start3A_97, %dma_start3A_98] : memref<10240x64xf32, #tpu.memory_space<vmem_shared>> -> memref<10240x64xf32, #tpu.memory_space<vmem_shared>>
        tpu.enqueue_indirect_dma source(%arg9 : memref<80x64xf32, #tpu.memory_space<vmem>>) target(%dma_start3A_99 : memref<10240x64xf32, #tpu.memory_space<vmem_shared>>) offsets(%dma_start3A_96 : memref<80xi32, #tpu.memory_space<vmem>>) semaphore(%run_scoped3A : memref<!tpu.dma_semaphore, #tpu.memory_space<semaphore_mem>>) {add = true}
        %dma_wait3A_100 = arith.constant 0 : i32
        %dma_wait3A_101 = tpu.memref_slice %arg8[%add3A_93, %dma_wait3A_100] : memref<125x80xi32, #tpu.memory_space<vmem>> -> memref<1x80xi32, #tpu.memory_space<vmem>>
        %dma_wait3A_102 = tpu.memref_squeeze %dma_wait3A_101 : memref<1x80xi32, #tpu.memory_space<vmem>> -> memref<80xi32, #tpu.memory_space<vmem>>
        %dma_wait3A_103 = arith.constant 0 : i32
        %dma_wait3A_104 = arith.constant 0 : i32
        %dma_wait3A_105 = tpu.memref_slice %arg11[%dma_wait3A_103, %dma_wait3A_104] : memref<10240x64xf32, #tpu.memory_space<vmem_shared>> -> memref<10240x64xf32, #tpu.memory_space<vmem_shared>>
        tpu.wait_indirect_dma semaphore(%run_scoped3A : memref<!tpu.dma_semaphore, #tpu.memory_space<semaphore_mem>>) src(%arg9 : memref<80x64xf32, #tpu.memory_space<vmem>>) dst(%dma_wait3A_105 : memref<10240x64xf32, #tpu.memory_space<vmem_shared>>)
        tpu.yield
      }) : () -> ()
    }
    %scan3A_7 = arith.constant 25 : i32
    %barrier3A_8 = arith.constant 0 : index
    tpu.barrier barrier_id(%barrier3A_8)
    "tpu.region"() ({
      %run_scoped3A = tpu.sem_alloc : memref<!tpu.dma_semaphore, #tpu.memory_space<semaphore_mem>>
      %dma_start3A = arith.constant 0 : i32
      %dma_start3A_9 = tpu.memref_slice %arg6[%arg0, %mul3A_2, %dma_start3A] : memref<2x10240x64xf32, #tpu.memory_space<hbm>> -> memref<1x640x64xf32, #tpu.memory_space<hbm>>
      %dma_start3A_10 = tpu.memref_squeeze %dma_start3A_9 : memref<1x640x64xf32, #tpu.memory_space<hbm>> -> memref<640x64xf32, #tpu.memory_space<hbm>>
      %dma_start3A_11 = arith.constant 0 : i32
      %dma_start3A_12 = tpu.memref_slice %arg11[%mul3A_2, %dma_start3A_11] : memref<10240x64xf32, #tpu.memory_space<vmem_shared>> -> memref<640x64xf32, #tpu.memory_space<vmem_shared>>
      tpu.enqueue_dma source(%dma_start3A_12 : memref<640x64xf32, #tpu.memory_space<vmem_shared>>) target(%dma_start3A_10 : memref<640x64xf32, #tpu.memory_space<hbm>>) target_semaphore(%run_scoped3A : memref<!tpu.dma_semaphore, #tpu.memory_space<semaphore_mem>>)
      %dma_wait3A = arith.constant 0 : i32
      %dma_wait3A_13 = tpu.memref_slice %arg6[%arg0, %mul3A_2, %dma_wait3A] : memref<2x10240x64xf32, #tpu.memory_space<hbm>> -> memref<1x640x64xf32, #tpu.memory_space<hbm>>
      %dma_wait3A_14 = tpu.memref_squeeze %dma_wait3A_13 : memref<1x640x64xf32, #tpu.memory_space<hbm>> -> memref<640x64xf32, #tpu.memory_space<hbm>>
      %dma_wait3A_15 = arith.constant 0 : i32
      %dma_wait3A_16 = tpu.memref_slice %arg11[%mul3A_2, %dma_wait3A_15] : memref<10240x64xf32, #tpu.memory_space<vmem_shared>> -> memref<640x64xf32, #tpu.memory_space<vmem_shared>>
      tpu.wait_dma2 semaphore(%run_scoped3A : memref<!tpu.dma_semaphore, #tpu.memory_space<semaphore_mem>>) src(%dma_wait3A_16 : memref<640x64xf32, #tpu.memory_space<vmem_shared>>) dst(%dma_wait3A_14 : memref<640x64xf32, #tpu.memory_space<hbm>>)
      tpu.yield
    }) : () -> ()
    return
  }
}

#map = affine_map<(d0, d1) -> (0, 0)>
#map1 = affine_map<(d0, d1) -> (0, 0, 0)>
module attributes {stable_mosaic.version = 14 : i64} {
  func.func @body(%arg0: i32, %arg1: i32, %arg2: memref<640x128xf32, #tpu.memory_space<hbm>>, %arg3: memref<32x125x80xi32, #tpu.memory_space<hbm>>, %arg4: memref<32x125x80xi32, #tpu.memory_space<hbm>>, %arg5: memref<10240x128xf32, #tpu.memory_space<hbm>>, %arg6: memref<2x10240x128xf32, #tpu.memory_space<hbm>>, %arg7: memref<125x80xi32, #tpu.memory_space<vmem>>, %arg8: memref<125x80xi32, #tpu.memory_space<vmem>>, %arg9: memref<80x128xf32, #tpu.memory_space<vmem>>, %arg10: memref<80x128xf32, #tpu.memory_space<vmem>>, %arg11: memref<10240x128xf32, #tpu.memory_space<vmem_shared>>, %arg12: memref<!tpu.dma_semaphore, #tpu.memory_space<semaphore_mem>>, %arg13: memref<!tpu.dma_semaphore, #tpu.memory_space<semaphore_mem>>) attributes {dimension_semantics = [#tpu.dimension_semantics<core_parallel>, #tpu.dimension_semantics<subcore_parallel>], iteration_bounds = array<i64: 2, 16>, scalar_prefetch = 0 : i64, scratch_operands = 7 : i64, tpu.core_type = #tpu.core_type<sc_vector_subcore>, window_params = [{transform_indices = #map}, {transform_indices = #map1}, {transform_indices = #map1}, {transform_indices = #map}, {transform_indices = #map1}]} {
    %mul3A = arith.constant 16 : i32
    %mul3A_0 = arith.muli %arg0, %mul3A : i32
    %add3A = arith.addi %mul3A_0, %arg1 : i32
    %mul3A_1 = arith.constant 640 : i32
    %mul3A_2 = arith.muli %arg1, %mul3A_1 : i32
    "tpu.region"() ({
      %run_scoped3A = tpu.sem_alloc : memref<!tpu.dma_semaphore, #tpu.memory_space<semaphore_mem>>
      %dma_start3A = arith.constant 0 : i32
      %dma_start3A_9 = arith.constant 0 : i32
      %dma_start3A_10 = tpu.memref_slice %arg3[%add3A, %dma_start3A, %dma_start3A_9] : memref<32x125x80xi32, #tpu.memory_space<hbm>> -> memref<1x125x80xi32, #tpu.memory_space<hbm>>
      %dma_start3A_11 = tpu.memref_squeeze %dma_start3A_10 : memref<1x125x80xi32, #tpu.memory_space<hbm>> -> memref<125x80xi32, #tpu.memory_space<hbm>>
      %dma_start3A_12 = arith.constant 0 : i32
      %dma_start3A_13 = arith.constant 0 : i32
      %dma_start3A_14 = tpu.memref_slice %arg3[%add3A, %dma_start3A_12, %dma_start3A_13] : memref<32x125x80xi32, #tpu.memory_space<hbm>> -> memref<1x125x80xi32, #tpu.memory_space<hbm>>
      %dma_start3A_15 = tpu.memref_squeeze %dma_start3A_14 : memref<1x125x80xi32, #tpu.memory_space<hbm>> -> memref<125x80xi32, #tpu.memory_space<hbm>>
      tpu.enqueue_dma source(%dma_start3A_15 : memref<125x80xi32, #tpu.memory_space<hbm>>) target(%arg7 : memref<125x80xi32, #tpu.memory_space<vmem>>) target_semaphore(%run_scoped3A : memref<!tpu.dma_semaphore, #tpu.memory_space<semaphore_mem>>)
      %dma_wait3A = arith.constant 0 : i32
      %dma_wait3A_16 = arith.constant 0 : i32
      %dma_wait3A_17 = tpu.memref_slice %arg3[%add3A, %dma_wait3A, %dma_wait3A_16] : memref<32x125x80xi32, #tpu.memory_space<hbm>> -> memref<1x125x80xi32, #tpu.memory_space<hbm>>
      %dma_wait3A_18 = tpu.memref_squeeze %dma_wait3A_17 : memref<1x125x80xi32, #tpu.memory_space<hbm>> -> memref<125x80xi32, #tpu.memory_space<hbm>>
      %dma_wait3A_19 = arith.constant 0 : i32
      %dma_wait3A_20 = arith.constant 0 : i32
      %dma_wait3A_21 = tpu.memref_slice %arg3[%add3A, %dma_wait3A_19, %dma_wait3A_20] : memref<32x125x80xi32, #tpu.memory_space<hbm>> -> memref<1x125x80xi32, #tpu.memory_space<hbm>>
      %dma_wait3A_22 = tpu.memref_squeeze %dma_wait3A_21 : memref<1x125x80xi32, #tpu.memory_space<hbm>> -> memref<125x80xi32, #tpu.memory_space<hbm>>
      tpu.wait_dma2 semaphore(%run_scoped3A : memref<!tpu.dma_semaphore, #tpu.memory_space<semaphore_mem>>) src(%dma_wait3A_22 : memref<125x80xi32, #tpu.memory_space<hbm>>) dst(%arg7 : memref<125x80xi32, #tpu.memory_space<vmem>>)
      tpu.yield
    }) : () -> ()
    "tpu.region"() ({
      %run_scoped3A = tpu.sem_alloc : memref<!tpu.dma_semaphore, #tpu.memory_space<semaphore_mem>>
      %dma_start3A = arith.constant 0 : i32
      %dma_start3A_9 = arith.constant 0 : i32
      %dma_start3A_10 = tpu.memref_slice %arg4[%add3A, %dma_start3A, %dma_start3A_9] : memref<32x125x80xi32, #tpu.memory_space<hbm>> -> memref<1x125x80xi32, #tpu.memory_space<hbm>>
      %dma_start3A_11 = tpu.memref_squeeze %dma_start3A_10 : memref<1x125x80xi32, #tpu.memory_space<hbm>> -> memref<125x80xi32, #tpu.memory_space<hbm>>
      %dma_start3A_12 = arith.constant 0 : i32
      %dma_start3A_13 = arith.constant 0 : i32
      %dma_start3A_14 = tpu.memref_slice %arg4[%add3A, %dma_start3A_12, %dma_start3A_13] : memref<32x125x80xi32, #tpu.memory_space<hbm>> -> memref<1x125x80xi32, #tpu.memory_space<hbm>>
      %dma_start3A_15 = tpu.memref_squeeze %dma_start3A_14 : memref<1x125x80xi32, #tpu.memory_space<hbm>> -> memref<125x80xi32, #tpu.memory_space<hbm>>
      tpu.enqueue_dma source(%dma_start3A_15 : memref<125x80xi32, #tpu.memory_space<hbm>>) target(%arg8 : memref<125x80xi32, #tpu.memory_space<vmem>>) target_semaphore(%run_scoped3A : memref<!tpu.dma_semaphore, #tpu.memory_space<semaphore_mem>>)
      %dma_wait3A = arith.constant 0 : i32
      %dma_wait3A_16 = arith.constant 0 : i32
      %dma_wait3A_17 = tpu.memref_slice %arg4[%add3A, %dma_wait3A, %dma_wait3A_16] : memref<32x125x80xi32, #tpu.memory_space<hbm>> -> memref<1x125x80xi32, #tpu.memory_space<hbm>>
      %dma_wait3A_18 = tpu.memref_squeeze %dma_wait3A_17 : memref<1x125x80xi32, #tpu.memory_space<hbm>> -> memref<125x80xi32, #tpu.memory_space<hbm>>
      %dma_wait3A_19 = arith.constant 0 : i32
      %dma_wait3A_20 = arith.constant 0 : i32
      %dma_wait3A_21 = tpu.memref_slice %arg4[%add3A, %dma_wait3A_19, %dma_wait3A_20] : memref<32x125x80xi32, #tpu.memory_space<hbm>> -> memref<1x125x80xi32, #tpu.memory_space<hbm>>
      %dma_wait3A_22 = tpu.memref_squeeze %dma_wait3A_21 : memref<1x125x80xi32, #tpu.memory_space<hbm>> -> memref<125x80xi32, #tpu.memory_space<hbm>>
      tpu.wait_dma2 semaphore(%run_scoped3A : memref<!tpu.dma_semaphore, #tpu.memory_space<semaphore_mem>>) src(%dma_wait3A_22 : memref<125x80xi32, #tpu.memory_space<hbm>>) dst(%arg8 : memref<125x80xi32, #tpu.memory_space<vmem>>)
      tpu.yield
    }) : () -> ()
    "tpu.region"() ({
      %run_scoped3A = tpu.sem_alloc : memref<!tpu.dma_semaphore, #tpu.memory_space<semaphore_mem>>
      %dma_start3A = arith.constant 0 : i32
      %dma_start3A_9 = tpu.memref_slice %arg11[%mul3A_2, %dma_start3A] : memref<10240x128xf32, #tpu.memory_space<vmem_shared>> -> memref<640x128xf32, #tpu.memory_space<vmem_shared>>
      tpu.enqueue_dma source(%arg2 : memref<640x128xf32, #tpu.memory_space<hbm>>) target(%dma_start3A_9 : memref<640x128xf32, #tpu.memory_space<vmem_shared>>) target_semaphore(%run_scoped3A : memref<!tpu.dma_semaphore, #tpu.memory_space<semaphore_mem>>)
      %dma_wait3A = arith.constant 0 : i32
      %dma_wait3A_10 = tpu.memref_slice %arg11[%mul3A_2, %dma_wait3A] : memref<10240x128xf32, #tpu.memory_space<vmem_shared>> -> memref<640x128xf32, #tpu.memory_space<vmem_shared>>
      tpu.wait_dma2 semaphore(%run_scoped3A : memref<!tpu.dma_semaphore, #tpu.memory_space<semaphore_mem>>) src(%arg2 : memref<640x128xf32, #tpu.memory_space<hbm>>) dst(%dma_wait3A_10 : memref<640x128xf32, #tpu.memory_space<vmem_shared>>)
      tpu.yield
    }) : () -> ()
    %barrier3A = arith.constant 0 : index
    tpu.barrier barrier_id(%barrier3A)
    %scan3A = arith.constant 0 : i32
    %scan3A_3 = arith.constant 0 : i32
    %scan3A_4 = arith.constant 25 : i32
    %scan3A_5 = arith.addi %scan3A_3, %scan3A_4 : i32
    %scan3A_6 = arith.constant 1 : i32
    scf.for %scan3A_9 = %scan3A_3 to %scan3A_5 step %scan3A_6  : i32 {
      %mul3A_10 = arith.constant 5 : i32
      %mul3A_11 = arith.muli %mul3A_10, %scan3A_9 : i32
      %dma_start3A = arith.constant 0 : i32
      %dma_start3A_12 = tpu.memref_slice %arg7[%mul3A_11, %dma_start3A] : memref<125x80xi32, #tpu.memory_space<vmem>> -> memref<1x80xi32, #tpu.memory_space<vmem>>
      %dma_start3A_13 = tpu.memref_squeeze %dma_start3A_12 : memref<1x80xi32, #tpu.memory_space<vmem>> -> memref<80xi32, #tpu.memory_space<vmem>>
      %dma_start3A_14 = arith.constant 0 : i32
      %dma_start3A_15 = arith.constant 0 : i32
      %dma_start3A_16 = tpu.memref_slice %arg5[%dma_start3A_14, %dma_start3A_15] : memref<10240x128xf32, #tpu.memory_space<hbm>> -> memref<10240x128xf32, #tpu.memory_space<hbm>>
      tpu.enqueue_indirect_dma source(%dma_start3A_16 : memref<10240x128xf32, #tpu.memory_space<hbm>>) target(%arg9 : memref<80x128xf32, #tpu.memory_space<vmem>>) offsets(%dma_start3A_13 : memref<80xi32, #tpu.memory_space<vmem>>) semaphore(%arg12 : memref<!tpu.dma_semaphore, #tpu.memory_space<semaphore_mem>>)
      %add3A_17 = arith.constant 1 : i32
      %add3A_18 = arith.addi %mul3A_11, %add3A_17 : i32
      %dma_start3A_19 = arith.constant 0 : i32
      %dma_start3A_20 = tpu.memref_slice %arg7[%add3A_18, %dma_start3A_19] : memref<125x80xi32, #tpu.memory_space<vmem>> -> memref<1x80xi32, #tpu.memory_space<vmem>>
      %dma_start3A_21 = tpu.memref_squeeze %dma_start3A_20 : memref<1x80xi32, #tpu.memory_space<vmem>> -> memref<80xi32, #tpu.memory_space<vmem>>
      %dma_start3A_22 = arith.constant 0 : i32
      %dma_start3A_23 = arith.constant 0 : i32
      %dma_start3A_24 = tpu.memref_slice %arg5[%dma_start3A_22, %dma_start3A_23] : memref<10240x128xf32, #tpu.memory_space<hbm>> -> memref<10240x128xf32, #tpu.memory_space<hbm>>
      tpu.enqueue_indirect_dma source(%dma_start3A_24 : memref<10240x128xf32, #tpu.memory_space<hbm>>) target(%arg10 : memref<80x128xf32, #tpu.memory_space<vmem>>) offsets(%dma_start3A_21 : memref<80xi32, #tpu.memory_space<vmem>>) semaphore(%arg13 : memref<!tpu.dma_semaphore, #tpu.memory_space<semaphore_mem>>)
      %dma_wait3A = arith.constant 0 : i32
      %dma_wait3A_25 = tpu.memref_slice %arg7[%mul3A_11, %dma_wait3A] : memref<125x80xi32, #tpu.memory_space<vmem>> -> memref<1x80xi32, #tpu.memory_space<vmem>>
      %dma_wait3A_26 = tpu.memref_squeeze %dma_wait3A_25 : memref<1x80xi32, #tpu.memory_space<vmem>> -> memref<80xi32, #tpu.memory_space<vmem>>
      %dma_wait3A_27 = arith.constant 0 : i32
      %dma_wait3A_28 = arith.constant 0 : i32
      %dma_wait3A_29 = tpu.memref_slice %arg5[%dma_wait3A_27, %dma_wait3A_28] : memref<10240x128xf32, #tpu.memory_space<hbm>> -> memref<10240x128xf32, #tpu.memory_space<hbm>>
      tpu.wait_indirect_dma semaphore(%arg12 : memref<!tpu.dma_semaphore, #tpu.memory_space<semaphore_mem>>) src(%dma_wait3A_29 : memref<10240x128xf32, #tpu.memory_space<hbm>>) dst(%arg9 : memref<80x128xf32, #tpu.memory_space<vmem>>)
      %add3A_30 = arith.constant 0 : i32
      %add3A_31 = arith.addi %mul3A_11, %add3A_30 : i32
      "tpu.region"() ({
        %run_scoped3A = tpu.sem_alloc : memref<!tpu.dma_semaphore, #tpu.memory_space<semaphore_mem>>
        %dma_start3A_94 = arith.constant 0 : i32
        %dma_start3A_95 = tpu.memref_slice %arg8[%add3A_31, %dma_start3A_94] : memref<125x80xi32, #tpu.memory_space<vmem>> -> memref<1x80xi32, #tpu.memory_space<vmem>>
        %dma_start3A_96 = tpu.memref_squeeze %dma_start3A_95 : memref<1x80xi32, #tpu.memory_space<vmem>> -> memref<80xi32, #tpu.memory_space<vmem>>
        %dma_start3A_97 = arith.constant 0 : i32
        %dma_start3A_98 = arith.constant 0 : i32
        %dma_start3A_99 = tpu.memref_slice %arg11[%dma_start3A_97, %dma_start3A_98] : memref<10240x128xf32, #tpu.memory_space<vmem_shared>> -> memref<10240x128xf32, #tpu.memory_space<vmem_shared>>
        tpu.enqueue_indirect_dma source(%arg9 : memref<80x128xf32, #tpu.memory_space<vmem>>) target(%dma_start3A_99 : memref<10240x128xf32, #tpu.memory_space<vmem_shared>>) offsets(%dma_start3A_96 : memref<80xi32, #tpu.memory_space<vmem>>) semaphore(%run_scoped3A : memref<!tpu.dma_semaphore, #tpu.memory_space<semaphore_mem>>) {add = true}
        %dma_wait3A_100 = arith.constant 0 : i32
        %dma_wait3A_101 = tpu.memref_slice %arg8[%add3A_31, %dma_wait3A_100] : memref<125x80xi32, #tpu.memory_space<vmem>> -> memref<1x80xi32, #tpu.memory_space<vmem>>
        %dma_wait3A_102 = tpu.memref_squeeze %dma_wait3A_101 : memref<1x80xi32, #tpu.memory_space<vmem>> -> memref<80xi32, #tpu.memory_space<vmem>>
        %dma_wait3A_103 = arith.constant 0 : i32
        %dma_wait3A_104 = arith.constant 0 : i32
        %dma_wait3A_105 = tpu.memref_slice %arg11[%dma_wait3A_103, %dma_wait3A_104] : memref<10240x128xf32, #tpu.memory_space<vmem_shared>> -> memref<10240x128xf32, #tpu.memory_space<vmem_shared>>
        tpu.wait_indirect_dma semaphore(%run_scoped3A : memref<!tpu.dma_semaphore, #tpu.memory_space<semaphore_mem>>) src(%arg9 : memref<80x128xf32, #tpu.memory_space<vmem>>) dst(%dma_wait3A_105 : memref<10240x128xf32, #tpu.memory_space<vmem_shared>>)
        tpu.yield
      }) : () -> ()
      %add3A_32 = arith.constant 0 : i32
      %add3A_33 = arith.addi %mul3A_11, %add3A_32 : i32
      %add3A_34 = arith.constant 2 : i32
      %add3A_35 = arith.addi %add3A_33, %add3A_34 : i32
      %dma_start3A_36 = arith.constant 0 : i32
      %dma_start3A_37 = tpu.memref_slice %arg7[%add3A_35, %dma_start3A_36] : memref<125x80xi32, #tpu.memory_space<vmem>> -> memref<1x80xi32, #tpu.memory_space<vmem>>
      %dma_start3A_38 = tpu.memref_squeeze %dma_start3A_37 : memref<1x80xi32, #tpu.memory_space<vmem>> -> memref<80xi32, #tpu.memory_space<vmem>>
      %dma_start3A_39 = arith.constant 0 : i32
      %dma_start3A_40 = arith.constant 0 : i32
      %dma_start3A_41 = tpu.memref_slice %arg5[%dma_start3A_39, %dma_start3A_40] : memref<10240x128xf32, #tpu.memory_space<hbm>> -> memref<10240x128xf32, #tpu.memory_space<hbm>>
      tpu.enqueue_indirect_dma source(%dma_start3A_41 : memref<10240x128xf32, #tpu.memory_space<hbm>>) target(%arg9 : memref<80x128xf32, #tpu.memory_space<vmem>>) offsets(%dma_start3A_38 : memref<80xi32, #tpu.memory_space<vmem>>) semaphore(%arg12 : memref<!tpu.dma_semaphore, #tpu.memory_space<semaphore_mem>>)
      %dma_wait3A_42 = arith.constant 0 : i32
      %dma_wait3A_43 = tpu.memref_slice %arg7[%add3A_18, %dma_wait3A_42] : memref<125x80xi32, #tpu.memory_space<vmem>> -> memref<1x80xi32, #tpu.memory_space<vmem>>
      %dma_wait3A_44 = tpu.memref_squeeze %dma_wait3A_43 : memref<1x80xi32, #tpu.memory_space<vmem>> -> memref<80xi32, #tpu.memory_space<vmem>>
      %dma_wait3A_45 = arith.constant 0 : i32
      %dma_wait3A_46 = arith.constant 0 : i32
      %dma_wait3A_47 = tpu.memref_slice %arg5[%dma_wait3A_45, %dma_wait3A_46] : memref<10240x128xf32, #tpu.memory_space<hbm>> -> memref<10240x128xf32, #tpu.memory_space<hbm>>
      tpu.wait_indirect_dma semaphore(%arg13 : memref<!tpu.dma_semaphore, #tpu.memory_space<semaphore_mem>>) src(%dma_wait3A_47 : memref<10240x128xf32, #tpu.memory_space<hbm>>) dst(%arg10 : memref<80x128xf32, #tpu.memory_space<vmem>>)
      %add3A_48 = arith.constant 1 : i32
      %add3A_49 = arith.addi %mul3A_11, %add3A_48 : i32
      "tpu.region"() ({
        %run_scoped3A = tpu.sem_alloc : memref<!tpu.dma_semaphore, #tpu.memory_space<semaphore_mem>>
        %dma_start3A_94 = arith.constant 0 : i32
        %dma_start3A_95 = tpu.memref_slice %arg8[%add3A_49, %dma_start3A_94] : memref<125x80xi32, #tpu.memory_space<vmem>> -> memref<1x80xi32, #tpu.memory_space<vmem>>
        %dma_start3A_96 = tpu.memref_squeeze %dma_start3A_95 : memref<1x80xi32, #tpu.memory_space<vmem>> -> memref<80xi32, #tpu.memory_space<vmem>>
        %dma_start3A_97 = arith.constant 0 : i32
        %dma_start3A_98 = arith.constant 0 : i32
        %dma_start3A_99 = tpu.memref_slice %arg11[%dma_start3A_97, %dma_start3A_98] : memref<10240x128xf32, #tpu.memory_space<vmem_shared>> -> memref<10240x128xf32, #tpu.memory_space<vmem_shared>>
        tpu.enqueue_indirect_dma source(%arg10 : memref<80x128xf32, #tpu.memory_space<vmem>>) target(%dma_start3A_99 : memref<10240x128xf32, #tpu.memory_space<vmem_shared>>) offsets(%dma_start3A_96 : memref<80xi32, #tpu.memory_space<vmem>>) semaphore(%run_scoped3A : memref<!tpu.dma_semaphore, #tpu.memory_space<semaphore_mem>>) {add = true}
        %dma_wait3A_100 = arith.constant 0 : i32
        %dma_wait3A_101 = tpu.memref_slice %arg8[%add3A_49, %dma_wait3A_100] : memref<125x80xi32, #tpu.memory_space<vmem>> -> memref<1x80xi32, #tpu.memory_space<vmem>>
        %dma_wait3A_102 = tpu.memref_squeeze %dma_wait3A_101 : memref<1x80xi32, #tpu.memory_space<vmem>> -> memref<80xi32, #tpu.memory_space<vmem>>
        %dma_wait3A_103 = arith.constant 0 : i32
        %dma_wait3A_104 = arith.constant 0 : i32
        %dma_wait3A_105 = tpu.memref_slice %arg11[%dma_wait3A_103, %dma_wait3A_104] : memref<10240x128xf32, #tpu.memory_space<vmem_shared>> -> memref<10240x128xf32, #tpu.memory_space<vmem_shared>>
        tpu.wait_indirect_dma semaphore(%run_scoped3A : memref<!tpu.dma_semaphore, #tpu.memory_space<semaphore_mem>>) src(%arg10 : memref<80x128xf32, #tpu.memory_space<vmem>>) dst(%dma_wait3A_105 : memref<10240x128xf32, #tpu.memory_space<vmem_shared>>)
        tpu.yield
      }) : () -> ()
      %add3A_50 = arith.constant 1 : i32
      %add3A_51 = arith.addi %mul3A_11, %add3A_50 : i32
      %add3A_52 = arith.constant 2 : i32
      %add3A_53 = arith.addi %add3A_51, %add3A_52 : i32
      %dma_start3A_54 = arith.constant 0 : i32
      %dma_start3A_55 = tpu.memref_slice %arg7[%add3A_53, %dma_start3A_54] : memref<125x80xi32, #tpu.memory_space<vmem>> -> memref<1x80xi32, #tpu.memory_space<vmem>>
      %dma_start3A_56 = tpu.memref_squeeze %dma_start3A_55 : memref<1x80xi32, #tpu.memory_space<vmem>> -> memref<80xi32, #tpu.memory_space<vmem>>
      %dma_start3A_57 = arith.constant 0 : i32
      %dma_start3A_58 = arith.constant 0 : i32
      %dma_start3A_59 = tpu.memref_slice %arg5[%dma_start3A_57, %dma_start3A_58] : memref<10240x128xf32, #tpu.memory_space<hbm>> -> memref<10240x128xf32, #tpu.memory_space<hbm>>
      tpu.enqueue_indirect_dma source(%dma_start3A_59 : memref<10240x128xf32, #tpu.memory_space<hbm>>) target(%arg10 : memref<80x128xf32, #tpu.memory_space<vmem>>) offsets(%dma_start3A_56 : memref<80xi32, #tpu.memory_space<vmem>>) semaphore(%arg13 : memref<!tpu.dma_semaphore, #tpu.memory_space<semaphore_mem>>)
      %dma_wait3A_60 = arith.constant 0 : i32
      %dma_wait3A_61 = tpu.memref_slice %arg7[%add3A_35, %dma_wait3A_60] : memref<125x80xi32, #tpu.memory_space<vmem>> -> memref<1x80xi32, #tpu.memory_space<vmem>>
      %dma_wait3A_62 = tpu.memref_squeeze %dma_wait3A_61 : memref<1x80xi32, #tpu.memory_space<vmem>> -> memref<80xi32, #tpu.memory_space<vmem>>
      %dma_wait3A_63 = arith.constant 0 : i32
      %dma_wait3A_64 = arith.constant 0 : i32
      %dma_wait3A_65 = tpu.memref_slice %arg5[%dma_wait3A_63, %dma_wait3A_64] : memref<10240x128xf32, #tpu.memory_space<hbm>> -> memref<10240x128xf32, #tpu.memory_space<hbm>>
      tpu.wait_indirect_dma semaphore(%arg12 : memref<!tpu.dma_semaphore, #tpu.memory_space<semaphore_mem>>) src(%dma_wait3A_65 : memref<10240x128xf32, #tpu.memory_space<hbm>>) dst(%arg9 : memref<80x128xf32, #tpu.memory_space<vmem>>)
      %add3A_66 = arith.constant 2 : i32
      %add3A_67 = arith.addi %mul3A_11, %add3A_66 : i32
      "tpu.region"() ({
        %run_scoped3A = tpu.sem_alloc : memref<!tpu.dma_semaphore, #tpu.memory_space<semaphore_mem>>
        %dma_start3A_94 = arith.constant 0 : i32
        %dma_start3A_95 = tpu.memref_slice %arg8[%add3A_67, %dma_start3A_94] : memref<125x80xi32, #tpu.memory_space<vmem>> -> memref<1x80xi32, #tpu.memory_space<vmem>>
        %dma_start3A_96 = tpu.memref_squeeze %dma_start3A_95 : memref<1x80xi32, #tpu.memory_space<vmem>> -> memref<80xi32, #tpu.memory_space<vmem>>
        %dma_start3A_97 = arith.constant 0 : i32
        %dma_start3A_98 = arith.constant 0 : i32
        %dma_start3A_99 = tpu.memref_slice %arg11[%dma_start3A_97, %dma_start3A_98] : memref<10240x128xf32, #tpu.memory_space<vmem_shared>> -> memref<10240x128xf32, #tpu.memory_space<vmem_shared>>
        tpu.enqueue_indirect_dma source(%arg9 : memref<80x128xf32, #tpu.memory_space<vmem>>) target(%dma_start3A_99 : memref<10240x128xf32, #tpu.memory_space<vmem_shared>>) offsets(%dma_start3A_96 : memref<80xi32, #tpu.memory_space<vmem>>) semaphore(%run_scoped3A : memref<!tpu.dma_semaphore, #tpu.memory_space<semaphore_mem>>) {add = true}
        %dma_wait3A_100 = arith.constant 0 : i32
        %dma_wait3A_101 = tpu.memref_slice %arg8[%add3A_67, %dma_wait3A_100] : memref<125x80xi32, #tpu.memory_space<vmem>> -> memref<1x80xi32, #tpu.memory_space<vmem>>
        %dma_wait3A_102 = tpu.memref_squeeze %dma_wait3A_101 : memref<1x80xi32, #tpu.memory_space<vmem>> -> memref<80xi32, #tpu.memory_space<vmem>>
        %dma_wait3A_103 = arith.constant 0 : i32
        %dma_wait3A_104 = arith.constant 0 : i32
        %dma_wait3A_105 = tpu.memref_slice %arg11[%dma_wait3A_103, %dma_wait3A_104] : memref<10240x128xf32, #tpu.memory_space<vmem_shared>> -> memref<10240x128xf32, #tpu.memory_space<vmem_shared>>
        tpu.wait_indirect_dma semaphore(%run_scoped3A : memref<!tpu.dma_semaphore, #tpu.memory_space<semaphore_mem>>) src(%arg9 : memref<80x128xf32, #tpu.memory_space<vmem>>) dst(%dma_wait3A_105 : memref<10240x128xf32, #tpu.memory_space<vmem_shared>>)
        tpu.yield
      }) : () -> ()
      %add3A_68 = arith.constant 2 : i32
      %add3A_69 = arith.addi %mul3A_11, %add3A_68 : i32
      %add3A_70 = arith.constant 2 : i32
      %add3A_71 = arith.addi %add3A_69, %add3A_70 : i32
      %dma_start3A_72 = arith.constant 0 : i32
      %dma_start3A_73 = tpu.memref_slice %arg7[%add3A_71, %dma_start3A_72] : memref<125x80xi32, #tpu.memory_space<vmem>> -> memref<1x80xi32, #tpu.memory_space<vmem>>
      %dma_start3A_74 = tpu.memref_squeeze %dma_start3A_73 : memref<1x80xi32, #tpu.memory_space<vmem>> -> memref<80xi32, #tpu.memory_space<vmem>>
      %dma_start3A_75 = arith.constant 0 : i32
      %dma_start3A_76 = arith.constant 0 : i32
      %dma_start3A_77 = tpu.memref_slice %arg5[%dma_start3A_75, %dma_start3A_76] : memref<10240x128xf32, #tpu.memory_space<hbm>> -> memref<10240x128xf32, #tpu.memory_space<hbm>>
      tpu.enqueue_indirect_dma source(%dma_start3A_77 : memref<10240x128xf32, #tpu.memory_space<hbm>>) target(%arg9 : memref<80x128xf32, #tpu.memory_space<vmem>>) offsets(%dma_start3A_74 : memref<80xi32, #tpu.memory_space<vmem>>) semaphore(%arg12 : memref<!tpu.dma_semaphore, #tpu.memory_space<semaphore_mem>>)
      %dma_wait3A_78 = arith.constant 0 : i32
      %dma_wait3A_79 = tpu.memref_slice %arg7[%add3A_53, %dma_wait3A_78] : memref<125x80xi32, #tpu.memory_space<vmem>> -> memref<1x80xi32, #tpu.memory_space<vmem>>
      %dma_wait3A_80 = tpu.memref_squeeze %dma_wait3A_79 : memref<1x80xi32, #tpu.memory_space<vmem>> -> memref<80xi32, #tpu.memory_space<vmem>>
      %dma_wait3A_81 = arith.constant 0 : i32
      %dma_wait3A_82 = arith.constant 0 : i32
      %dma_wait3A_83 = tpu.memref_slice %arg5[%dma_wait3A_81, %dma_wait3A_82] : memref<10240x128xf32, #tpu.memory_space<hbm>> -> memref<10240x128xf32, #tpu.memory_space<hbm>>
      tpu.wait_indirect_dma semaphore(%arg13 : memref<!tpu.dma_semaphore, #tpu.memory_space<semaphore_mem>>) src(%dma_wait3A_83 : memref<10240x128xf32, #tpu.memory_space<hbm>>) dst(%arg10 : memref<80x128xf32, #tpu.memory_space<vmem>>)
      %add3A_84 = arith.constant 3 : i32
      %add3A_85 = arith.addi %mul3A_11, %add3A_84 : i32
      "tpu.region"() ({
        %run_scoped3A = tpu.sem_alloc : memref<!tpu.dma_semaphore, #tpu.memory_space<semaphore_mem>>
        %dma_start3A_94 = arith.constant 0 : i32
        %dma_start3A_95 = tpu.memref_slice %arg8[%add3A_85, %dma_start3A_94] : memref<125x80xi32, #tpu.memory_space<vmem>> -> memref<1x80xi32, #tpu.memory_space<vmem>>
        %dma_start3A_96 = tpu.memref_squeeze %dma_start3A_95 : memref<1x80xi32, #tpu.memory_space<vmem>> -> memref<80xi32, #tpu.memory_space<vmem>>
        %dma_start3A_97 = arith.constant 0 : i32
        %dma_start3A_98 = arith.constant 0 : i32
        %dma_start3A_99 = tpu.memref_slice %arg11[%dma_start3A_97, %dma_start3A_98] : memref<10240x128xf32, #tpu.memory_space<vmem_shared>> -> memref<10240x128xf32, #tpu.memory_space<vmem_shared>>
        tpu.enqueue_indirect_dma source(%arg10 : memref<80x128xf32, #tpu.memory_space<vmem>>) target(%dma_start3A_99 : memref<10240x128xf32, #tpu.memory_space<vmem_shared>>) offsets(%dma_start3A_96 : memref<80xi32, #tpu.memory_space<vmem>>) semaphore(%run_scoped3A : memref<!tpu.dma_semaphore, #tpu.memory_space<semaphore_mem>>) {add = true}
        %dma_wait3A_100 = arith.constant 0 : i32
        %dma_wait3A_101 = tpu.memref_slice %arg8[%add3A_85, %dma_wait3A_100] : memref<125x80xi32, #tpu.memory_space<vmem>> -> memref<1x80xi32, #tpu.memory_space<vmem>>
        %dma_wait3A_102 = tpu.memref_squeeze %dma_wait3A_101 : memref<1x80xi32, #tpu.memory_space<vmem>> -> memref<80xi32, #tpu.memory_space<vmem>>
        %dma_wait3A_103 = arith.constant 0 : i32
        %dma_wait3A_104 = arith.constant 0 : i32
        %dma_wait3A_105 = tpu.memref_slice %arg11[%dma_wait3A_103, %dma_wait3A_104] : memref<10240x128xf32, #tpu.memory_space<vmem_shared>> -> memref<10240x128xf32, #tpu.memory_space<vmem_shared>>
        tpu.wait_indirect_dma semaphore(%run_scoped3A : memref<!tpu.dma_semaphore, #tpu.memory_space<semaphore_mem>>) src(%arg10 : memref<80x128xf32, #tpu.memory_space<vmem>>) dst(%dma_wait3A_105 : memref<10240x128xf32, #tpu.memory_space<vmem_shared>>)
        tpu.yield
      }) : () -> ()
      %dma_wait3A_86 = arith.constant 0 : i32
      %dma_wait3A_87 = tpu.memref_slice %arg7[%add3A_71, %dma_wait3A_86] : memref<125x80xi32, #tpu.memory_space<vmem>> -> memref<1x80xi32, #tpu.memory_space<vmem>>
      %dma_wait3A_88 = tpu.memref_squeeze %dma_wait3A_87 : memref<1x80xi32, #tpu.memory_space<vmem>> -> memref<80xi32, #tpu.memory_space<vmem>>
      %dma_wait3A_89 = arith.constant 0 : i32
      %dma_wait3A_90 = arith.constant 0 : i32
      %dma_wait3A_91 = tpu.memref_slice %arg5[%dma_wait3A_89, %dma_wait3A_90] : memref<10240x128xf32, #tpu.memory_space<hbm>> -> memref<10240x128xf32, #tpu.memory_space<hbm>>
      tpu.wait_indirect_dma semaphore(%arg12 : memref<!tpu.dma_semaphore, #tpu.memory_space<semaphore_mem>>) src(%dma_wait3A_91 : memref<10240x128xf32, #tpu.memory_space<hbm>>) dst(%arg9 : memref<80x128xf32, #tpu.memory_space<vmem>>)
      %add3A_92 = arith.constant 4 : i32
      %add3A_93 = arith.addi %mul3A_11, %add3A_92 : i32
      "tpu.region"() ({
        %run_scoped3A = tpu.sem_alloc : memref<!tpu.dma_semaphore, #tpu.memory_space<semaphore_mem>>
        %dma_start3A_94 = arith.constant 0 : i32
        %dma_start3A_95 = tpu.memref_slice %arg8[%add3A_93, %dma_start3A_94] : memref<125x80xi32, #tpu.memory_space<vmem>> -> memref<1x80xi32, #tpu.memory_space<vmem>>
        %dma_start3A_96 = tpu.memref_squeeze %dma_start3A_95 : memref<1x80xi32, #tpu.memory_space<vmem>> -> memref<80xi32, #tpu.memory_space<vmem>>
        %dma_start3A_97 = arith.constant 0 : i32
        %dma_start3A_98 = arith.constant 0 : i32
        %dma_start3A_99 = tpu.memref_slice %arg11[%dma_start3A_97, %dma_start3A_98] : memref<10240x128xf32, #tpu.memory_space<vmem_shared>> -> memref<10240x128xf32, #tpu.memory_space<vmem_shared>>
        tpu.enqueue_indirect_dma source(%arg9 : memref<80x128xf32, #tpu.memory_space<vmem>>) target(%dma_start3A_99 : memref<10240x128xf32, #tpu.memory_space<vmem_shared>>) offsets(%dma_start3A_96 : memref<80xi32, #tpu.memory_space<vmem>>) semaphore(%run_scoped3A : memref<!tpu.dma_semaphore, #tpu.memory_space<semaphore_mem>>) {add = true}
        %dma_wait3A_100 = arith.constant 0 : i32
        %dma_wait3A_101 = tpu.memref_slice %arg8[%add3A_93, %dma_wait3A_100] : memref<125x80xi32, #tpu.memory_space<vmem>> -> memref<1x80xi32, #tpu.memory_space<vmem>>
        %dma_wait3A_102 = tpu.memref_squeeze %dma_wait3A_101 : memref<1x80xi32, #tpu.memory_space<vmem>> -> memref<80xi32, #tpu.memory_space<vmem>>
        %dma_wait3A_103 = arith.constant 0 : i32
        %dma_wait3A_104 = arith.constant 0 : i32
        %dma_wait3A_105 = tpu.memref_slice %arg11[%dma_wait3A_103, %dma_wait3A_104] : memref<10240x128xf32, #tpu.memory_space<vmem_shared>> -> memref<10240x128xf32, #tpu.memory_space<vmem_shared>>
        tpu.wait_indirect_dma semaphore(%run_scoped3A : memref<!tpu.dma_semaphore, #tpu.memory_space<semaphore_mem>>) src(%arg9 : memref<80x128xf32, #tpu.memory_space<vmem>>) dst(%dma_wait3A_105 : memref<10240x128xf32, #tpu.memory_space<vmem_shared>>)
        tpu.yield
      }) : () -> ()
    }
    %scan3A_7 = arith.constant 25 : i32
    %barrier3A_8 = arith.constant 0 : index
    tpu.barrier barrier_id(%barrier3A_8)
    "tpu.region"() ({
      %run_scoped3A = tpu.sem_alloc : memref<!tpu.dma_semaphore, #tpu.memory_space<semaphore_mem>>
      %dma_start3A = arith.constant 0 : i32
      %dma_start3A_9 = tpu.memref_slice %arg6[%arg0, %mul3A_2, %dma_start3A] : memref<2x10240x128xf32, #tpu.memory_space<hbm>> -> memref<1x640x128xf32, #tpu.memory_space<hbm>>
      %dma_start3A_10 = tpu.memref_squeeze %dma_start3A_9 : memref<1x640x128xf32, #tpu.memory_space<hbm>> -> memref<640x128xf32, #tpu.memory_space<hbm>>
      %dma_start3A_11 = arith.constant 0 : i32
      %dma_start3A_12 = tpu.memref_slice %arg11[%mul3A_2, %dma_start3A_11] : memref<10240x128xf32, #tpu.memory_space<vmem_shared>> -> memref<640x128xf32, #tpu.memory_space<vmem_shared>>
      tpu.enqueue_dma source(%dma_start3A_12 : memref<640x128xf32, #tpu.memory_space<vmem_shared>>) target(%dma_start3A_10 : memref<640x128xf32, #tpu.memory_space<hbm>>) target_semaphore(%run_scoped3A : memref<!tpu.dma_semaphore, #tpu.memory_space<semaphore_mem>>)
      %dma_wait3A = arith.constant 0 : i32
      %dma_wait3A_13 = tpu.memref_slice %arg6[%arg0, %mul3A_2, %dma_wait3A] : memref<2x10240x128xf32, #tpu.memory_space<hbm>> -> memref<1x640x128xf32, #tpu.memory_space<hbm>>
      %dma_wait3A_14 = tpu.memref_squeeze %dma_wait3A_13 : memref<1x640x128xf32, #tpu.memory_space<hbm>> -> memref<640x128xf32, #tpu.memory_space<hbm>>
      %dma_wait3A_15 = arith.constant 0 : i32
      %dma_wait3A_16 = tpu.memref_slice %arg11[%mul3A_2, %dma_wait3A_15] : memref<10240x128xf32, #tpu.memory_space<vmem_shared>> -> memref<640x128xf32, #tpu.memory_space<vmem_shared>>
      tpu.wait_dma2 semaphore(%run_scoped3A : memref<!tpu.dma_semaphore, #tpu.memory_space<semaphore_mem>>) src(%dma_wait3A_16 : memref<640x128xf32, #tpu.memory_space<vmem_shared>>) dst(%dma_wait3A_14 : memref<640x128xf32, #tpu.memory_space<hbm>>)
      tpu.yield
    }) : () -> ()
    return
  }
}

#map = affine_map<(d0, d1) -> (0, 0)>
#map1 = affine_map<(d0, d1) -> (0, 0, 0)>
#map2 = affine_map<(d0, d1) -> (0)>
module attributes {stable_mosaic.version = 14 : i64} {
  func.func @body(%arg0: i32, %arg1: i32, %arg2: memref<640x128xf32, #tpu.memory_space<hbm>>, %arg3: memref<32x125x80xi32, #tpu.memory_space<hbm>>, %arg4: memref<32x125x80xi32, #tpu.memory_space<hbm>>, %arg5: memref<10240x128xf32, #tpu.memory_space<hbm>>, %arg6: memref<80xf32, #tpu.memory_space<hbm>>, %arg7: memref<640xf32, #tpu.memory_space<hbm>>, %arg8: memref<2x10240x128xf32, #tpu.memory_space<hbm>>, %arg9: memref<2x10240xf32, #tpu.memory_space<hbm>>, %arg10: memref<125x80xi32, #tpu.memory_space<vmem>>, %arg11: memref<125x80xi32, #tpu.memory_space<vmem>>, %arg12: memref<80x128xf32, #tpu.memory_space<vmem>>, %arg13: memref<80x128xf32, #tpu.memory_space<vmem>>, %arg14: memref<10240x128xf32, #tpu.memory_space<vmem_shared>>, %arg15: memref<!tpu.dma_semaphore, #tpu.memory_space<semaphore_mem>>, %arg16: memref<!tpu.dma_semaphore, #tpu.memory_space<semaphore_mem>>, %arg17: memref<80xf32, #tpu.memory_space<vmem>>, %arg18: memref<10240xf32, #tpu.memory_space<vmem_shared>>) attributes {dimension_semantics = [#tpu.dimension_semantics<core_parallel>, #tpu.dimension_semantics<subcore_parallel>], iteration_bounds = array<i64: 2, 16>, scalar_prefetch = 0 : i64, scratch_operands = 9 : i64, tpu.core_type = #tpu.core_type<sc_vector_subcore>, window_params = [{transform_indices = #map}, {transform_indices = #map1}, {transform_indices = #map1}, {transform_indices = #map}, {transform_indices = #map2}, {transform_indices = #map2}, {transform_indices = #map1}, {transform_indices = #map}]} {
    %mul3A = arith.constant 16 : i32
    %mul3A_0 = arith.muli %arg0, %mul3A : i32
    %add3A = arith.addi %mul3A_0, %arg1 : i32
    %mul3A_1 = arith.constant 640 : i32
    %mul3A_2 = arith.muli %arg1, %mul3A_1 : i32
    "tpu.region"() ({
      %run_scoped3A = tpu.sem_alloc : memref<!tpu.dma_semaphore, #tpu.memory_space<semaphore_mem>>
      %dma_start3A = arith.constant 0 : i32
      %dma_start3A_9 = arith.constant 0 : i32
      %dma_start3A_10 = tpu.memref_slice %arg3[%add3A, %dma_start3A, %dma_start3A_9] : memref<32x125x80xi32, #tpu.memory_space<hbm>> -> memref<1x125x80xi32, #tpu.memory_space<hbm>>
      %dma_start3A_11 = tpu.memref_squeeze %dma_start3A_10 : memref<1x125x80xi32, #tpu.memory_space<hbm>> -> memref<125x80xi32, #tpu.memory_space<hbm>>
      %dma_start3A_12 = arith.constant 0 : i32
      %dma_start3A_13 = arith.constant 0 : i32
      %dma_start3A_14 = tpu.memref_slice %arg3[%add3A, %dma_start3A_12, %dma_start3A_13] : memref<32x125x80xi32, #tpu.memory_space<hbm>> -> memref<1x125x80xi32, #tpu.memory_space<hbm>>
      %dma_start3A_15 = tpu.memref_squeeze %dma_start3A_14 : memref<1x125x80xi32, #tpu.memory_space<hbm>> -> memref<125x80xi32, #tpu.memory_space<hbm>>
      tpu.enqueue_dma source(%dma_start3A_15 : memref<125x80xi32, #tpu.memory_space<hbm>>) target(%arg10 : memref<125x80xi32, #tpu.memory_space<vmem>>) target_semaphore(%run_scoped3A : memref<!tpu.dma_semaphore, #tpu.memory_space<semaphore_mem>>)
      %dma_wait3A = arith.constant 0 : i32
      %dma_wait3A_16 = arith.constant 0 : i32
      %dma_wait3A_17 = tpu.memref_slice %arg3[%add3A, %dma_wait3A, %dma_wait3A_16] : memref<32x125x80xi32, #tpu.memory_space<hbm>> -> memref<1x125x80xi32, #tpu.memory_space<hbm>>
      %dma_wait3A_18 = tpu.memref_squeeze %dma_wait3A_17 : memref<1x125x80xi32, #tpu.memory_space<hbm>> -> memref<125x80xi32, #tpu.memory_space<hbm>>
      %dma_wait3A_19 = arith.constant 0 : i32
      %dma_wait3A_20 = arith.constant 0 : i32
      %dma_wait3A_21 = tpu.memref_slice %arg3[%add3A, %dma_wait3A_19, %dma_wait3A_20] : memref<32x125x80xi32, #tpu.memory_space<hbm>> -> memref<1x125x80xi32, #tpu.memory_space<hbm>>
      %dma_wait3A_22 = tpu.memref_squeeze %dma_wait3A_21 : memref<1x125x80xi32, #tpu.memory_space<hbm>> -> memref<125x80xi32, #tpu.memory_space<hbm>>
      tpu.wait_dma2 semaphore(%run_scoped3A : memref<!tpu.dma_semaphore, #tpu.memory_space<semaphore_mem>>) src(%dma_wait3A_22 : memref<125x80xi32, #tpu.memory_space<hbm>>) dst(%arg10 : memref<125x80xi32, #tpu.memory_space<vmem>>)
      tpu.yield
    }) : () -> ()
    "tpu.region"() ({
      %run_scoped3A = tpu.sem_alloc : memref<!tpu.dma_semaphore, #tpu.memory_space<semaphore_mem>>
      %dma_start3A = arith.constant 0 : i32
      %dma_start3A_9 = arith.constant 0 : i32
      %dma_start3A_10 = tpu.memref_slice %arg4[%add3A, %dma_start3A, %dma_start3A_9] : memref<32x125x80xi32, #tpu.memory_space<hbm>> -> memref<1x125x80xi32, #tpu.memory_space<hbm>>
      %dma_start3A_11 = tpu.memref_squeeze %dma_start3A_10 : memref<1x125x80xi32, #tpu.memory_space<hbm>> -> memref<125x80xi32, #tpu.memory_space<hbm>>
      %dma_start3A_12 = arith.constant 0 : i32
      %dma_start3A_13 = arith.constant 0 : i32
      %dma_start3A_14 = tpu.memref_slice %arg4[%add3A, %dma_start3A_12, %dma_start3A_13] : memref<32x125x80xi32, #tpu.memory_space<hbm>> -> memref<1x125x80xi32, #tpu.memory_space<hbm>>
      %dma_start3A_15 = tpu.memref_squeeze %dma_start3A_14 : memref<1x125x80xi32, #tpu.memory_space<hbm>> -> memref<125x80xi32, #tpu.memory_space<hbm>>
      tpu.enqueue_dma source(%dma_start3A_15 : memref<125x80xi32, #tpu.memory_space<hbm>>) target(%arg11 : memref<125x80xi32, #tpu.memory_space<vmem>>) target_semaphore(%run_scoped3A : memref<!tpu.dma_semaphore, #tpu.memory_space<semaphore_mem>>)
      %dma_wait3A = arith.constant 0 : i32
      %dma_wait3A_16 = arith.constant 0 : i32
      %dma_wait3A_17 = tpu.memref_slice %arg4[%add3A, %dma_wait3A, %dma_wait3A_16] : memref<32x125x80xi32, #tpu.memory_space<hbm>> -> memref<1x125x80xi32, #tpu.memory_space<hbm>>
      %dma_wait3A_18 = tpu.memref_squeeze %dma_wait3A_17 : memref<1x125x80xi32, #tpu.memory_space<hbm>> -> memref<125x80xi32, #tpu.memory_space<hbm>>
      %dma_wait3A_19 = arith.constant 0 : i32
      %dma_wait3A_20 = arith.constant 0 : i32
      %dma_wait3A_21 = tpu.memref_slice %arg4[%add3A, %dma_wait3A_19, %dma_wait3A_20] : memref<32x125x80xi32, #tpu.memory_space<hbm>> -> memref<1x125x80xi32, #tpu.memory_space<hbm>>
      %dma_wait3A_22 = tpu.memref_squeeze %dma_wait3A_21 : memref<1x125x80xi32, #tpu.memory_space<hbm>> -> memref<125x80xi32, #tpu.memory_space<hbm>>
      tpu.wait_dma2 semaphore(%run_scoped3A : memref<!tpu.dma_semaphore, #tpu.memory_space<semaphore_mem>>) src(%dma_wait3A_22 : memref<125x80xi32, #tpu.memory_space<hbm>>) dst(%arg11 : memref<125x80xi32, #tpu.memory_space<vmem>>)
      tpu.yield
    }) : () -> ()
    "tpu.region"() ({
      %run_scoped3A = tpu.sem_alloc : memref<!tpu.dma_semaphore, #tpu.memory_space<semaphore_mem>>
      %dma_start3A = arith.constant 0 : i32
      %dma_start3A_9 = tpu.memref_slice %arg14[%mul3A_2, %dma_start3A] : memref<10240x128xf32, #tpu.memory_space<vmem_shared>> -> memref<640x128xf32, #tpu.memory_space<vmem_shared>>
      tpu.enqueue_dma source(%arg2 : memref<640x128xf32, #tpu.memory_space<hbm>>) target(%dma_start3A_9 : memref<640x128xf32, #tpu.memory_space<vmem_shared>>) target_semaphore(%run_scoped3A : memref<!tpu.dma_semaphore, #tpu.memory_space<semaphore_mem>>)
      %dma_wait3A = arith.constant 0 : i32
      %dma_wait3A_10 = tpu.memref_slice %arg14[%mul3A_2, %dma_wait3A] : memref<10240x128xf32, #tpu.memory_space<vmem_shared>> -> memref<640x128xf32, #tpu.memory_space<vmem_shared>>
      tpu.wait_dma2 semaphore(%run_scoped3A : memref<!tpu.dma_semaphore, #tpu.memory_space<semaphore_mem>>) src(%arg2 : memref<640x128xf32, #tpu.memory_space<hbm>>) dst(%dma_wait3A_10 : memref<640x128xf32, #tpu.memory_space<vmem_shared>>)
      tpu.yield
    }) : () -> ()
    "tpu.region"() ({
      %run_scoped3A = tpu.sem_alloc : memref<!tpu.dma_semaphore, #tpu.memory_space<semaphore_mem>>
      tpu.enqueue_dma source(%arg6 : memref<80xf32, #tpu.memory_space<hbm>>) target(%arg17 : memref<80xf32, #tpu.memory_space<vmem>>) target_semaphore(%run_scoped3A : memref<!tpu.dma_semaphore, #tpu.memory_space<semaphore_mem>>)
      tpu.wait_dma2 semaphore(%run_scoped3A : memref<!tpu.dma_semaphore, #tpu.memory_space<semaphore_mem>>) src(%arg6 : memref<80xf32, #tpu.memory_space<hbm>>) dst(%arg17 : memref<80xf32, #tpu.memory_space<vmem>>)
      tpu.yield
    }) : () -> ()
    "tpu.region"() ({
      %run_scoped3A = tpu.sem_alloc : memref<!tpu.dma_semaphore, #tpu.memory_space<semaphore_mem>>
      %dma_start3A = tpu.memref_slice %arg18[%mul3A_2] : memref<10240xf32, #tpu.memory_space<vmem_shared>> -> memref<640xf32, #tpu.memory_space<vmem_shared>>
      tpu.enqueue_dma source(%arg7 : memref<640xf32, #tpu.memory_space<hbm>>) target(%dma_start3A : memref<640xf32, #tpu.memory_space<vmem_shared>>) target_semaphore(%run_scoped3A : memref<!tpu.dma_semaphore, #tpu.memory_space<semaphore_mem>>)
      %dma_wait3A = tpu.memref_slice %arg18[%mul3A_2] : memref<10240xf32, #tpu.memory_space<vmem_shared>> -> memref<640xf32, #tpu.memory_space<vmem_shared>>
      tpu.wait_dma2 semaphore(%run_scoped3A : memref<!tpu.dma_semaphore, #tpu.memory_space<semaphore_mem>>) src(%arg7 : memref<640xf32, #tpu.memory_space<hbm>>) dst(%dma_wait3A : memref<640xf32, #tpu.memory_space<vmem_shared>>)
      tpu.yield
    }) : () -> ()
    %barrier3A = arith.constant 0 : index
    tpu.barrier barrier_id(%barrier3A)
    %scan3A = arith.constant 0 : i32
    %scan3A_3 = arith.constant 0 : i32
    %scan3A_4 = arith.constant 25 : i32
    %scan3A_5 = arith.addi %scan3A_3, %scan3A_4 : i32
    %scan3A_6 = arith.constant 1 : i32
    scf.for %scan3A_9 = %scan3A_3 to %scan3A_5 step %scan3A_6  : i32 {
      %mul3A_10 = arith.constant 5 : i32
      %mul3A_11 = arith.muli %mul3A_10, %scan3A_9 : i32
      %dma_start3A = arith.constant 0 : i32
      %dma_start3A_12 = tpu.memref_slice %arg10[%mul3A_11, %dma_start3A] : memref<125x80xi32, #tpu.memory_space<vmem>> -> memref<1x80xi32, #tpu.memory_space<vmem>>
      %dma_start3A_13 = tpu.memref_squeeze %dma_start3A_12 : memref<1x80xi32, #tpu.memory_space<vmem>> -> memref<80xi32, #tpu.memory_space<vmem>>
      %dma_start3A_14 = arith.constant 0 : i32
      %dma_start3A_15 = arith.constant 0 : i32
      %dma_start3A_16 = tpu.memref_slice %arg5[%dma_start3A_14, %dma_start3A_15] : memref<10240x128xf32, #tpu.memory_space<hbm>> -> memref<10240x128xf32, #tpu.memory_space<hbm>>
      tpu.enqueue_indirect_dma source(%dma_start3A_16 : memref<10240x128xf32, #tpu.memory_space<hbm>>) target(%arg12 : memref<80x128xf32, #tpu.memory_space<vmem>>) offsets(%dma_start3A_13 : memref<80xi32, #tpu.memory_space<vmem>>) semaphore(%arg15 : memref<!tpu.dma_semaphore, #tpu.memory_space<semaphore_mem>>)
      %add3A_17 = arith.constant 1 : i32
      %add3A_18 = arith.addi %mul3A_11, %add3A_17 : i32
      %dma_start3A_19 = arith.constant 0 : i32
      %dma_start3A_20 = tpu.memref_slice %arg10[%add3A_18, %dma_start3A_19] : memref<125x80xi32, #tpu.memory_space<vmem>> -> memref<1x80xi32, #tpu.memory_space<vmem>>
      %dma_start3A_21 = tpu.memref_squeeze %dma_start3A_20 : memref<1x80xi32, #tpu.memory_space<vmem>> -> memref<80xi32, #tpu.memory_space<vmem>>
      %dma_start3A_22 = arith.constant 0 : i32
      %dma_start3A_23 = arith.constant 0 : i32
      %dma_start3A_24 = tpu.memref_slice %arg5[%dma_start3A_22, %dma_start3A_23] : memref<10240x128xf32, #tpu.memory_space<hbm>> -> memref<10240x128xf32, #tpu.memory_space<hbm>>
      tpu.enqueue_indirect_dma source(%dma_start3A_24 : memref<10240x128xf32, #tpu.memory_space<hbm>>) target(%arg13 : memref<80x128xf32, #tpu.memory_space<vmem>>) offsets(%dma_start3A_21 : memref<80xi32, #tpu.memory_space<vmem>>) semaphore(%arg16 : memref<!tpu.dma_semaphore, #tpu.memory_space<semaphore_mem>>)
      %dma_wait3A = arith.constant 0 : i32
      %dma_wait3A_25 = tpu.memref_slice %arg10[%mul3A_11, %dma_wait3A] : memref<125x80xi32, #tpu.memory_space<vmem>> -> memref<1x80xi32, #tpu.memory_space<vmem>>
      %dma_wait3A_26 = tpu.memref_squeeze %dma_wait3A_25 : memref<1x80xi32, #tpu.memory_space<vmem>> -> memref<80xi32, #tpu.memory_space<vmem>>
      %dma_wait3A_27 = arith.constant 0 : i32
      %dma_wait3A_28 = arith.constant 0 : i32
      %dma_wait3A_29 = tpu.memref_slice %arg5[%dma_wait3A_27, %dma_wait3A_28] : memref<10240x128xf32, #tpu.memory_space<hbm>> -> memref<10240x128xf32, #tpu.memory_space<hbm>>
      tpu.wait_indirect_dma semaphore(%arg15 : memref<!tpu.dma_semaphore, #tpu.memory_space<semaphore_mem>>) src(%dma_wait3A_29 : memref<10240x128xf32, #tpu.memory_space<hbm>>) dst(%arg12 : memref<80x128xf32, #tpu.memory_space<vmem>>)
      %add3A_30 = arith.constant 0 : i32
      %add3A_31 = arith.addi %mul3A_11, %add3A_30 : i32
      "tpu.region"() ({
        %run_scoped3A = tpu.sem_alloc : memref<!tpu.dma_semaphore, #tpu.memory_space<semaphore_mem>>
        %dma_start3A_94 = arith.constant 0 : i32
        %dma_start3A_95 = tpu.memref_slice %arg11[%add3A_31, %dma_start3A_94] : memref<125x80xi32, #tpu.memory_space<vmem>> -> memref<1x80xi32, #tpu.memory_space<vmem>>
        %dma_start3A_96 = tpu.memref_squeeze %dma_start3A_95 : memref<1x80xi32, #tpu.memory_space<vmem>> -> memref<80xi32, #tpu.memory_space<vmem>>
        %dma_start3A_97 = arith.constant 0 : i32
        %dma_start3A_98 = arith.constant 0 : i32
        %dma_start3A_99 = tpu.memref_slice %arg14[%dma_start3A_97, %dma_start3A_98] : memref<10240x128xf32, #tpu.memory_space<vmem_shared>> -> memref<10240x128xf32, #tpu.memory_space<vmem_shared>>
        tpu.enqueue_indirect_dma source(%arg12 : memref<80x128xf32, #tpu.memory_space<vmem>>) target(%dma_start3A_99 : memref<10240x128xf32, #tpu.memory_space<vmem_shared>>) offsets(%dma_start3A_96 : memref<80xi32, #tpu.memory_space<vmem>>) semaphore(%run_scoped3A : memref<!tpu.dma_semaphore, #tpu.memory_space<semaphore_mem>>) {add = true}
        %dma_wait3A_100 = arith.constant 0 : i32
        %dma_wait3A_101 = tpu.memref_slice %arg11[%add3A_31, %dma_wait3A_100] : memref<125x80xi32, #tpu.memory_space<vmem>> -> memref<1x80xi32, #tpu.memory_space<vmem>>
        %dma_wait3A_102 = tpu.memref_squeeze %dma_wait3A_101 : memref<1x80xi32, #tpu.memory_space<vmem>> -> memref<80xi32, #tpu.memory_space<vmem>>
        %dma_wait3A_103 = arith.constant 0 : i32
        %dma_wait3A_104 = arith.constant 0 : i32
        %dma_wait3A_105 = tpu.memref_slice %arg14[%dma_wait3A_103, %dma_wait3A_104] : memref<10240x128xf32, #tpu.memory_space<vmem_shared>> -> memref<10240x128xf32, #tpu.memory_space<vmem_shared>>
        tpu.wait_indirect_dma semaphore(%run_scoped3A : memref<!tpu.dma_semaphore, #tpu.memory_space<semaphore_mem>>) src(%arg12 : memref<80x128xf32, #tpu.memory_space<vmem>>) dst(%dma_wait3A_105 : memref<10240x128xf32, #tpu.memory_space<vmem_shared>>)
        tpu.yield
      }) : () -> ()
      "tpu.region"() ({
        %run_scoped3A = tpu.sem_alloc : memref<!tpu.dma_semaphore, #tpu.memory_space<semaphore_mem>>
        %dma_start3A_94 = arith.constant 0 : i32
        %dma_start3A_95 = tpu.memref_slice %arg11[%add3A_31, %dma_start3A_94] : memref<125x80xi32, #tpu.memory_space<vmem>> -> memref<1x80xi32, #tpu.memory_space<vmem>>
        %dma_start3A_96 = tpu.memref_squeeze %dma_start3A_95 : memref<1x80xi32, #tpu.memory_space<vmem>> -> memref<80xi32, #tpu.memory_space<vmem>>
        %dma_start3A_97 = arith.constant 0 : i32
        %dma_start3A_98 = tpu.memref_slice %arg18[%dma_start3A_97] : memref<10240xf32, #tpu.memory_space<vmem_shared>> -> memref<10240xf32, #tpu.memory_space<vmem_shared>>
        tpu.enqueue_indirect_dma source(%arg17 : memref<80xf32, #tpu.memory_space<vmem>>) target(%dma_start3A_98 : memref<10240xf32, #tpu.memory_space<vmem_shared>>) offsets(%dma_start3A_96 : memref<80xi32, #tpu.memory_space<vmem>>) semaphore(%run_scoped3A : memref<!tpu.dma_semaphore, #tpu.memory_space<semaphore_mem>>) {add = true}
        %dma_wait3A_99 = arith.constant 0 : i32
        %dma_wait3A_100 = tpu.memref_slice %arg11[%add3A_31, %dma_wait3A_99] : memref<125x80xi32, #tpu.memory_space<vmem>> -> memref<1x80xi32, #tpu.memory_space<vmem>>
        %dma_wait3A_101 = tpu.memref_squeeze %dma_wait3A_100 : memref<1x80xi32, #tpu.memory_space<vmem>> -> memref<80xi32, #tpu.memory_space<vmem>>
        %dma_wait3A_102 = arith.constant 0 : i32
        %dma_wait3A_103 = tpu.memref_slice %arg18[%dma_wait3A_102] : memref<10240xf32, #tpu.memory_space<vmem_shared>> -> memref<10240xf32, #tpu.memory_space<vmem_shared>>
        tpu.wait_indirect_dma semaphore(%run_scoped3A : memref<!tpu.dma_semaphore, #tpu.memory_space<semaphore_mem>>) src(%arg17 : memref<80xf32, #tpu.memory_space<vmem>>) dst(%dma_wait3A_103 : memref<10240xf32, #tpu.memory_space<vmem_shared>>)
        tpu.yield
      }) : () -> ()
      %add3A_32 = arith.constant 0 : i32
      %add3A_33 = arith.addi %mul3A_11, %add3A_32 : i32
      %add3A_34 = arith.constant 2 : i32
      %add3A_35 = arith.addi %add3A_33, %add3A_34 : i32
      %dma_start3A_36 = arith.constant 0 : i32
      %dma_start3A_37 = tpu.memref_slice %arg10[%add3A_35, %dma_start3A_36] : memref<125x80xi32, #tpu.memory_space<vmem>> -> memref<1x80xi32, #tpu.memory_space<vmem>>
      %dma_start3A_38 = tpu.memref_squeeze %dma_start3A_37 : memref<1x80xi32, #tpu.memory_space<vmem>> -> memref<80xi32, #tpu.memory_space<vmem>>
      %dma_start3A_39 = arith.constant 0 : i32
      %dma_start3A_40 = arith.constant 0 : i32
      %dma_start3A_41 = tpu.memref_slice %arg5[%dma_start3A_39, %dma_start3A_40] : memref<10240x128xf32, #tpu.memory_space<hbm>> -> memref<10240x128xf32, #tpu.memory_space<hbm>>
      tpu.enqueue_indirect_dma source(%dma_start3A_41 : memref<10240x128xf32, #tpu.memory_space<hbm>>) target(%arg12 : memref<80x128xf32, #tpu.memory_space<vmem>>) offsets(%dma_start3A_38 : memref<80xi32, #tpu.memory_space<vmem>>) semaphore(%arg15 : memref<!tpu.dma_semaphore, #tpu.memory_space<semaphore_mem>>)
      %dma_wait3A_42 = arith.constant 0 : i32
      %dma_wait3A_43 = tpu.memref_slice %arg10[%add3A_18, %dma_wait3A_42] : memref<125x80xi32, #tpu.memory_space<vmem>> -> memref<1x80xi32, #tpu.memory_space<vmem>>
      %dma_wait3A_44 = tpu.memref_squeeze %dma_wait3A_43 : memref<1x80xi32, #tpu.memory_space<vmem>> -> memref<80xi32, #tpu.memory_space<vmem>>
      %dma_wait3A_45 = arith.constant 0 : i32
      %dma_wait3A_46 = arith.constant 0 : i32
      %dma_wait3A_47 = tpu.memref_slice %arg5[%dma_wait3A_45, %dma_wait3A_46] : memref<10240x128xf32, #tpu.memory_space<hbm>> -> memref<10240x128xf32, #tpu.memory_space<hbm>>
      tpu.wait_indirect_dma semaphore(%arg16 : memref<!tpu.dma_semaphore, #tpu.memory_space<semaphore_mem>>) src(%dma_wait3A_47 : memref<10240x128xf32, #tpu.memory_space<hbm>>) dst(%arg13 : memref<80x128xf32, #tpu.memory_space<vmem>>)
      %add3A_48 = arith.constant 1 : i32
      %add3A_49 = arith.addi %mul3A_11, %add3A_48 : i32
      "tpu.region"() ({
        %run_scoped3A = tpu.sem_alloc : memref<!tpu.dma_semaphore, #tpu.memory_space<semaphore_mem>>
        %dma_start3A_94 = arith.constant 0 : i32
        %dma_start3A_95 = tpu.memref_slice %arg11[%add3A_49, %dma_start3A_94] : memref<125x80xi32, #tpu.memory_space<vmem>> -> memref<1x80xi32, #tpu.memory_space<vmem>>
        %dma_start3A_96 = tpu.memref_squeeze %dma_start3A_95 : memref<1x80xi32, #tpu.memory_space<vmem>> -> memref<80xi32, #tpu.memory_space<vmem>>
        %dma_start3A_97 = arith.constant 0 : i32
        %dma_start3A_98 = arith.constant 0 : i32
        %dma_start3A_99 = tpu.memref_slice %arg14[%dma_start3A_97, %dma_start3A_98] : memref<10240x128xf32, #tpu.memory_space<vmem_shared>> -> memref<10240x128xf32, #tpu.memory_space<vmem_shared>>
        tpu.enqueue_indirect_dma source(%arg13 : memref<80x128xf32, #tpu.memory_space<vmem>>) target(%dma_start3A_99 : memref<10240x128xf32, #tpu.memory_space<vmem_shared>>) offsets(%dma_start3A_96 : memref<80xi32, #tpu.memory_space<vmem>>) semaphore(%run_scoped3A : memref<!tpu.dma_semaphore, #tpu.memory_space<semaphore_mem>>) {add = true}
        %dma_wait3A_100 = arith.constant 0 : i32
        %dma_wait3A_101 = tpu.memref_slice %arg11[%add3A_49, %dma_wait3A_100] : memref<125x80xi32, #tpu.memory_space<vmem>> -> memref<1x80xi32, #tpu.memory_space<vmem>>
        %dma_wait3A_102 = tpu.memref_squeeze %dma_wait3A_101 : memref<1x80xi32, #tpu.memory_space<vmem>> -> memref<80xi32, #tpu.memory_space<vmem>>
        %dma_wait3A_103 = arith.constant 0 : i32
        %dma_wait3A_104 = arith.constant 0 : i32
        %dma_wait3A_105 = tpu.memref_slice %arg14[%dma_wait3A_103, %dma_wait3A_104] : memref<10240x128xf32, #tpu.memory_space<vmem_shared>> -> memref<10240x128xf32, #tpu.memory_space<vmem_shared>>
        tpu.wait_indirect_dma semaphore(%run_scoped3A : memref<!tpu.dma_semaphore, #tpu.memory_space<semaphore_mem>>) src(%arg13 : memref<80x128xf32, #tpu.memory_space<vmem>>) dst(%dma_wait3A_105 : memref<10240x128xf32, #tpu.memory_space<vmem_shared>>)
        tpu.yield
      }) : () -> ()
      "tpu.region"() ({
        %run_scoped3A = tpu.sem_alloc : memref<!tpu.dma_semaphore, #tpu.memory_space<semaphore_mem>>
        %dma_start3A_94 = arith.constant 0 : i32
        %dma_start3A_95 = tpu.memref_slice %arg11[%add3A_49, %dma_start3A_94] : memref<125x80xi32, #tpu.memory_space<vmem>> -> memref<1x80xi32, #tpu.memory_space<vmem>>
        %dma_start3A_96 = tpu.memref_squeeze %dma_start3A_95 : memref<1x80xi32, #tpu.memory_space<vmem>> -> memref<80xi32, #tpu.memory_space<vmem>>
        %dma_start3A_97 = arith.constant 0 : i32
        %dma_start3A_98 = tpu.memref_slice %arg18[%dma_start3A_97] : memref<10240xf32, #tpu.memory_space<vmem_shared>> -> memref<10240xf32, #tpu.memory_space<vmem_shared>>
        tpu.enqueue_indirect_dma source(%arg17 : memref<80xf32, #tpu.memory_space<vmem>>) target(%dma_start3A_98 : memref<10240xf32, #tpu.memory_space<vmem_shared>>) offsets(%dma_start3A_96 : memref<80xi32, #tpu.memory_space<vmem>>) semaphore(%run_scoped3A : memref<!tpu.dma_semaphore, #tpu.memory_space<semaphore_mem>>) {add = true}
        %dma_wait3A_99 = arith.constant 0 : i32
        %dma_wait3A_100 = tpu.memref_slice %arg11[%add3A_49, %dma_wait3A_99] : memref<125x80xi32, #tpu.memory_space<vmem>> -> memref<1x80xi32, #tpu.memory_space<vmem>>
        %dma_wait3A_101 = tpu.memref_squeeze %dma_wait3A_100 : memref<1x80xi32, #tpu.memory_space<vmem>> -> memref<80xi32, #tpu.memory_space<vmem>>
        %dma_wait3A_102 = arith.constant 0 : i32
        %dma_wait3A_103 = tpu.memref_slice %arg18[%dma_wait3A_102] : memref<10240xf32, #tpu.memory_space<vmem_shared>> -> memref<10240xf32, #tpu.memory_space<vmem_shared>>
        tpu.wait_indirect_dma semaphore(%run_scoped3A : memref<!tpu.dma_semaphore, #tpu.memory_space<semaphore_mem>>) src(%arg17 : memref<80xf32, #tpu.memory_space<vmem>>) dst(%dma_wait3A_103 : memref<10240xf32, #tpu.memory_space<vmem_shared>>)
        tpu.yield
      }) : () -> ()
      %add3A_50 = arith.constant 1 : i32
      %add3A_51 = arith.addi %mul3A_11, %add3A_50 : i32
      %add3A_52 = arith.constant 2 : i32
      %add3A_53 = arith.addi %add3A_51, %add3A_52 : i32
      %dma_start3A_54 = arith.constant 0 : i32
      %dma_start3A_55 = tpu.memref_slice %arg10[%add3A_53, %dma_start3A_54] : memref<125x80xi32, #tpu.memory_space<vmem>> -> memref<1x80xi32, #tpu.memory_space<vmem>>
      %dma_start3A_56 = tpu.memref_squeeze %dma_start3A_55 : memref<1x80xi32, #tpu.memory_space<vmem>> -> memref<80xi32, #tpu.memory_space<vmem>>
      %dma_start3A_57 = arith.constant 0 : i32
      %dma_start3A_58 = arith.constant 0 : i32
      %dma_start3A_59 = tpu.memref_slice %arg5[%dma_start3A_57, %dma_start3A_58] : memref<10240x128xf32, #tpu.memory_space<hbm>> -> memref<10240x128xf32, #tpu.memory_space<hbm>>
      tpu.enqueue_indirect_dma source(%dma_start3A_59 : memref<10240x128xf32, #tpu.memory_space<hbm>>) target(%arg13 : memref<80x128xf32, #tpu.memory_space<vmem>>) offsets(%dma_start3A_56 : memref<80xi32, #tpu.memory_space<vmem>>) semaphore(%arg16 : memref<!tpu.dma_semaphore, #tpu.memory_space<semaphore_mem>>)
      %dma_wait3A_60 = arith.constant 0 : i32
      %dma_wait3A_61 = tpu.memref_slice %arg10[%add3A_35, %dma_wait3A_60] : memref<125x80xi32, #tpu.memory_space<vmem>> -> memref<1x80xi32, #tpu.memory_space<vmem>>
      %dma_wait3A_62 = tpu.memref_squeeze %dma_wait3A_61 : memref<1x80xi32, #tpu.memory_space<vmem>> -> memref<80xi32, #tpu.memory_space<vmem>>
      %dma_wait3A_63 = arith.constant 0 : i32
      %dma_wait3A_64 = arith.constant 0 : i32
      %dma_wait3A_65 = tpu.memref_slice %arg5[%dma_wait3A_63, %dma_wait3A_64] : memref<10240x128xf32, #tpu.memory_space<hbm>> -> memref<10240x128xf32, #tpu.memory_space<hbm>>
      tpu.wait_indirect_dma semaphore(%arg15 : memref<!tpu.dma_semaphore, #tpu.memory_space<semaphore_mem>>) src(%dma_wait3A_65 : memref<10240x128xf32, #tpu.memory_space<hbm>>) dst(%arg12 : memref<80x128xf32, #tpu.memory_space<vmem>>)
      %add3A_66 = arith.constant 2 : i32
      %add3A_67 = arith.addi %mul3A_11, %add3A_66 : i32
      "tpu.region"() ({
        %run_scoped3A = tpu.sem_alloc : memref<!tpu.dma_semaphore, #tpu.memory_space<semaphore_mem>>
        %dma_start3A_94 = arith.constant 0 : i32
        %dma_start3A_95 = tpu.memref_slice %arg11[%add3A_67, %dma_start3A_94] : memref<125x80xi32, #tpu.memory_space<vmem>> -> memref<1x80xi32, #tpu.memory_space<vmem>>
        %dma_start3A_96 = tpu.memref_squeeze %dma_start3A_95 : memref<1x80xi32, #tpu.memory_space<vmem>> -> memref<80xi32, #tpu.memory_space<vmem>>
        %dma_start3A_97 = arith.constant 0 : i32
        %dma_start3A_98 = arith.constant 0 : i32
        %dma_start3A_99 = tpu.memref_slice %arg14[%dma_start3A_97, %dma_start3A_98] : memref<10240x128xf32, #tpu.memory_space<vmem_shared>> -> memref<10240x128xf32, #tpu.memory_space<vmem_shared>>
        tpu.enqueue_indirect_dma source(%arg12 : memref<80x128xf32, #tpu.memory_space<vmem>>) target(%dma_start3A_99 : memref<10240x128xf32, #tpu.memory_space<vmem_shared>>) offsets(%dma_start3A_96 : memref<80xi32, #tpu.memory_space<vmem>>) semaphore(%run_scoped3A : memref<!tpu.dma_semaphore, #tpu.memory_space<semaphore_mem>>) {add = true}
        %dma_wait3A_100 = arith.constant 0 : i32
        %dma_wait3A_101 = tpu.memref_slice %arg11[%add3A_67, %dma_wait3A_100] : memref<125x80xi32, #tpu.memory_space<vmem>> -> memref<1x80xi32, #tpu.memory_space<vmem>>
        %dma_wait3A_102 = tpu.memref_squeeze %dma_wait3A_101 : memref<1x80xi32, #tpu.memory_space<vmem>> -> memref<80xi32, #tpu.memory_space<vmem>>
        %dma_wait3A_103 = arith.constant 0 : i32
        %dma_wait3A_104 = arith.constant 0 : i32
        %dma_wait3A_105 = tpu.memref_slice %arg14[%dma_wait3A_103, %dma_wait3A_104] : memref<10240x128xf32, #tpu.memory_space<vmem_shared>> -> memref<10240x128xf32, #tpu.memory_space<vmem_shared>>
        tpu.wait_indirect_dma semaphore(%run_scoped3A : memref<!tpu.dma_semaphore, #tpu.memory_space<semaphore_mem>>) src(%arg12 : memref<80x128xf32, #tpu.memory_space<vmem>>) dst(%dma_wait3A_105 : memref<10240x128xf32, #tpu.memory_space<vmem_shared>>)
        tpu.yield
      }) : () -> ()
      "tpu.region"() ({
        %run_scoped3A = tpu.sem_alloc : memref<!tpu.dma_semaphore, #tpu.memory_space<semaphore_mem>>
        %dma_start3A_94 = arith.constant 0 : i32
        %dma_start3A_95 = tpu.memref_slice %arg11[%add3A_67, %dma_start3A_94] : memref<125x80xi32, #tpu.memory_space<vmem>> -> memref<1x80xi32, #tpu.memory_space<vmem>>
        %dma_start3A_96 = tpu.memref_squeeze %dma_start3A_95 : memref<1x80xi32, #tpu.memory_space<vmem>> -> memref<80xi32, #tpu.memory_space<vmem>>
        %dma_start3A_97 = arith.constant 0 : i32
        %dma_start3A_98 = tpu.memref_slice %arg18[%dma_start3A_97] : memref<10240xf32, #tpu.memory_space<vmem_shared>> -> memref<10240xf32, #tpu.memory_space<vmem_shared>>
        tpu.enqueue_indirect_dma source(%arg17 : memref<80xf32, #tpu.memory_space<vmem>>) target(%dma_start3A_98 : memref<10240xf32, #tpu.memory_space<vmem_shared>>) offsets(%dma_start3A_96 : memref<80xi32, #tpu.memory_space<vmem>>) semaphore(%run_scoped3A : memref<!tpu.dma_semaphore, #tpu.memory_space<semaphore_mem>>) {add = true}
        %dma_wait3A_99 = arith.constant 0 : i32
        %dma_wait3A_100 = tpu.memref_slice %arg11[%add3A_67, %dma_wait3A_99] : memref<125x80xi32, #tpu.memory_space<vmem>> -> memref<1x80xi32, #tpu.memory_space<vmem>>
        %dma_wait3A_101 = tpu.memref_squeeze %dma_wait3A_100 : memref<1x80xi32, #tpu.memory_space<vmem>> -> memref<80xi32, #tpu.memory_space<vmem>>
        %dma_wait3A_102 = arith.constant 0 : i32
        %dma_wait3A_103 = tpu.memref_slice %arg18[%dma_wait3A_102] : memref<10240xf32, #tpu.memory_space<vmem_shared>> -> memref<10240xf32, #tpu.memory_space<vmem_shared>>
        tpu.wait_indirect_dma semaphore(%run_scoped3A : memref<!tpu.dma_semaphore, #tpu.memory_space<semaphore_mem>>) src(%arg17 : memref<80xf32, #tpu.memory_space<vmem>>) dst(%dma_wait3A_103 : memref<10240xf32, #tpu.memory_space<vmem_shared>>)
        tpu.yield
      }) : () -> ()
      %add3A_68 = arith.constant 2 : i32
      %add3A_69 = arith.addi %mul3A_11, %add3A_68 : i32
      %add3A_70 = arith.constant 2 : i32
      %add3A_71 = arith.addi %add3A_69, %add3A_70 : i32
      %dma_start3A_72 = arith.constant 0 : i32
      %dma_start3A_73 = tpu.memref_slice %arg10[%add3A_71, %dma_start3A_72] : memref<125x80xi32, #tpu.memory_space<vmem>> -> memref<1x80xi32, #tpu.memory_space<vmem>>
      %dma_start3A_74 = tpu.memref_squeeze %dma_start3A_73 : memref<1x80xi32, #tpu.memory_space<vmem>> -> memref<80xi32, #tpu.memory_space<vmem>>
      %dma_start3A_75 = arith.constant 0 : i32
      %dma_start3A_76 = arith.constant 0 : i32
      %dma_start3A_77 = tpu.memref_slice %arg5[%dma_start3A_75, %dma_start3A_76] : memref<10240x128xf32, #tpu.memory_space<hbm>> -> memref<10240x128xf32, #tpu.memory_space<hbm>>
      tpu.enqueue_indirect_dma source(%dma_start3A_77 : memref<10240x128xf32, #tpu.memory_space<hbm>>) target(%arg12 : memref<80x128xf32, #tpu.memory_space<vmem>>) offsets(%dma_start3A_74 : memref<80xi32, #tpu.memory_space<vmem>>) semaphore(%arg15 : memref<!tpu.dma_semaphore, #tpu.memory_space<semaphore_mem>>)
      %dma_wait3A_78 = arith.constant 0 : i32
      %dma_wait3A_79 = tpu.memref_slice %arg10[%add3A_53, %dma_wait3A_78] : memref<125x80xi32, #tpu.memory_space<vmem>> -> memref<1x80xi32, #tpu.memory_space<vmem>>
      %dma_wait3A_80 = tpu.memref_squeeze %dma_wait3A_79 : memref<1x80xi32, #tpu.memory_space<vmem>> -> memref<80xi32, #tpu.memory_space<vmem>>
      %dma_wait3A_81 = arith.constant 0 : i32
      %dma_wait3A_82 = arith.constant 0 : i32
      %dma_wait3A_83 = tpu.memref_slice %arg5[%dma_wait3A_81, %dma_wait3A_82] : memref<10240x128xf32, #tpu.memory_space<hbm>> -> memref<10240x128xf32, #tpu.memory_space<hbm>>
      tpu.wait_indirect_dma semaphore(%arg16 : memref<!tpu.dma_semaphore, #tpu.memory_space<semaphore_mem>>) src(%dma_wait3A_83 : memref<10240x128xf32, #tpu.memory_space<hbm>>) dst(%arg13 : memref<80x128xf32, #tpu.memory_space<vmem>>)
      %add3A_84 = arith.constant 3 : i32
      %add3A_85 = arith.addi %mul3A_11, %add3A_84 : i32
      "tpu.region"() ({
        %run_scoped3A = tpu.sem_alloc : memref<!tpu.dma_semaphore, #tpu.memory_space<semaphore_mem>>
        %dma_start3A_94 = arith.constant 0 : i32
        %dma_start3A_95 = tpu.memref_slice %arg11[%add3A_85, %dma_start3A_94] : memref<125x80xi32, #tpu.memory_space<vmem>> -> memref<1x80xi32, #tpu.memory_space<vmem>>
        %dma_start3A_96 = tpu.memref_squeeze %dma_start3A_95 : memref<1x80xi32, #tpu.memory_space<vmem>> -> memref<80xi32, #tpu.memory_space<vmem>>
        %dma_start3A_97 = arith.constant 0 : i32
        %dma_start3A_98 = arith.constant 0 : i32
        %dma_start3A_99 = tpu.memref_slice %arg14[%dma_start3A_97, %dma_start3A_98] : memref<10240x128xf32, #tpu.memory_space<vmem_shared>> -> memref<10240x128xf32, #tpu.memory_space<vmem_shared>>
        tpu.enqueue_indirect_dma source(%arg13 : memref<80x128xf32, #tpu.memory_space<vmem>>) target(%dma_start3A_99 : memref<10240x128xf32, #tpu.memory_space<vmem_shared>>) offsets(%dma_start3A_96 : memref<80xi32, #tpu.memory_space<vmem>>) semaphore(%run_scoped3A : memref<!tpu.dma_semaphore, #tpu.memory_space<semaphore_mem>>) {add = true}
        %dma_wait3A_100 = arith.constant 0 : i32
        %dma_wait3A_101 = tpu.memref_slice %arg11[%add3A_85, %dma_wait3A_100] : memref<125x80xi32, #tpu.memory_space<vmem>> -> memref<1x80xi32, #tpu.memory_space<vmem>>
        %dma_wait3A_102 = tpu.memref_squeeze %dma_wait3A_101 : memref<1x80xi32, #tpu.memory_space<vmem>> -> memref<80xi32, #tpu.memory_space<vmem>>
        %dma_wait3A_103 = arith.constant 0 : i32
        %dma_wait3A_104 = arith.constant 0 : i32
        %dma_wait3A_105 = tpu.memref_slice %arg14[%dma_wait3A_103, %dma_wait3A_104] : memref<10240x128xf32, #tpu.memory_space<vmem_shared>> -> memref<10240x128xf32, #tpu.memory_space<vmem_shared>>
        tpu.wait_indirect_dma semaphore(%run_scoped3A : memref<!tpu.dma_semaphore, #tpu.memory_space<semaphore_mem>>) src(%arg13 : memref<80x128xf32, #tpu.memory_space<vmem>>) dst(%dma_wait3A_105 : memref<10240x128xf32, #tpu.memory_space<vmem_shared>>)
        tpu.yield
      }) : () -> ()
      "tpu.region"() ({
        %run_scoped3A = tpu.sem_alloc : memref<!tpu.dma_semaphore, #tpu.memory_space<semaphore_mem>>
        %dma_start3A_94 = arith.constant 0 : i32
        %dma_start3A_95 = tpu.memref_slice %arg11[%add3A_85, %dma_start3A_94] : memref<125x80xi32, #tpu.memory_space<vmem>> -> memref<1x80xi32, #tpu.memory_space<vmem>>
        %dma_start3A_96 = tpu.memref_squeeze %dma_start3A_95 : memref<1x80xi32, #tpu.memory_space<vmem>> -> memref<80xi32, #tpu.memory_space<vmem>>
        %dma_start3A_97 = arith.constant 0 : i32
        %dma_start3A_98 = tpu.memref_slice %arg18[%dma_start3A_97] : memref<10240xf32, #tpu.memory_space<vmem_shared>> -> memref<10240xf32, #tpu.memory_space<vmem_shared>>
        tpu.enqueue_indirect_dma source(%arg17 : memref<80xf32, #tpu.memory_space<vmem>>) target(%dma_start3A_98 : memref<10240xf32, #tpu.memory_space<vmem_shared>>) offsets(%dma_start3A_96 : memref<80xi32, #tpu.memory_space<vmem>>) semaphore(%run_scoped3A : memref<!tpu.dma_semaphore, #tpu.memory_space<semaphore_mem>>) {add = true}
        %dma_wait3A_99 = arith.constant 0 : i32
        %dma_wait3A_100 = tpu.memref_slice %arg11[%add3A_85, %dma_wait3A_99] : memref<125x80xi32, #tpu.memory_space<vmem>> -> memref<1x80xi32, #tpu.memory_space<vmem>>
        %dma_wait3A_101 = tpu.memref_squeeze %dma_wait3A_100 : memref<1x80xi32, #tpu.memory_space<vmem>> -> memref<80xi32, #tpu.memory_space<vmem>>
        %dma_wait3A_102 = arith.constant 0 : i32
        %dma_wait3A_103 = tpu.memref_slice %arg18[%dma_wait3A_102] : memref<10240xf32, #tpu.memory_space<vmem_shared>> -> memref<10240xf32, #tpu.memory_space<vmem_shared>>
        tpu.wait_indirect_dma semaphore(%run_scoped3A : memref<!tpu.dma_semaphore, #tpu.memory_space<semaphore_mem>>) src(%arg17 : memref<80xf32, #tpu.memory_space<vmem>>) dst(%dma_wait3A_103 : memref<10240xf32, #tpu.memory_space<vmem_shared>>)
        tpu.yield
      }) : () -> ()
      %dma_wait3A_86 = arith.constant 0 : i32
      %dma_wait3A_87 = tpu.memref_slice %arg10[%add3A_71, %dma_wait3A_86] : memref<125x80xi32, #tpu.memory_space<vmem>> -> memref<1x80xi32, #tpu.memory_space<vmem>>
      %dma_wait3A_88 = tpu.memref_squeeze %dma_wait3A_87 : memref<1x80xi32, #tpu.memory_space<vmem>> -> memref<80xi32, #tpu.memory_space<vmem>>
      %dma_wait3A_89 = arith.constant 0 : i32
      %dma_wait3A_90 = arith.constant 0 : i32
      %dma_wait3A_91 = tpu.memref_slice %arg5[%dma_wait3A_89, %dma_wait3A_90] : memref<10240x128xf32, #tpu.memory_space<hbm>> -> memref<10240x128xf32, #tpu.memory_space<hbm>>
      tpu.wait_indirect_dma semaphore(%arg15 : memref<!tpu.dma_semaphore, #tpu.memory_space<semaphore_mem>>) src(%dma_wait3A_91 : memref<10240x128xf32, #tpu.memory_space<hbm>>) dst(%arg12 : memref<80x128xf32, #tpu.memory_space<vmem>>)
      %add3A_92 = arith.constant 4 : i32
      %add3A_93 = arith.addi %mul3A_11, %add3A_92 : i32
      "tpu.region"() ({
        %run_scoped3A = tpu.sem_alloc : memref<!tpu.dma_semaphore, #tpu.memory_space<semaphore_mem>>
        %dma_start3A_94 = arith.constant 0 : i32
        %dma_start3A_95 = tpu.memref_slice %arg11[%add3A_93, %dma_start3A_94] : memref<125x80xi32, #tpu.memory_space<vmem>> -> memref<1x80xi32, #tpu.memory_space<vmem>>
        %dma_start3A_96 = tpu.memref_squeeze %dma_start3A_95 : memref<1x80xi32, #tpu.memory_space<vmem>> -> memref<80xi32, #tpu.memory_space<vmem>>
        %dma_start3A_97 = arith.constant 0 : i32
        %dma_start3A_98 = arith.constant 0 : i32
        %dma_start3A_99 = tpu.memref_slice %arg14[%dma_start3A_97, %dma_start3A_98] : memref<10240x128xf32, #tpu.memory_space<vmem_shared>> -> memref<10240x128xf32, #tpu.memory_space<vmem_shared>>
        tpu.enqueue_indirect_dma source(%arg12 : memref<80x128xf32, #tpu.memory_space<vmem>>) target(%dma_start3A_99 : memref<10240x128xf32, #tpu.memory_space<vmem_shared>>) offsets(%dma_start3A_96 : memref<80xi32, #tpu.memory_space<vmem>>) semaphore(%run_scoped3A : memref<!tpu.dma_semaphore, #tpu.memory_space<semaphore_mem>>) {add = true}
        %dma_wait3A_100 = arith.constant 0 : i32
        %dma_wait3A_101 = tpu.memref_slice %arg11[%add3A_93, %dma_wait3A_100] : memref<125x80xi32, #tpu.memory_space<vmem>> -> memref<1x80xi32, #tpu.memory_space<vmem>>
        %dma_wait3A_102 = tpu.memref_squeeze %dma_wait3A_101 : memref<1x80xi32, #tpu.memory_space<vmem>> -> memref<80xi32, #tpu.memory_space<vmem>>
        %dma_wait3A_103 = arith.constant 0 : i32
        %dma_wait3A_104 = arith.constant 0 : i32
        %dma_wait3A_105 = tpu.memref_slice %arg14[%dma_wait3A_103, %dma_wait3A_104] : memref<10240x128xf32, #tpu.memory_space<vmem_shared>> -> memref<10240x128xf32, #tpu.memory_space<vmem_shared>>
        tpu.wait_indirect_dma semaphore(%run_scoped3A : memref<!tpu.dma_semaphore, #tpu.memory_space<semaphore_mem>>) src(%arg12 : memref<80x128xf32, #tpu.memory_space<vmem>>) dst(%dma_wait3A_105 : memref<10240x128xf32, #tpu.memory_space<vmem_shared>>)
        tpu.yield
      }) : () -> ()
      "tpu.region"() ({
        %run_scoped3A = tpu.sem_alloc : memref<!tpu.dma_semaphore, #tpu.memory_space<semaphore_mem>>
        %dma_start3A_94 = arith.constant 0 : i32
        %dma_start3A_95 = tpu.memref_slice %arg11[%add3A_93, %dma_start3A_94] : memref<125x80xi32, #tpu.memory_space<vmem>> -> memref<1x80xi32, #tpu.memory_space<vmem>>
        %dma_start3A_96 = tpu.memref_squeeze %dma_start3A_95 : memref<1x80xi32, #tpu.memory_space<vmem>> -> memref<80xi32, #tpu.memory_space<vmem>>
        %dma_start3A_97 = arith.constant 0 : i32
        %dma_start3A_98 = tpu.memref_slice %arg18[%dma_start3A_97] : memref<10240xf32, #tpu.memory_space<vmem_shared>> -> memref<10240xf32, #tpu.memory_space<vmem_shared>>
        tpu.enqueue_indirect_dma source(%arg17 : memref<80xf32, #tpu.memory_space<vmem>>) target(%dma_start3A_98 : memref<10240xf32, #tpu.memory_space<vmem_shared>>) offsets(%dma_start3A_96 : memref<80xi32, #tpu.memory_space<vmem>>) semaphore(%run_scoped3A : memref<!tpu.dma_semaphore, #tpu.memory_space<semaphore_mem>>) {add = true}
        %dma_wait3A_99 = arith.constant 0 : i32
        %dma_wait3A_100 = tpu.memref_slice %arg11[%add3A_93, %dma_wait3A_99] : memref<125x80xi32, #tpu.memory_space<vmem>> -> memref<1x80xi32, #tpu.memory_space<vmem>>
        %dma_wait3A_101 = tpu.memref_squeeze %dma_wait3A_100 : memref<1x80xi32, #tpu.memory_space<vmem>> -> memref<80xi32, #tpu.memory_space<vmem>>
        %dma_wait3A_102 = arith.constant 0 : i32
        %dma_wait3A_103 = tpu.memref_slice %arg18[%dma_wait3A_102] : memref<10240xf32, #tpu.memory_space<vmem_shared>> -> memref<10240xf32, #tpu.memory_space<vmem_shared>>
        tpu.wait_indirect_dma semaphore(%run_scoped3A : memref<!tpu.dma_semaphore, #tpu.memory_space<semaphore_mem>>) src(%arg17 : memref<80xf32, #tpu.memory_space<vmem>>) dst(%dma_wait3A_103 : memref<10240xf32, #tpu.memory_space<vmem_shared>>)
        tpu.yield
      }) : () -> ()
    }
    %scan3A_7 = arith.constant 25 : i32
    %barrier3A_8 = arith.constant 0 : index
    tpu.barrier barrier_id(%barrier3A_8)
    "tpu.region"() ({
      %run_scoped3A = tpu.sem_alloc : memref<!tpu.dma_semaphore, #tpu.memory_space<semaphore_mem>>
      %dma_start3A = arith.constant 0 : i32
      %dma_start3A_9 = tpu.memref_slice %arg8[%arg0, %mul3A_2, %dma_start3A] : memref<2x10240x128xf32, #tpu.memory_space<hbm>> -> memref<1x640x128xf32, #tpu.memory_space<hbm>>
      %dma_start3A_10 = tpu.memref_squeeze %dma_start3A_9 : memref<1x640x128xf32, #tpu.memory_space<hbm>> -> memref<640x128xf32, #tpu.memory_space<hbm>>
      %dma_start3A_11 = arith.constant 0 : i32
      %dma_start3A_12 = tpu.memref_slice %arg14[%mul3A_2, %dma_start3A_11] : memref<10240x128xf32, #tpu.memory_space<vmem_shared>> -> memref<640x128xf32, #tpu.memory_space<vmem_shared>>
      tpu.enqueue_dma source(%dma_start3A_12 : memref<640x128xf32, #tpu.memory_space<vmem_shared>>) target(%dma_start3A_10 : memref<640x128xf32, #tpu.memory_space<hbm>>) target_semaphore(%run_scoped3A : memref<!tpu.dma_semaphore, #tpu.memory_space<semaphore_mem>>)
      %dma_wait3A = arith.constant 0 : i32
      %dma_wait3A_13 = tpu.memref_slice %arg8[%arg0, %mul3A_2, %dma_wait3A] : memref<2x10240x128xf32, #tpu.memory_space<hbm>> -> memref<1x640x128xf32, #tpu.memory_space<hbm>>
      %dma_wait3A_14 = tpu.memref_squeeze %dma_wait3A_13 : memref<1x640x128xf32, #tpu.memory_space<hbm>> -> memref<640x128xf32, #tpu.memory_space<hbm>>
      %dma_wait3A_15 = arith.constant 0 : i32
      %dma_wait3A_16 = tpu.memref_slice %arg14[%mul3A_2, %dma_wait3A_15] : memref<10240x128xf32, #tpu.memory_space<vmem_shared>> -> memref<640x128xf32, #tpu.memory_space<vmem_shared>>
      tpu.wait_dma2 semaphore(%run_scoped3A : memref<!tpu.dma_semaphore, #tpu.memory_space<semaphore_mem>>) src(%dma_wait3A_16 : memref<640x128xf32, #tpu.memory_space<vmem_shared>>) dst(%dma_wait3A_14 : memref<640x128xf32, #tpu.memory_space<hbm>>)
      tpu.yield
    }) : () -> ()
    "tpu.region"() ({
      %run_scoped3A = tpu.sem_alloc : memref<!tpu.dma_semaphore, #tpu.memory_space<semaphore_mem>>
      %dma_start3A = tpu.memref_slice %arg9[%arg0, %mul3A_2] : memref<2x10240xf32, #tpu.memory_space<hbm>> -> memref<1x640xf32, #tpu.memory_space<hbm>>
      %dma_start3A_9 = tpu.memref_squeeze %dma_start3A : memref<1x640xf32, #tpu.memory_space<hbm>> -> memref<640xf32, #tpu.memory_space<hbm>>
      %dma_start3A_10 = tpu.memref_slice %arg18[%mul3A_2] : memref<10240xf32, #tpu.memory_space<vmem_shared>> -> memref<640xf32, #tpu.memory_space<vmem_shared>>
      tpu.enqueue_dma source(%dma_start3A_10 : memref<640xf32, #tpu.memory_space<vmem_shared>>) target(%dma_start3A_9 : memref<640xf32, #tpu.memory_space<hbm>>) target_semaphore(%run_scoped3A : memref<!tpu.dma_semaphore, #tpu.memory_space<semaphore_mem>>)
      %dma_wait3A = tpu.memref_slice %arg9[%arg0, %mul3A_2] : memref<2x10240xf32, #tpu.memory_space<hbm>> -> memref<1x640xf32, #tpu.memory_space<hbm>>
      %dma_wait3A_11 = tpu.memref_squeeze %dma_wait3A : memref<1x640xf32, #tpu.memory_space<hbm>> -> memref<640xf32, #tpu.memory_space<hbm>>
      %dma_wait3A_12 = tpu.memref_slice %arg18[%mul3A_2] : memref<10240xf32, #tpu.memory_space<vmem_shared>> -> memref<640xf32, #tpu.memory_space<vmem_shared>>
      tpu.wait_dma2 semaphore(%run_scoped3A : memref<!tpu.dma_semaphore, #tpu.memory_space<semaphore_mem>>) src(%dma_wait3A_12 : memref<640xf32, #tpu.memory_space<vmem_shared>>) dst(%dma_wait3A_11 : memref<640xf32, #tpu.memory_space<hbm>>)
      tpu.yield
    }) : () -> ()
    return
  }
}

module attributes {stable_mosaic.version = 14 : i64} {
  func.func @_entry_body(%arg0: i32, %arg1: memref<1024x128xf32, #tpu.memory_space<vmem>>, %arg2: memref<128x128xf32, #tpu.memory_space<vmem>>, %arg3: memref<128x128xf32, #tpu.memory_space<vmem>>, %arg4: memref<1x128xf32, #tpu.memory_space<vmem>>, %arg5: memref<1024x128xf32, #tpu.memory_space<vmem>>, %arg6: memref<1024x128xf32, #tpu.memory_space<vmem>>) attributes {dimension_semantics = [#tpu.dimension_semantics<arbitrary>], iteration_bounds = array<i64: 10>, scalar_prefetch = 0 : i64, scratch_operands = 0 : i64, tpu.core_type = #tpu.core_type<tc>, window_params = [{transform_indices = @transform_0, window_bounds = array<i64: 1024, 128>}, {pipeline_mode = #tpu.pipeline_mode<synchronous>, transform_indices = @transform_1, window_bounds = array<i64: 128, 128>}, {pipeline_mode = #tpu.pipeline_mode<synchronous>, transform_indices = @transform_2, window_bounds = array<i64: 128, 128>}, {pipeline_mode = #tpu.pipeline_mode<synchronous>, transform_indices = @transform_3, window_bounds = array<i64: 1, 128>}, {transform_indices = @transform_4, window_bounds = array<i64: 1024, 128>}, {transform_indices = @transform_5, window_bounds = array<i64: 1024, 128>}]} {
    %get3A = arith.constant 0 : index
    %get3A_0 = arith.constant 0 : index
    %get3A_1 = vector.load %arg1[%get3A, %get3A_0] : memref<1024x128xf32, #tpu.memory_space<vmem>>, vector<1024x128xf32>
    %get3A_2 = arith.constant 0 : index
    %get3A_3 = arith.constant 0 : index
    %get3A_4 = vector.load %arg2[%get3A_2, %get3A_3] : memref<128x128xf32, #tpu.memory_space<vmem>>, vector<128x128xf32>
    %dot_general3A = arith.constant dense<0.000000e+00> : vector<1024x128xf32>
    %dot_general3A_5 = tpu.matmul %get3A_1, %get3A_4, %dot_general3A {dimension_numbers = #tpu.dot_dimension_numbers<[1], [0], [0], [1], [0, 0, 1, 1], [], []>, transpose_lhs_hint = false} : vector<1024x128xf32>, vector<128x128xf32>, vector<1024x128xf32> -> vector<1024x128xf32>
    %swap3A = arith.constant 0 : index
    %swap3A_6 = arith.constant 0 : index
    %swap3A_7 = vector.load %arg5[%swap3A, %swap3A_6] : memref<1024x128xf32, #tpu.memory_space<vmem>>, vector<1024x128xf32>
    tpu.vector_store %arg5[%swap3A, %swap3A_6], %dot_general3A_5 {strides = array<i32>} : memref<1024x128xf32, #tpu.memory_space<vmem>>, vector<1024x128xf32>,
    %get3A_8 = arith.constant 0 : index
    %get3A_9 = arith.constant 0 : index
    %get3A_10 = vector.load %arg3[%get3A_8, %get3A_9] : memref<128x128xf32, #tpu.memory_space<vmem>>, vector<128x128xf32>
    %dot_general3A_11 = arith.constant dense<0.000000e+00> : vector<1024x128xf32>
    %dot_general3A_12 = tpu.matmul %get3A_1, %get3A_10, %dot_general3A_11 {dimension_numbers = #tpu.dot_dimension_numbers<[1], [0], [0], [1], [0, 0, 1, 1], [], []>, transpose_lhs_hint = false} : vector<1024x128xf32>, vector<128x128xf32>, vector<1024x128xf32> -> vector<1024x128xf32>
    %get3A_13 = arith.constant 0 : index
    %get3A_14 = arith.constant 0 : index
    %get3A_15 = vector.load %arg4[%get3A_13, %get3A_14] : memref<1x128xf32, #tpu.memory_space<vmem>>, vector<1x128xf32>
    %add3A = vector.broadcast %get3A_15 : vector<1x128xf32> to vector<1024x128xf32>
    %add3A_16 = arith.addf %dot_general3A_12, %add3A : vector<1024x128xf32>
    %swap3A_17 = arith.constant 0 : index
    %swap3A_18 = arith.constant 0 : index
    %swap3A_19 = vector.load %arg6[%swap3A_17, %swap3A_18] : memref<1024x128xf32, #tpu.memory_space<vmem>>, vector<1024x128xf32>
    tpu.vector_store %arg6[%swap3A_17, %swap3A_18], %add3A_16 {strides = array<i32>} : memref<1024x128xf32, #tpu.memory_space<vmem>>, vector<1024x128xf32>,
    return
  }
  func.func @transform_0(%arg0: i32) -> (i32, i32) {
    %c0_i32 = arith.constant 0 : i32
    %c0_i32_0 = arith.constant 0 : i32
    return %arg0, %c0_i32 : i32, i32
  }
  func.func @transform_1(%arg0: i32) -> (i32, i32) {
    %c0_i32 = arith.constant 0 : i32
    %c0_i32_0 = arith.constant 0 : i32
    %c0_i32_1 = arith.constant 0 : i32
    return %c0_i32, %c0_i32_0 : i32, i32
  }
  func.func @transform_2(%arg0: i32) -> (i32, i32) {
    %c0_i32 = arith.constant 0 : i32
    %c0_i32_0 = arith.constant 0 : i32
    %c0_i32_1 = arith.constant 0 : i32
    return %c0_i32, %c0_i32_0 : i32, i32
  }
  func.func @transform_3(%arg0: i32) -> (i32, i32) {
    %c0_i32 = arith.constant 0 : i32
    %c0_i32_0 = arith.constant 0 : i32
    %c0_i32_1 = arith.constant 0 : i32
    return %c0_i32, %c0_i32_0 : i32, i32
  }
  func.func @transform_4(%arg0: i32) -> (i32, i32) {
    %c0_i32 = arith.constant 0 : i32
    %c0_i32_0 = arith.constant 0 : i32
    return %arg0, %c0_i32 : i32, i32
  }
  func.func @transform_5(%arg0: i32) -> (i32, i32) {
    %c0_i32 = arith.constant 0 : i32
    %c0_i32_0 = arith.constant 0 : i32
    return %arg0, %c0_i32 : i32, i32
  }
}

module attributes {stable_mosaic.version = 14 : i64} {
  func.func @_mid_body(%arg0: i32, %arg1: memref<1024x128xf32, #tpu.memory_space<vmem>>, %arg2: memref<2x1024x128xf32, #tpu.memory_space<vmem>>, %arg3: memref<1024x2xf32, #tpu.memory_space<vmem>>, %arg4: memref<128x128xf32, #tpu.memory_space<vmem>>, %arg5: memref<128x128xf32, #tpu.memory_space<vmem>>, %arg6: memref<1x128xf32, #tpu.memory_space<vmem>>, %arg7: memref<1024x128xf32, #tpu.memory_space<vmem>>, %arg8: memref<1024x128xf32, #tpu.memory_space<vmem>>) attributes {dimension_semantics = [#tpu.dimension_semantics<arbitrary>], iteration_bounds = array<i64: 10>, scalar_prefetch = 0 : i64, scratch_operands = 0 : i64, tpu.core_type = #tpu.core_type<tc>, window_params = [{transform_indices = @transform_0, window_bounds = array<i64: 1024, 128>}, {transform_indices = @transform_1, window_bounds = array<i64: 2, 1024, 128>}, {transform_indices = @transform_2, window_bounds = array<i64: 1024, 2>}, {pipeline_mode = #tpu.pipeline_mode<synchronous>, transform_indices = @transform_3, window_bounds = array<i64: 128, 128>}, {pipeline_mode = #tpu.pipeline_mode<synchronous>, transform_indices = @transform_4, window_bounds = array<i64: 128, 128>}, {pipeline_mode = #tpu.pipeline_mode<synchronous>, transform_indices = @transform_5, window_bounds = array<i64: 1, 128>}, {transform_indices = @transform_6, window_bounds = array<i64: 1024, 128>}, {transform_indices = @transform_7, window_bounds = array<i64: 1024, 128>}]} {
    %get3A = arith.constant 0 : index
    %get3A_0 = arith.constant 0 : index
    %get3A_1 = vector.load %arg3[%get3A, %get3A_0] : memref<1024x2xf32, #tpu.memory_space<vmem>>, vector<1024x1xf32>
    %get3A_2 = arith.constant 0 : index
    %get3A_3 = arith.constant 1 : index
    %get3A_4 = vector.load %arg3[%get3A_2, %get3A_3] : memref<1024x2xf32, #tpu.memory_space<vmem>>, vector<1024x1xf32>
    %add3A = arith.addf %get3A_1, %get3A_4 : vector<1024x1xf32>
    %max3A = arith.constant 1.000000e+00 : f32
    %max3A_5 = vector.broadcast %max3A : f32 to vector<1024x1xf32>
    %max3A_6 = arith.maximumf %add3A, %max3A_5 : vector<1024x1xf32>
    %get3A_7 = arith.constant 0 : index
    %get3A_8 = arith.constant 0 : index
    %get3A_9 = vector.load %arg1[%get3A_7, %get3A_8] : memref<1024x128xf32, #tpu.memory_space<vmem>>, vector<1024x128xf32>
    %get3A_10 = arith.constant 0 : index
    %get3A_11 = arith.constant 0 : index
    %get3A_12 = arith.constant 0 : index
    %get3A_13 = vector.load %arg2[%get3A_10, %get3A_11, %get3A_12] : memref<2x1024x128xf32, #tpu.memory_space<vmem>>, vector<1x1024x128xf32>
    %get3A_14 = vector.shape_cast %get3A_13 : vector<1x1024x128xf32> to vector<1024x128xf32>
    %get3A_15 = arith.constant 1 : index
    %get3A_16 = arith.constant 0 : index
    %get3A_17 = arith.constant 0 : index
    %get3A_18 = vector.load %arg2[%get3A_15, %get3A_16, %get3A_17] : memref<2x1024x128xf32, #tpu.memory_space<vmem>>, vector<1x1024x128xf32>
    %get3A_19 = vector.shape_cast %get3A_18 : vector<1x1024x128xf32> to vector<1024x128xf32>
    %add3A_20 = arith.addf %get3A_14, %get3A_19 : vector<1024x128xf32>
    %div3A = vector.broadcast %max3A_6 : vector<1024x1xf32> to vector<1024x128xf32>
    %div3A_21 = arith.divf %add3A_20, %div3A : vector<1024x128xf32>
    %add3A_22 = arith.addf %get3A_9, %div3A_21 : vector<1024x128xf32>
    %max3A_23 = arith.constant 0.000000e+00 : f32
    %max3A_24 = vector.broadcast %max3A_23 : f32 to vector<1024x128xf32>
    %max3A_25 = arith.maximumf %add3A_22, %max3A_24 : vector<1024x128xf32>
    %get3A_26 = arith.constant 0 : index
    %get3A_27 = arith.constant 0 : index
    %get3A_28 = vector.load %arg4[%get3A_26, %get3A_27] : memref<128x128xf32, #tpu.memory_space<vmem>>, vector<128x128xf32>
    %dot_general3A = arith.constant dense<0.000000e+00> : vector<1024x128xf32>
    %dot_general3A_29 = tpu.matmul %max3A_25, %get3A_28, %dot_general3A {dimension_numbers = #tpu.dot_dimension_numbers<[1], [0], [0], [1], [0, 0, 1, 1], [], []>, transpose_lhs_hint = false} : vector<1024x128xf32>, vector<128x128xf32>, vector<1024x128xf32> -> vector<1024x128xf32>
    %swap3A = arith.constant 0 : index
    %swap3A_30 = arith.constant 0 : index
    %swap3A_31 = vector.load %arg7[%swap3A, %swap3A_30] : memref<1024x128xf32, #tpu.memory_space<vmem>>, vector<1024x128xf32>
    tpu.vector_store %arg7[%swap3A, %swap3A_30], %dot_general3A_29 {strides = array<i32>} : memref<1024x128xf32, #tpu.memory_space<vmem>>, vector<1024x128xf32>,
    %get3A_32 = arith.constant 0 : index
    %get3A_33 = arith.constant 0 : index
    %get3A_34 = vector.load %arg5[%get3A_32, %get3A_33] : memref<128x128xf32, #tpu.memory_space<vmem>>, vector<128x128xf32>
    %dot_general3A_35 = arith.constant dense<0.000000e+00> : vector<1024x128xf32>
    %dot_general3A_36 = tpu.matmul %max3A_25, %get3A_34, %dot_general3A_35 {dimension_numbers = #tpu.dot_dimension_numbers<[1], [0], [0], [1], [0, 0, 1, 1], [], []>, transpose_lhs_hint = false} : vector<1024x128xf32>, vector<128x128xf32>, vector<1024x128xf32> -> vector<1024x128xf32>
    %get3A_37 = arith.constant 0 : index
    %get3A_38 = arith.constant 0 : index
    %get3A_39 = vector.load %arg6[%get3A_37, %get3A_38] : memref<1x128xf32, #tpu.memory_space<vmem>>, vector<1x128xf32>
    %add3A_40 = vector.broadcast %get3A_39 : vector<1x128xf32> to vector<1024x128xf32>
    %add3A_41 = arith.addf %dot_general3A_36, %add3A_40 : vector<1024x128xf32>
    %swap3A_42 = arith.constant 0 : index
    %swap3A_43 = arith.constant 0 : index
    %swap3A_44 = vector.load %arg8[%swap3A_42, %swap3A_43] : memref<1024x128xf32, #tpu.memory_space<vmem>>, vector<1024x128xf32>
    tpu.vector_store %arg8[%swap3A_42, %swap3A_43], %add3A_41 {strides = array<i32>} : memref<1024x128xf32, #tpu.memory_space<vmem>>, vector<1024x128xf32>,
    return
  }
  func.func @transform_0(%arg0: i32) -> (i32, i32) {
    %c0_i32 = arith.constant 0 : i32
    %c0_i32_0 = arith.constant 0 : i32
    return %arg0, %c0_i32 : i32, i32
  }
  func.func @transform_1(%arg0: i32) -> (i32, i32, i32) {
    %c0_i32 = arith.constant 0 : i32
    %c0_i32_0 = arith.constant 0 : i32
    %c0_i32_1 = arith.constant 0 : i32
    return %c0_i32, %arg0, %c0_i32_0 : i32, i32, i32
  }
  func.func @transform_2(%arg0: i32) -> (i32, i32) {
    %c0_i32 = arith.constant 0 : i32
    %c0_i32_0 = arith.constant 0 : i32
    return %arg0, %c0_i32 : i32, i32
  }
  func.func @transform_3(%arg0: i32) -> (i32, i32) {
    %c0_i32 = arith.constant 0 : i32
    %c0_i32_0 = arith.constant 0 : i32
    %c0_i32_1 = arith.constant 0 : i32
    return %c0_i32, %c0_i32_0 : i32, i32
  }
  func.func @transform_4(%arg0: i32) -> (i32, i32) {
    %c0_i32 = arith.constant 0 : i32
    %c0_i32_0 = arith.constant 0 : i32
    %c0_i32_1 = arith.constant 0 : i32
    return %c0_i32, %c0_i32_0 : i32, i32
  }
  func.func @transform_5(%arg0: i32) -> (i32, i32) {
    %c0_i32 = arith.constant 0 : i32
    %c0_i32_0 = arith.constant 0 : i32
    %c0_i32_1 = arith.constant 0 : i32
    return %c0_i32, %c0_i32_0 : i32, i32
  }
  func.func @transform_6(%arg0: i32) -> (i32, i32) {
    %c0_i32 = arith.constant 0 : i32
    %c0_i32_0 = arith.constant 0 : i32
    return %arg0, %c0_i32 : i32, i32
  }
  func.func @transform_7(%arg0: i32) -> (i32, i32) {
    %c0_i32 = arith.constant 0 : i32
    %c0_i32_0 = arith.constant 0 : i32
    return %arg0, %c0_i32 : i32, i32
  }
}

module attributes {stable_mosaic.version = 14 : i64} {
  func.func @_mid_body(%arg0: i32, %arg1: memref<1024x128xf32, #tpu.memory_space<vmem>>, %arg2: memref<2x1024x128xf32, #tpu.memory_space<vmem>>, %arg3: memref<1024x2xf32, #tpu.memory_space<vmem>>, %arg4: memref<128x64xf32, #tpu.memory_space<vmem>>, %arg5: memref<128x64xf32, #tpu.memory_space<vmem>>, %arg6: memref<1x64xf32, #tpu.memory_space<vmem>>, %arg7: memref<1024x64xf32, #tpu.memory_space<vmem>>, %arg8: memref<1024x64xf32, #tpu.memory_space<vmem>>) attributes {dimension_semantics = [#tpu.dimension_semantics<arbitrary>], iteration_bounds = array<i64: 10>, scalar_prefetch = 0 : i64, scratch_operands = 0 : i64, tpu.core_type = #tpu.core_type<tc>, window_params = [{transform_indices = @transform_0, window_bounds = array<i64: 1024, 128>}, {transform_indices = @transform_1, window_bounds = array<i64: 2, 1024, 128>}, {transform_indices = @transform_2, window_bounds = array<i64: 1024, 2>}, {pipeline_mode = #tpu.pipeline_mode<synchronous>, transform_indices = @transform_3, window_bounds = array<i64: 128, 64>}, {pipeline_mode = #tpu.pipeline_mode<synchronous>, transform_indices = @transform_4, window_bounds = array<i64: 128, 64>}, {pipeline_mode = #tpu.pipeline_mode<synchronous>, transform_indices = @transform_5, window_bounds = array<i64: 1, 64>}, {transform_indices = @transform_6, window_bounds = array<i64: 1024, 64>}, {transform_indices = @transform_7, window_bounds = array<i64: 1024, 64>}]} {
    %get3A = arith.constant 0 : index
    %get3A_0 = arith.constant 0 : index
    %get3A_1 = vector.load %arg3[%get3A, %get3A_0] : memref<1024x2xf32, #tpu.memory_space<vmem>>, vector<1024x1xf32>
    %get3A_2 = arith.constant 0 : index
    %get3A_3 = arith.constant 1 : index
    %get3A_4 = vector.load %arg3[%get3A_2, %get3A_3] : memref<1024x2xf32, #tpu.memory_space<vmem>>, vector<1024x1xf32>
    %add3A = arith.addf %get3A_1, %get3A_4 : vector<1024x1xf32>
    %max3A = arith.constant 1.000000e+00 : f32
    %max3A_5 = vector.broadcast %max3A : f32 to vector<1024x1xf32>
    %max3A_6 = arith.maximumf %add3A, %max3A_5 : vector<1024x1xf32>
    %get3A_7 = arith.constant 0 : index
    %get3A_8 = arith.constant 0 : index
    %get3A_9 = vector.load %arg1[%get3A_7, %get3A_8] : memref<1024x128xf32, #tpu.memory_space<vmem>>, vector<1024x128xf32>
    %get3A_10 = arith.constant 0 : index
    %get3A_11 = arith.constant 0 : index
    %get3A_12 = arith.constant 0 : index
    %get3A_13 = vector.load %arg2[%get3A_10, %get3A_11, %get3A_12] : memref<2x1024x128xf32, #tpu.memory_space<vmem>>, vector<1x1024x128xf32>
    %get3A_14 = vector.shape_cast %get3A_13 : vector<1x1024x128xf32> to vector<1024x128xf32>
    %get3A_15 = arith.constant 1 : index
    %get3A_16 = arith.constant 0 : index
    %get3A_17 = arith.constant 0 : index
    %get3A_18 = vector.load %arg2[%get3A_15, %get3A_16, %get3A_17] : memref<2x1024x128xf32, #tpu.memory_space<vmem>>, vector<1x1024x128xf32>
    %get3A_19 = vector.shape_cast %get3A_18 : vector<1x1024x128xf32> to vector<1024x128xf32>
    %add3A_20 = arith.addf %get3A_14, %get3A_19 : vector<1024x128xf32>
    %div3A = vector.broadcast %max3A_6 : vector<1024x1xf32> to vector<1024x128xf32>
    %div3A_21 = arith.divf %add3A_20, %div3A : vector<1024x128xf32>
    %add3A_22 = arith.addf %get3A_9, %div3A_21 : vector<1024x128xf32>
    %max3A_23 = arith.constant 0.000000e+00 : f32
    %max3A_24 = vector.broadcast %max3A_23 : f32 to vector<1024x128xf32>
    %max3A_25 = arith.maximumf %add3A_22, %max3A_24 : vector<1024x128xf32>
    %get3A_26 = arith.constant 0 : index
    %get3A_27 = arith.constant 0 : index
    %get3A_28 = vector.load %arg4[%get3A_26, %get3A_27] : memref<128x64xf32, #tpu.memory_space<vmem>>, vector<128x64xf32>
    %dot_general3A = arith.constant dense<0.000000e+00> : vector<1024x64xf32>
    %dot_general3A_29 = tpu.matmul %max3A_25, %get3A_28, %dot_general3A {dimension_numbers = #tpu.dot_dimension_numbers<[1], [0], [0], [1], [0, 0, 1, 1], [], []>, transpose_lhs_hint = false} : vector<1024x128xf32>, vector<128x64xf32>, vector<1024x64xf32> -> vector<1024x64xf32>
    %swap3A = arith.constant 0 : index
    %swap3A_30 = arith.constant 0 : index
    %swap3A_31 = vector.load %arg7[%swap3A, %swap3A_30] : memref<1024x64xf32, #tpu.memory_space<vmem>>, vector<1024x64xf32>
    tpu.vector_store %arg7[%swap3A, %swap3A_30], %dot_general3A_29 {strides = array<i32>} : memref<1024x64xf32, #tpu.memory_space<vmem>>, vector<1024x64xf32>,
    %get3A_32 = arith.constant 0 : index
    %get3A_33 = arith.constant 0 : index
    %get3A_34 = vector.load %arg5[%get3A_32, %get3A_33] : memref<128x64xf32, #tpu.memory_space<vmem>>, vector<128x64xf32>
    %dot_general3A_35 = arith.constant dense<0.000000e+00> : vector<1024x64xf32>
    %dot_general3A_36 = tpu.matmul %max3A_25, %get3A_34, %dot_general3A_35 {dimension_numbers = #tpu.dot_dimension_numbers<[1], [0], [0], [1], [0, 0, 1, 1], [], []>, transpose_lhs_hint = false} : vector<1024x128xf32>, vector<128x64xf32>, vector<1024x64xf32> -> vector<1024x64xf32>
    %get3A_37 = arith.constant 0 : index
    %get3A_38 = arith.constant 0 : index
    %get3A_39 = vector.load %arg6[%get3A_37, %get3A_38] : memref<1x64xf32, #tpu.memory_space<vmem>>, vector<1x64xf32>
    %add3A_40 = vector.broadcast %get3A_39 : vector<1x64xf32> to vector<1024x64xf32>
    %add3A_41 = arith.addf %dot_general3A_36, %add3A_40 : vector<1024x64xf32>
    %swap3A_42 = arith.constant 0 : index
    %swap3A_43 = arith.constant 0 : index
    %swap3A_44 = vector.load %arg8[%swap3A_42, %swap3A_43] : memref<1024x64xf32, #tpu.memory_space<vmem>>, vector<1024x64xf32>
    tpu.vector_store %arg8[%swap3A_42, %swap3A_43], %add3A_41 {strides = array<i32>} : memref<1024x64xf32, #tpu.memory_space<vmem>>, vector<1024x64xf32>,
    return
  }
  func.func @transform_0(%arg0: i32) -> (i32, i32) {
    %c0_i32 = arith.constant 0 : i32
    %c0_i32_0 = arith.constant 0 : i32
    return %arg0, %c0_i32 : i32, i32
  }
  func.func @transform_1(%arg0: i32) -> (i32, i32, i32) {
    %c0_i32 = arith.constant 0 : i32
    %c0_i32_0 = arith.constant 0 : i32
    %c0_i32_1 = arith.constant 0 : i32
    return %c0_i32, %arg0, %c0_i32_0 : i32, i32, i32
  }
  func.func @transform_2(%arg0: i32) -> (i32, i32) {
    %c0_i32 = arith.constant 0 : i32
    %c0_i32_0 = arith.constant 0 : i32
    return %arg0, %c0_i32 : i32, i32
  }
  func.func @transform_3(%arg0: i32) -> (i32, i32) {
    %c0_i32 = arith.constant 0 : i32
    %c0_i32_0 = arith.constant 0 : i32
    %c0_i32_1 = arith.constant 0 : i32
    return %c0_i32, %c0_i32_0 : i32, i32
  }
  func.func @transform_4(%arg0: i32) -> (i32, i32) {
    %c0_i32 = arith.constant 0 : i32
    %c0_i32_0 = arith.constant 0 : i32
    %c0_i32_1 = arith.constant 0 : i32
    return %c0_i32, %c0_i32_0 : i32, i32
  }
  func.func @transform_5(%arg0: i32) -> (i32, i32) {
    %c0_i32 = arith.constant 0 : i32
    %c0_i32_0 = arith.constant 0 : i32
    %c0_i32_1 = arith.constant 0 : i32
    return %c0_i32, %c0_i32_0 : i32, i32
  }
  func.func @transform_6(%arg0: i32) -> (i32, i32) {
    %c0_i32 = arith.constant 0 : i32
    %c0_i32_0 = arith.constant 0 : i32
    return %arg0, %c0_i32 : i32, i32
  }
  func.func @transform_7(%arg0: i32) -> (i32, i32) {
    %c0_i32 = arith.constant 0 : i32
    %c0_i32_0 = arith.constant 0 : i32
    return %arg0, %c0_i32 : i32, i32
  }
}

module attributes {stable_mosaic.version = 14 : i64} {
  func.func @_fin_body(%arg0: i32, %arg1: memref<1024x64xf32, #tpu.memory_space<vmem>>, %arg2: memref<2x1024x64xf32, #tpu.memory_space<vmem>>, %arg3: memref<1024x2xf32, #tpu.memory_space<vmem>>, %arg4: memref<1024x64xf32, #tpu.memory_space<vmem>>) attributes {dimension_semantics = [#tpu.dimension_semantics<arbitrary>], iteration_bounds = array<i64: 10>, scalar_prefetch = 0 : i64, scratch_operands = 0 : i64, tpu.core_type = #tpu.core_type<tc>, window_params = [{transform_indices = @transform_0, window_bounds = array<i64: 1024, 64>}, {transform_indices = @transform_1, window_bounds = array<i64: 2, 1024, 64>}, {transform_indices = @transform_2, window_bounds = array<i64: 1024, 2>}, {transform_indices = @transform_3, window_bounds = array<i64: 1024, 64>}]} {
    %get3A = arith.constant 0 : index
    %get3A_0 = arith.constant 0 : index
    %get3A_1 = vector.load %arg3[%get3A, %get3A_0] : memref<1024x2xf32, #tpu.memory_space<vmem>>, vector<1024x1xf32>
    %get3A_2 = arith.constant 0 : index
    %get3A_3 = arith.constant 1 : index
    %get3A_4 = vector.load %arg3[%get3A_2, %get3A_3] : memref<1024x2xf32, #tpu.memory_space<vmem>>, vector<1024x1xf32>
    %add3A = arith.addf %get3A_1, %get3A_4 : vector<1024x1xf32>
    %max3A = arith.constant 1.000000e+00 : f32
    %max3A_5 = vector.broadcast %max3A : f32 to vector<1024x1xf32>
    %max3A_6 = arith.maximumf %add3A, %max3A_5 : vector<1024x1xf32>
    %get3A_7 = arith.constant 0 : index
    %get3A_8 = arith.constant 0 : index
    %get3A_9 = vector.load %arg1[%get3A_7, %get3A_8] : memref<1024x64xf32, #tpu.memory_space<vmem>>, vector<1024x64xf32>
    %get3A_10 = arith.constant 0 : index
    %get3A_11 = arith.constant 0 : index
    %get3A_12 = arith.constant 0 : index
    %get3A_13 = vector.load %arg2[%get3A_10, %get3A_11, %get3A_12] : memref<2x1024x64xf32, #tpu.memory_space<vmem>>, vector<1x1024x64xf32>
    %get3A_14 = vector.shape_cast %get3A_13 : vector<1x1024x64xf32> to vector<1024x64xf32>
    %get3A_15 = arith.constant 1 : index
    %get3A_16 = arith.constant 0 : index
    %get3A_17 = arith.constant 0 : index
    %get3A_18 = vector.load %arg2[%get3A_15, %get3A_16, %get3A_17] : memref<2x1024x64xf32, #tpu.memory_space<vmem>>, vector<1x1024x64xf32>
    %get3A_19 = vector.shape_cast %get3A_18 : vector<1x1024x64xf32> to vector<1024x64xf32>
    %add3A_20 = arith.addf %get3A_14, %get3A_19 : vector<1024x64xf32>
    %div3A = vector.broadcast %max3A_6 : vector<1024x1xf32> to vector<1024x64xf32>
    %div3A_21 = arith.divf %add3A_20, %div3A : vector<1024x64xf32>
    %add3A_22 = arith.addf %get3A_9, %div3A_21 : vector<1024x64xf32>
    %swap3A = arith.constant 0 : index
    %swap3A_23 = arith.constant 0 : index
    %swap3A_24 = vector.load %arg4[%swap3A, %swap3A_23] : memref<1024x64xf32, #tpu.memory_space<vmem>>, vector<1024x64xf32>
    tpu.vector_store %arg4[%swap3A, %swap3A_23], %add3A_22 {strides = array<i32>} : memref<1024x64xf32, #tpu.memory_space<vmem>>, vector<1024x64xf32>,
    return
  }
  func.func @transform_0(%arg0: i32) -> (i32, i32) {
    %c0_i32 = arith.constant 0 : i32
    %c0_i32_0 = arith.constant 0 : i32
    return %arg0, %c0_i32 : i32, i32
  }
  func.func @transform_1(%arg0: i32) -> (i32, i32, i32) {
    %c0_i32 = arith.constant 0 : i32
    %c0_i32_0 = arith.constant 0 : i32
    %c0_i32_1 = arith.constant 0 : i32
    return %c0_i32, %arg0, %c0_i32_0 : i32, i32, i32
  }
  func.func @transform_2(%arg0: i32) -> (i32, i32) {
    %c0_i32 = arith.constant 0 : i32
    %c0_i32_0 = arith.constant 0 : i32
    return %arg0, %c0_i32 : i32, i32
  }
  func.func @transform_3(%arg0: i32) -> (i32, i32) {
    %c0_i32 = arith.constant 0 : i32
    %c0_i32_0 = arith.constant 0 : i32
    return %arg0, %c0_i32 : i32, i32
  }
}

</mosaic_0001>

<sc_bundles>
// kernel: kernel.12.cloned.1.call-start
scs
__scs_entry_jumppad:
0x0: {  	(pc) =	sbr.rel $0x88, $3  }
0x1: {  	(tag) =	ssettag $0x0;
	lr =	simm.s32 $0x1  }
0x2: {  	[smem:$0x3F96] =	sst lr;
	_ =	strace $0xD0000000  }
0x3: {  	_ = 	snop  }
0x4: {  	_ = 	snop  }
0x5: {  	_ = 	snop  }
0x6: {  	_ = 	snop  }
0x7: {  	_ = 	snop  }
__scs_overlays_trampoline_lowered:
0x8: {  	[smem:$0x3FA5] =	sst s0  }
0x9: {  	[smem:$0x3FA6] =	sst s1  }
0xa: {  	[smem:$0x3FA7] =	sst s2  }
0xb: {  	[smem:$0x3FA8] =	sst s3  }
0xc: {  	[smem:$0x3FA9] =	sst s4  }
0xd: {  	[smem:$0x3FAA] =	sst s5  }
0xe: {  	[smem:$0x3FAB] =	sst s6  }
0xf: {  	[smem:$0x3FAC] =	sst s7  }
0x10: {  	[smem:$0x3FAD] =	sst s8  }
0x11: {  	[smem:$0x3FAE] =	sst s9;
	s0 =	simm.s32 @!p0 $0x0  }
0x12: {  	s1 =	sld [smem:$0x3F94];
	s0 =	simm.s32 @p0 $0x1  }
0x13: {  	[smem:$0x3FAF] =	sst s0;
	s0 =	simm.s32 @!p1 $0x0  }
0x14: {  	s2 =	sld [smem:$0x3F93];
	s0 =	simm.s32 @p1 $0x1  }
0x15: {  	[smem:$0x3FB0] =	sst s0;
	s0 =	simm.s32 @!p2 $0x0  }
0x16: {  	s3 =	sld [smem:$0x3FDB];
	s0 =	simm.s32 @p2 $0x1  }
0x17: {  	s4 =	simm.s32 $0x1BF5;
	[smem:$0x3FB2] =	sst s0  }
0x18: {  	s0 =	sld [smem:$0x3F95];
	_ =	swait.ge [sflag:s4], $0x0  }
0x19: {  	s7 =	sld [smem:$0x3F96]  }
0x1a: {  	s8 =	sadd.s32 $0xFFFFE003, lr  }
0x1b: {  	s9 =	sadd.s32 $0xFFFFFEF7, lr;
	s5 =	simm.s32 $0xFFFFFFFF;
	p2 =	slt.u32 s8, $0xFFFFF086  }
0x1c: {  	p1 =	slt.u32 s9, $0xF7A;
	s5 =	simm.s32 @!p2 $0x0  }
0x1d: {  	s5 =	simm.s32 @p1 $0x1;
	p0 =	seq.s32 s7, s2  }
0x1e: {  	s7 =	smul.u32 @!p0 $0xF7A, s2;
	p2 =	seq.s32 @!p0 s5, $0x0  }
0x1f: {  	s9 =	smul.u32 $0xF7A, s1;
	s8 =	simm.s32 @!p0 $0x1BF5;
	p2 =	por !p2, p0  }
0x20: {  	[sflag:s8] =	ssyncset.s32 @!p0 $0xFFFFF086;
	s6 =	sadd.s32 @!p0 s3, s7;
	s7 =	simm.s32 @!p0 $0x108  }
0x21: {  	s3 =	sadd.s32 s3, s9;
	s6 =	sadd.s32 @!p0 $0x88, s6;
	s7 =	simm.s32 @p2 $0x1082  }
0x22: {  	[simem:s7], [sflag:s8] =	dma.local @!p0 [hbm:s6], $0xF7A  }
0x23: {  	s9 =	sor.u32 $0xD0000000, s2;
	s6 =	simm.s32 $0x108;
	_ =	swait.ge @!p0 [sflag:s8], $0x0  }
0x24: {  	s3 =	sadd.s32 $0x88, s3;
	s6 =	simm.s32 @!p1 $0x1082;
	[sflag:s4] =	ssyncset.s32 $0xFFFFF086  }
0x25: {  	[simem:s6], [sflag:s4] =	dma.local [hbm:s3], $0xF7A  }
0x26: {  	[smem:$0x3F96] =	sst s1;
	(tag) =	ssettag s2;
	_ =	strace s9  }
0x27: {  	s1 =	sld [smem:$0x3FA6]  }
0x28: {  	s2 =	sld [smem:$0x3FA7]  }
0x29: {  	s4 =	sld [smem:$0x3FA9]  }
0x2a: {  	p0 =	seq.s32 s5, $0x0;
	s5 =	sld [smem:$0x3FAA]  }
0x2b: {  	s6 =	sld [smem:$0x3FAB]  }
0x2c: {  	s7 =	sld [smem:$0x3FAC]  }
0x2d: {  	s3 =	simm.s32 $0x108;
	s8 =	sld [smem:$0x3FAD]  }
0x2e: {  	s3 =	simm.s32 @!p0 $0x1082;
	s9 =	sld [smem:$0x3FAE]  }
0x2f: {  	lr =	sadd.s32 s0, s3;
	s0 =	sld [smem:$0x3FA5]  }
0x30: {  	s3 =	sld [smem:$0x3FA8]  }
0x31: {  	[smem:$0x3FB1] =	sst s10  }
0x32: {  	s10 =	sld [smem:$0x3FAF];
	_ =	sdelay $0x3  }
0x33: {  	p0 =	seq.s32 s10, $0x1;
	s10 =	sld [smem:$0x3FB1];
	_ =	sdelay $0x3  }
0x34: {  	[smem:$0x3FB1] =	sst s10  }
0x35: {  	s10 =	sld [smem:$0x3FB0];
	_ =	sdelay $0x3  }
0x36: {  	p1 =	seq.s32 s10, $0x1;
	s10 =	sld [smem:$0x3FB1];
	_ =	sdelay $0x3  }
0x37: {  	[smem:$0x3FB1] =	sst s10  }
0x38: {  	s10 =	sld [smem:$0x3FB2]  }
0x39: {  	_ = 	snop;
	(pc) =	sbr.ind lr, $3  }
0x3a: {  	_ = 	snop  }
0x3b: {  	_ = 	snop  }
0x3c: {  	p2 =	seq.s32 s10, $0x1;
	s10 =	sld [smem:$0x3FB1]  }
0x3d: {  	_ =	shalt  }
0x3e: {  	_ =	shalt  }
0x3f: {  	_ =	shalt  }
0x40: {  	_ =	shalt  }
0x41: {  	_ =	shalt  }
0x42: {  	_ =	shalt  }
0x43: {  	_ =	shalt  }
0x44: {  	_ =	shalt  }
0x45: {  	_ =	shalt  }
0x46: {  	_ =	shalt  }
0x47: {  	_ =	shalt  }
0x48: {  	_ =	shalt  }
0x49: {  	_ =	shalt  }
0x4a: {  	_ =	shalt  }
0x4b: {  	_ =	shalt  }
0x4c: {  	_ =	shalt  }
0x4d: {  	_ =	shalt  }
0x4e: {  	_ =	shalt  }
0x4f: {  	_ =	shalt  }
0x50: {  	_ =	shalt  }
0x51: {  	_ =	shalt  }
0x52: {  	_ =	shalt  }
0x53: {  	_ =	shalt  }
0x54: {  	_ =	shalt  }
0x55: {  	_ =	shalt  }
0x56: {  	_ =	shalt  }
0x57: {  	_ =	shalt  }
0x58: {  	_ =	shalt  }
0x59: {  	_ =	shalt  }
0x5a: {  	_ =	shalt  }
0x5b: {  	_ =	shalt  }
0x5c: {  	_ =	shalt  }
0x5d: {  	_ =	shalt  }
0x5e: {  	_ =	shalt  }
0x5f: {  	_ =	shalt  }
0x60: {  	_ =	shalt  }
0x61: {  	_ =	shalt  }
0x62: {  	_ =	shalt  }
0x63: {  	_ =	shalt  }
0x64: {  	_ =	shalt  }
0x65: {  	_ =	shalt  }
0x66: {  	_ =	shalt  }
0x67: {  	_ =	shalt  }
0x68: {  	_ =	shalt  }
0x69: {  	_ =	shalt  }
0x6a: {  	_ =	shalt  }
0x6b: {  	_ =	shalt  }
0x6c: {  	_ =	shalt  }
0x6d: {  	_ =	shalt  }
0x6e: {  	_ =	shalt  }
0x6f: {  	_ =	shalt  }
0x70: {  	_ =	shalt  }
0x71: {  	_ =	shalt  }
0x72: {  	_ =	shalt  }
0x73: {  	_ =	shalt  }
0x74: {  	_ =	shalt  }
0x75: {  	_ =	shalt  }
0x76: {  	_ =	shalt  }
0x77: {  	_ =	shalt  }
0x78: {  	_ =	shalt  }
0x79: {  	_ =	shalt  }
0x7a: {  	_ =	shalt  }
0x7b: {  	_ =	shalt  }
0x7c: {  	_ =	shalt  }
0x7d: {  	_ =	shalt  }
0x7e: {  	_ =	shalt  }
0x7f: {  	_ =	shalt  }
0x80: {  	_ =	shalt  }
0x81: {  	_ =	shalt  }
0x82: {  	_ =	shalt  }
0x83: {  	_ =	shalt  }
0x84: {  	_ =	shalt  }
0x85: {  	_ =	shalt  }
0x86: {  	_ =	shalt  }
0x87: {  	_ =	shalt  }
.Lfunc_end0:
.L_simem_size_0:
called_computation.1_lowered:
.L_overlay_start_0:
0x88: {  	s2 =	sld [smem:$0x3FD9]  }
0x89: {  	s3 =	sld [smem:$0x3FFE];
	_ =	sdelay $0x1  }
0x8a: {  	s1 =	srdreg.scid  }
0x8b: {  	s0 =	sand.u32 $0x1, s1  }
0x8c: {  	s17 =	sshll.u32 s0, $0xA;
	s2 =	sadd.s32 s3, s2  }
0x8d: {  	s2 =	sadd.s32 s2, s17  }
0x8e: {  	[smem:$0x3FBD] =	sst s2  }
0x8f: {  	_ = 	snop  }
0x90: {  	s2 =	sld [smem:$0x3FD0];
	(tm) =	ssettm $0x1  }
0x91: {  	s18 =	sld [smem:$0x3FFB];
	_ =	sdelay $0x3  }
0x92: {  	_ =	strace s18  }
0x93: {  	s3 =	sld [smem:$0x3FFC];
	_ =	sdelay $0x3  }
0x94: {  	_ =	strace s3  }
0x95: {  	s3 =	sld [smem:$0x3FFD];
	_ =	sdelay $0x3  }
0x96: {  	_ =	strace s3  }
0x97: {  	_ =	strace $0x8FFFFFFF  }
0x98: {  	s19 =	sld [smem:$0x3FDB];
	_ =	sdelay $0x1  }
0x99: {  	s4 =	simm.s32 $_scs_section_size  }
0x9a: {  	s5 =	simm.s32 $_size__tile_overlayer_lowered;
	s6 =	simm.s32 $_tile_overlayer_lowered  }
0x9b: {  	s22 =	simm.s32 $0x1BFF;
	s21 =	sshll.u32 s6, $0x1;
	s3 =	sadd.s32 s4, s19  }
0x9c: {  	s7 =	simm.s32 $0x0;
	s20 =	sshll.u32 s5, $0x1;
	s5 =	sadd.s32 s21, s3  }
0x9d: {  	[timem:s7], [sflag:s22] =	dma.local [hbm:s5], s20  }
0x9e: {  	_ =	swait.ge [sflag:s22], s20  }
0x9f: {  	s4 =	ssub.s32 $0x0, s20;
	[sflag:s22] =	ssyncset.done $0x0  }
0xa0: {  	[sflag:s22] =	ssyncadd.s32 s4;
	_ =	sdelay $0x1  }
0xa1: {  	s23 =	simm.s32 $0x1B8B  }
0xa2: {  	_ =	swait.ge [sflag:s23], $0x1  }
0xa3: {  	[sflag:s23] =	ssyncset.done $0x0  }
0xa4: {  	s25 =	simm.s32 $0x1B8E;
	s24 =	sld [smem:$0x3FFE];
	[sflag:s23] =	ssyncadd.s32 $0xFFFFFFFF  }
0xa5: {  	s26 =	simm.s32 $execute0_lowered;
	[smem:$0x3FD2] =	sst s25  }
0xa6: {  	s5 =	sshll.u32 s26, $0x1;
	_ =	strace $0x80000049;
	[dreg:$0x1] =	wrdreg $0xFFFFFFFF  }
0xa7: {  	s28 =	simm.s32 $_size_execute0_lowered;
	s3 =	sadd.s32 s3, s5;
	[dreg:$0x0] =	wrdreg $0x0  }
0xa8: {  	s5 =	sshll.u32 s28, $0x1;
	[dreg:$0x2] =	wrdreg s3  }
0xa9: {  	[dreg:$0x3] =	wrdreg s5  }
0xaa: {  	[dreg:$0x4] =	wrdreg $0xC0  }
0xab: {  	_ =	task [dreg:s7], $0x5FFFF  }
0xac: {  	[dreg:$0x1] =	wrdreg $0xFFFFFFFF  }
0xad: {  	[dreg:$0x0] =	wrdreg $0x60  }
0xae: {  	[dreg:$0x2] =	wrdreg s24  }
0xaf: {  	[dreg:$0x3] =	wrdreg s2  }
0xb0: {  	[dreg:$0x4] =	wrdreg $0x9E200  }
0xb1: {  	[dreg:$0x5] =	wrdreg $0x9  }
0xb2: {  	_ =	task.clear_ibuf [dreg:s7], $0x6FFFF;
	_ =	strace $0x90000049  }
0xb3: {  	s29 =	simm.s32 $0x9;
	_ =	strace $0x8000004B  }
0xb4: {  	_ =	swait.ge [sflag:s29], $0x1  }
0xb5: {  	[sflag:s29] =	ssyncadd.s32 $0xFFFFFFFF  }
0xb6: {  	_ =	strace $0x9000004B  }
0xb7: {  	_ =	sfence  }
0xb8: {  	s30 =	sld [smem:$0x0];
	_ =	sdelay $0x2  }
0xb9: {  	s31 =	sshll.u32 s1, $0xD;
	s1 =	sshrl.u32 s1, $0x2  }
0xba: {  	s3 =	sand.u32 $0x4000, s31;
	s1 =	sadd.s32 s1, s30  }
0xbb: {  	s0 =	sor.u32 s3, s0;
	s1 =	sshll.u32 s1, $0x11  }
0xbc: {  	s0 =	sor.u32 s1, s0  }
0xbd: {  	s0 =	sadd.s32 $0x8F2B, s0  }
0xbe: {  	[sflag:s0] =	ssyncadd.remote.s32 $0x1  }
0xbf: {  	_ =	sfence.sel $0xFFFF  }
0xc0: {  	[dreg:$0x0] =	wrdreg $0xFFFFFFFF;
	(pc) =	sbr.abs _section_cstart, $3  }
0xc1: {  	[dreg:$0x1] =	wrdreg $0xFFFFFFFF  }
0xc2: {  	_ =	task.clear_ibuf [dreg:s7], $0x2FFFF;
	_ =	strace $0x9FFFFFFF  }
0xc3: {  	(tm) =	ssettm $0x7FFFFFFF  }
tec
execute0_lowered:
.L_overlay_start_1:
0x0: {  	(tag) =	ssettag $0x1  }
0x1: {  	s6 =	rddreg [dreg:$0x0]  }
0x2: {  	s7 =	rddreg [dreg:$0x1]  }
0x3: {  	s0 =	srdreg.scid;
	s2 =	rddreg [dreg:$0x2]  }
0x4: {  	s3 =	simm.s32 $0x0;
	s14 =	simm.s32 $0x50;
	s15 =	simm.s32 $0x4E20  }
0x5: {  	s16 =	simm.s32 $0x7620;
	s17 =	simm.s32 $0x1;
	s18 =	simm.s32 $0x2  }
0x6: {  	s19 =	simm.s32 $0x0;
	s5 =	sand.u32 $0x1, s0;
	s0 =	stileid.u32  }
0x7: {  	[smem:$0x7FF] =	sst s3;
	s4 =	sadd.s32 $0x34400, s6;
	s9 =	smul.u32 $0x14000, s0  }
0x8: {  	s1 =	sshll.u32 s5, $0x4;
	s10 =	smul.u32 $0x140000, s5;
	s12 =	ssub.s32 $0x2, s5  }
0x9: {  	s5 =	sadd.s32 $0xC400, s6;
	s31 =	sshll.u32 s0, $0x6;
	s1 =	sor.u32 s0, s1  }
0xa: {  	s13 =	sshrl.u32 s12, $0x1;
	s8 =	smul.u32 $0x4E2, s1;
	s1 =	rddreg [dreg:$0x3]  }
0xb: {  	_ =	strace $0x8000004A;
	s10 =	sadd.s32 s9, s10;
	s12 =	ssub.s32 s12, s13  }
0xc: {  	s30 =	sadd.s32 s9, s2;
	s10 =	sshrl.u32 s10, $0x3;
	s9 =	smax.u32 s12, $0x1  }
0xd: {  	s12 =	sor.u32 $0x1C03, s31;
	s13 =	sshrl.u32 s30, $0x3;
	s11 =	sadd.s32 s8, s6  }
0xe: {  	s10 =	sadd.s32 s10, s6;
	s7 =	sadd.s32 s7, s8;
	s6 =	sadd.s32 $0x2600, s11  }
0xf: {  	s8 =	sadd.s32 $0x36C00, s10;
	s10 =	simm.s32 $0x3;
	s11 =	simm.s32 $0x2710  }
.LBB2_1:
0x10: {  	[tilespmem:s3], [sflag:$0x3] =	stream.linear.gather [hbm4b:s6+s3], $0x2710, $0x38;
	[tilespmem:$0x1DE20] =	vst v63  }
0x11: {  	_ =	swait.ge [sflag:s10], $0x2710  }
0x12: {  	[sflag:s10] =	ssyncset.done $0x0  }
0x13: {  	[sflag:s10] =	ssyncadd.s32 $0xFFFFD8F0  }
0x14: {  	[tilespmem:s11], [sflag:$0x3] =	stream.linear.gather [hbm4b:s7+s3], $0x2710, $0x38;
	[tilespmem:$0x1DE20] =	vst v63  }
0x15: {  	_ =	swait.ge [sflag:s10], $0x2710  }
0x16: {  	[sflag:s10] =	ssyncset.done $0x0  }
0x17: {  	[sflag:s10] =	ssyncadd.s32 $0xFFFFD8F0  }
0x18: {  	[spmem:s13], [sflag:s12] =	dma.local [hbm:s4], $0x2800  }
0x19: {  	_ =	swait.ge [sflag:s10], $0x2800  }
0x1a: {  	[sflag:s10] =	ssyncset.done $0x0  }
0x1b: {  	[sflag:s10] =	ssyncadd.s32 $0xFFFFD800  }
0x1c: {  	s20 =	simm.s32 $0x0;
	[bflag:$0x0] =	sbarrier.arrive $0xFFFF  }
0x1d: {  	[tilespmem:s15], [sflag:$0x1] =	stream.indirect.gather [hbm4b:s5+s14], $0x80, s20, s14, $0xb8;
	[tilespmem:$0x1DE20] =	vst v63  }
0x1e: {  	s22 =	simm.s32 $0x50  }
0x1f: {  	[tilespmem:s16], [sflag:$0x2] =	stream.indirect.gather [hbm4b:s5+s14], $0x80, s22, s14, $0xb8;
	[tilespmem:$0x1DE20] =	vst v63  }
0x20: {  	_ =	swait.ge [sflag:s17], $0x2800  }
0x21: {  	[sflag:s17] =	ssyncset.done $0x0  }
0x22: {  	s23 =	simm.s32 $0x2710;
	[sflag:s17] =	ssyncadd.s32 $0xFFFFD800  }
0x23: {  	[spmem:s2] =	stream.indirect.scatter.add.f32 [tilespmem:s15], [sflag:$0x3], $0x80, s23, s14, $0xb8;
	[tilespmem:$0x1DE20] =	vst v63  }
0x24: {  	_ =	swait.ge [sflag:s10], $0x2800  }
0x25: {  	[sflag:s10] =	ssyncset.done $0x0  }
0x26: {  	s24 =	simm.s32 $0xA0;
	[sflag:s10] =	ssyncadd.s32 $0xFFFFD800  }
0x27: {  	[tilespmem:s15], [sflag:$0x1] =	stream.indirect.gather [hbm4b:s5+s14], $0x80, s24, s14, $0xb8;
	[tilespmem:$0x1DE20] =	vst v63  }
0x28: {  	_ =	swait.ge [sflag:s18], $0x2800  }
0x29: {  	[sflag:s18] =	ssyncset.done $0x0  }
0x2a: {  	s25 =	simm.s32 $0x2760;
	[sflag:s18] =	ssyncadd.s32 $0xFFFFD800  }
0x2b: {  	[spmem:s2] =	stream.indirect.scatter.add.f32 [tilespmem:s16], [sflag:$0x3], $0x80, s25, s14, $0xb8;
	[tilespmem:$0x1DE20] =	vst v63  }
0x2c: {  	_ =	swait.ge [sflag:s10], $0x2800  }
0x2d: {  	[sflag:s10] =	ssyncset.done $0x0  }
0x2e: {  	s26 =	simm.s32 $0xF0;
	[sflag:s10] =	ssyncadd.s32 $0xFFFFD800  }
0x2f: {  	[tilespmem:s16], [sflag:$0x2] =	stream.indirect.gather [hbm4b:s5+s14], $0x80, s26, s14, $0xb8;
	[tilespmem:$0x1DE20] =	vst v63  }
0x30: {  	_ =	swait.ge [sflag:s17], $0x2800  }
0x31: {  	[sflag:s17] =	ssyncset.done $0x0  }
0x32: {  	s28 =	simm.s32 $0x27B0;
	[sflag:s17] =	ssyncadd.s32 $0xFFFFD800  }
0x33: {  	[spmem:s2] =	stream.indirect.scatter.add.f32 [tilespmem:s15], [sflag:$0x3], $0x80, s28, s14, $0xb8;
	[tilespmem:$0x1DE20] =	vst v63  }
0x34: {  	_ =	swait.ge [sflag:s10], $0x2800  }
0x35: {  	[sflag:s10] =	ssyncset.done $0x0  }
0x36: {  	s29 =	simm.s32 $0x140;
	[sflag:s10] =	ssyncadd.s32 $0xFFFFD800  }
0x37: {  	[tilespmem:s15], [sflag:$0x1] =	stream.indirect.gather [hbm4b:s5+s14], $0x80, s29, s14, $0xb8;
	[tilespmem:$0x1DE20] =	vst v63  }
0x38: {  	_ =	swait.ge [sflag:s18], $0x2800  }
0x39: {  	[sflag:s18] =	ssyncset.done $0x0  }
0x3a: {  	s30 =	simm.s32 $0x2800;
	[sflag:s18] =	ssyncadd.s32 $0xFFFFD800  }
0x3b: {  	[spmem:s2] =	stream.indirect.scatter.add.f32 [tilespmem:s16], [sflag:$0x3], $0x80, s30, s14, $0xb8;
	[tilespmem:$0x1DE20] =	vst v63  }
0x3c: {  	_ =	swait.ge [sflag:s10], $0x2800  }
0x3d: {  	[sflag:s10] =	ssyncset.done $0x0  }
0x3e: {  	[sflag:s10] =	ssyncadd.s32 $0xFFFFD800  }
0x3f: {  	_ =	swait.ge [sflag:s17], $0x2800  }
0x40: {  	[sflag:s17] =	ssyncset.done $0x0  }
0x41: {  	s31 =	simm.s32 $0x2850;
	[sflag:s17] =	ssyncadd.s32 $0xFFFFD800  }
0x42: {  	[spmem:s2] =	stream.indirect.scatter.add.f32 [tilespmem:s15], [sflag:$0x3], $0x80, s31, s14, $0xb8;
	[tilespmem:$0x1DE20] =	vst v63  }
0x43: {  	_ =	swait.ge [sflag:s10], $0x2800  }
0x44: {  	s20 =	simm.s32 $0x640;
	s23 =	simm.s32 $0xC80;
	[sflag:s10] =	ssyncset.done $0x0  }
.LBB2_2:
0x45: {  	s22 =	sshra.s32 s20, $0x2  }
0x46: {  	[sflag:s10] =	ssyncadd.s32 $0xFFFFD800;
	s20 =	smov.u32 s23;
	s21 =	sadd.s32 $0x640, s23  }
0x47: {  	[tilespmem:s15], [sflag:$0x1] =	stream.indirect.gather [hbm4b:s5+s14], $0x80, s22, s14, $0xb8;
	[tilespmem:$0x1DE20] =	vst v63  }
0x48: {  	p0 =	sne.s32 s23, $0x9600;
	s23 =	sadd.s32 $0x50, s22  }
0x49: {  	[tilespmem:s16], [sflag:$0x2] =	stream.indirect.gather [hbm4b:s5+s14], $0x80, s23, s14, $0xb8;
	[tilespmem:$0x1DE20] =	vst v63  }
0x4a: {  	_ =	swait.ge [sflag:s17], $0x2800  }
0x4b: {  	[sflag:s17] =	ssyncset.done $0x0  }
0x4c: {  	s23 =	sadd.s32 $0x2710, s22;
	[sflag:s17] =	ssyncadd.s32 $0xFFFFD800  }
0x4d: {  	[spmem:s2] =	stream.indirect.scatter.add.f32 [tilespmem:s15], [sflag:$0x3], $0x80, s23, s14, $0xb8;
	[tilespmem:$0x1DE20] =	vst v63  }
0x4e: {  	_ =	swait.ge [sflag:s10], $0x2800  }
0x4f: {  	[sflag:s10] =	ssyncset.done $0x0  }
0x50: {  	s23 =	sadd.s32 $0xA0, s22;
	[sflag:s10] =	ssyncadd.s32 $0xFFFFD800  }
0x51: {  	[tilespmem:s15], [sflag:$0x1] =	stream.indirect.gather [hbm4b:s5+s14], $0x80, s23, s14, $0xb8;
	[tilespmem:$0x1DE20] =	vst v63  }
0x52: {  	_ =	swait.ge [sflag:s18], $0x2800  }
0x53: {  	[sflag:s18] =	ssyncset.done $0x0  }
0x54: {  	s23 =	sadd.s32 $0x2760, s22;
	[sflag:s18] =	ssyncadd.s32 $0xFFFFD800  }
0x55: {  	[spmem:s2] =	stream.indirect.scatter.add.f32 [tilespmem:s16], [sflag:$0x3], $0x80, s23, s14, $0xb8;
	[tilespmem:$0x1DE20] =	vst v63  }
0x56: {  	_ =	swait.ge [sflag:s10], $0x2800  }
0x57: {  	[sflag:s10] =	ssyncset.done $0x0  }
0x58: {  	s23 =	sadd.s32 $0xF0, s22;
	[sflag:s10] =	ssyncadd.s32 $0xFFFFD800  }
0x59: {  	[tilespmem:s16], [sflag:$0x2] =	stream.indirect.gather [hbm4b:s5+s14], $0x80, s23, s14, $0xb8;
	[tilespmem:$0x1DE20] =	vst v63  }
0x5a: {  	_ =	swait.ge [sflag:s17], $0x2800  }
0x5b: {  	[sflag:s17] =	ssyncset.done $0x0  }
0x5c: {  	s23 =	sadd.s32 $0x27B0, s22;
	[sflag:s17] =	ssyncadd.s32 $0xFFFFD800  }
0x5d: {  	[spmem:s2] =	stream.indirect.scatter.add.f32 [tilespmem:s15], [sflag:$0x3], $0x80, s23, s14, $0xb8;
	[tilespmem:$0x1DE20] =	vst v63  }
0x5e: {  	_ =	swait.ge [sflag:s10], $0x2800  }
0x5f: {  	[sflag:s10] =	ssyncset.done $0x0  }
0x60: {  	s23 =	sadd.s32 $0x140, s22;
	[sflag:s10] =	ssyncadd.s32 $0xFFFFD800  }
0x61: {  	[tilespmem:s15], [sflag:$0x1] =	stream.indirect.gather [hbm4b:s5+s14], $0x80, s23, s14, $0xb8;
	[tilespmem:$0x1DE20] =	vst v63  }
0x62: {  	_ =	swait.ge [sflag:s18], $0x2800  }
0x63: {  	[sflag:s18] =	ssyncset.done $0x0  }
0x64: {  	s23 =	sadd.s32 $0x2800, s22;
	[sflag:s18] =	ssyncadd.s32 $0xFFFFD800  }
0x65: {  	[spmem:s2] =	stream.indirect.scatter.add.f32 [tilespmem:s16], [sflag:$0x3], $0x80, s23, s14, $0xb8;
	[tilespmem:$0x1DE20] =	vst v63  }
0x66: {  	_ =	swait.ge [sflag:s10], $0x2800  }
0x67: {  	[sflag:s10] =	ssyncset.done $0x0  }
0x68: {  	[sflag:s10] =	ssyncadd.s32 $0xFFFFD800  }
0x69: {  	_ =	swait.ge [sflag:s17], $0x2800  }
.Ltmp0:
0x6a: {  	[sflag:s17] =	ssyncset.done $0x0;
	(pc) =	sbr.rel @p0 .LBB2_2-.Ltmp0, $4  }
0x6b: {  	s22 =	sadd.s32 $0x2850, s22;
	[sflag:s17] =	ssyncadd.s32 $0xFFFFD800  }
0x6c: {  	[spmem:s2] =	stream.indirect.scatter.add.f32 [tilespmem:s15], [sflag:$0x3], $0x80, s22, s14, $0xb8;
	[tilespmem:$0x1DE20] =	vst v63  }
0x6d: {  	_ =	swait.ge [sflag:s10], $0x2800  }
0x6e: {  	s23 =	smov.u32 s21;
	[sflag:s10] =	ssyncset.done $0x0  }
0x6f: {  	s20 =	sshra.s32 s20, $0x2;
	[sflag:s10] =	ssyncadd.s32 $0xFFFFD800  }
0x70: {  	[tilespmem:s15], [sflag:$0x1] =	stream.indirect.gather [hbm4b:s5+s14], $0x80, s20, s14, $0xb8;
	[tilespmem:$0x1DE20] =	vst v63  }
0x71: {  	s21 =	sadd.s32 $0x50, s20  }
0x72: {  	[tilespmem:s16], [sflag:$0x2] =	stream.indirect.gather [hbm4b:s5+s14], $0x80, s21, s14, $0xb8;
	[tilespmem:$0x1DE20] =	vst v63  }
0x73: {  	_ =	swait.ge [sflag:s17], $0x2800  }
0x74: {  	[sflag:s17] =	ssyncset.done $0x0  }
0x75: {  	s24 =	sadd.s32 $0x2710, s20;
	[sflag:s17] =	ssyncadd.s32 $0xFFFFD800  }
0x76: {  	[spmem:s2] =	stream.indirect.scatter.add.f32 [tilespmem:s15], [sflag:$0x3], $0x80, s24, s14, $0xb8;
	[tilespmem:$0x1DE20] =	vst v63  }
0x77: {  	_ =	swait.ge [sflag:s10], $0x2800  }
0x78: {  	[sflag:s10] =	ssyncset.done $0x0  }
0x79: {  	s25 =	sadd.s32 $0xA0, s20;
	[sflag:s10] =	ssyncadd.s32 $0xFFFFD800  }
0x7a: {  	[tilespmem:s15], [sflag:$0x1] =	stream.indirect.gather [hbm4b:s5+s14], $0x80, s25, s14, $0xb8;
	[tilespmem:$0x1DE20] =	vst v63  }
0x7b: {  	_ =	swait.ge [sflag:s18], $0x2800  }
0x7c: {  	[sflag:s18] =	ssyncset.done $0x0  }
0x7d: {  	s26 =	sadd.s32 $0x2760, s20;
	[sflag:s18] =	ssyncadd.s32 $0xFFFFD800  }
0x7e: {  	[spmem:s2] =	stream.indirect.scatter.add.f32 [tilespmem:s16], [sflag:$0x3], $0x80, s26, s14, $0xb8;
	[tilespmem:$0x1DE20] =	vst v63  }
0x7f: {  	_ =	swait.ge [sflag:s10], $0x2800  }
0x80: {  	[sflag:s10] =	ssyncset.done $0x0  }
0x81: {  	s28 =	sadd.s32 $0xF0, s20;
	[sflag:s10] =	ssyncadd.s32 $0xFFFFD800  }
0x82: {  	[tilespmem:s16], [sflag:$0x2] =	stream.indirect.gather [hbm4b:s5+s14], $0x80, s28, s14, $0xb8;
	[tilespmem:$0x1DE20] =	vst v63  }
0x83: {  	_ =	swait.ge [sflag:s17], $0x2800  }
0x84: {  	[sflag:s17] =	ssyncset.done $0x0  }
0x85: {  	s29 =	sadd.s32 $0x27B0, s20;
	[sflag:s17] =	ssyncadd.s32 $0xFFFFD800  }
0x86: {  	[spmem:s2] =	stream.indirect.scatter.add.f32 [tilespmem:s15], [sflag:$0x3], $0x80, s29, s14, $0xb8;
	[tilespmem:$0x1DE20] =	vst v63  }
0x87: {  	_ =	swait.ge [sflag:s10], $0x2800  }
0x88: {  	[sflag:s10] =	ssyncset.done $0x0  }
0x89: {  	s30 =	sadd.s32 $0x140, s20;
	[sflag:s10] =	ssyncadd.s32 $0xFFFFD800  }
0x8a: {  	[tilespmem:s15], [sflag:$0x1] =	stream.indirect.gather [hbm4b:s5+s14], $0x80, s30, s14, $0xb8;
	[tilespmem:$0x1DE20] =	vst v63  }
0x8b: {  	_ =	swait.ge [sflag:s18], $0x2800  }
0x8c: {  	[sflag:s18] =	ssyncset.done $0x0  }
0x8d: {  	s31 =	sadd.s32 $0x2800, s20;
	[sflag:s18] =	ssyncadd.s32 $0xFFFFD800  }
0x8e: {  	[spmem:s2] =	stream.indirect.scatter.add.f32 [tilespmem:s16], [sflag:$0x3], $0x80, s31, s14, $0xb8;
	[tilespmem:$0x1DE20] =	vst v63  }
0x8f: {  	_ =	swait.ge [sflag:s10], $0x2800  }
0x90: {  	[sflag:s10] =	ssyncset.done $0x0  }
0x91: {  	[sflag:s10] =	ssyncadd.s32 $0xFFFFD800  }
0x92: {  	_ =	swait.ge [sflag:s17], $0x2800  }
0x93: {  	[sflag:s17] =	ssyncset.done $0x0  }
0x94: {  	s20 =	sadd.s32 $0x2850, s20;
	[sflag:s17] =	ssyncadd.s32 $0xFFFFD800  }
0x95: {  	[spmem:s2] =	stream.indirect.scatter.add.f32 [tilespmem:s15], [sflag:$0x3], $0x80, s20, s14, $0xb8;
	[tilespmem:$0x1DE20] =	vst v63  }
0x96: {  	_ =	swait.ge [sflag:s10], $0x2800  }
0x97: {  	s19 =	sadd.s32 $0x1, s19;
	[sflag:s10] =	ssyncset.done $0x0  }
0x98: {  	p0 =	sne.s32 s19, s9;
	[sflag:s10] =	ssyncadd.s32 $0xFFFFD800  }
.Ltmp1:
0x99: {  	[bflag:$0x0] =	sbarrier.arrive $0xFFFF;
	(pc) =	sbr.rel @p0 .LBB2_1-.Ltmp1, $4  }
0x9a: {  	[hbm:s8], [sflag:s12] =	dma.local [spmem:s13], $0x2800  }
0x9b: {  	_ =	swait.ge [sflag:s10], $0x2800  }
0x9c: {  	[sflag:s10] =	ssyncset.done $0x0  }
0x9d: {  	[sflag:s10] =	ssyncadd.s32 $0xFFFFD800  }
0x9e: {  	_ =	sfence.sel $0x180000  }
0x9f: {  	[bflag:$0x0] =	sbarrier.arrive $0xFFFF  }
0xa0: {  	p0 =	sne.s32 s0, $0x0;
	_ =	strace $0x9000004A  }
0xa1: {  	s0 =	sadd.s32 @!p0 $0x100000, s1;
	[bflag:$0x2] =	sbarrier.arrive $0xFFFF  }
0xa2: {  	[sflag:s0] =	ssyncadd.tile.s32 @!p0 $0x1;
	_ =	shalt  }
.Lfunc_end2:
_tile_overlayer_lowered:
.L_overlay_start_2:
0xa3: {  	(tag) =	ssettag $0x2  }
0xa4: {  	s0 =	rddreg [dreg:$0x0];
	s2 =	stileid.u32  }
0xa5: {  	s1 =	rddreg [dreg:$0x1];
	p0 =	sne.s32 s2, $0x0  }
0xa6: {  	s3 =	rddreg [dreg:$0x2];
	[bflag:$0x3] =	sbarrier.arrive $0xFFFF;
	s2 =	simm.s32 @!p0 $0x1C03  }
0xa7: {  	[timem:s3], [sflag:s2] =	dma.local @!p0 [hbm:s0], s1  }
0xa8: {  	s0 =	simm.s32 @!p0 $0x3  }
0xa9: {  	_ =	swait.ge @!p0 [sflag:s0], s1  }
0xaa: {  	s1 =	ssub.s32 @!p0 $0x0, s1;
	[sflag:s0] =	ssyncset.done @!p0 $0x0  }
0xab: {  	[sflag:s0] =	ssyncadd.s32 @!p0 s1  }
0xac: {  	[bflag:$0x3] =	sbarrier.arrive $0xFFFF  }
0xad: {  	_ =	shalt  }

// kernel: kernel.15.cloned.1.call-start
scs
__scs_entry_jumppad:
0x0: {  	(pc) =	sbr.rel $0x88, $3  }
0x1: {  	(tag) =	ssettag $0x0;
	lr =	simm.s32 $0x1  }
0x2: {  	[smem:$0x3F96] =	sst lr;
	_ =	strace $0xD0000000  }
0x3: {  	_ = 	snop  }
0x4: {  	_ = 	snop  }
0x5: {  	_ = 	snop  }
0x6: {  	_ = 	snop  }
0x7: {  	_ = 	snop  }
__scs_overlays_trampoline_lowered:
0x8: {  	[smem:$0x3FA5] =	sst s0  }
0x9: {  	[smem:$0x3FA6] =	sst s1  }
0xa: {  	[smem:$0x3FA7] =	sst s2  }
0xb: {  	[smem:$0x3FA8] =	sst s3  }
0xc: {  	[smem:$0x3FA9] =	sst s4  }
0xd: {  	[smem:$0x3FAA] =	sst s5  }
0xe: {  	[smem:$0x3FAB] =	sst s6  }
0xf: {  	[smem:$0x3FAC] =	sst s7  }
0x10: {  	[smem:$0x3FAD] =	sst s8  }
0x11: {  	[smem:$0x3FAE] =	sst s9;
	s0 =	simm.s32 @!p0 $0x0  }
0x12: {  	s1 =	sld [smem:$0x3F94];
	s0 =	simm.s32 @p0 $0x1  }
0x13: {  	[smem:$0x3FAF] =	sst s0;
	s0 =	simm.s32 @!p1 $0x0  }
0x14: {  	s2 =	sld [smem:$0x3F93];
	s0 =	simm.s32 @p1 $0x1  }
0x15: {  	[smem:$0x3FB0] =	sst s0;
	s0 =	simm.s32 @!p2 $0x0  }
0x16: {  	s3 =	sld [smem:$0x3FDB];
	s0 =	simm.s32 @p2 $0x1  }
0x17: {  	s4 =	simm.s32 $0x1BF5;
	[smem:$0x3FB2] =	sst s0  }
0x18: {  	s0 =	sld [smem:$0x3F95];
	_ =	swait.ge [sflag:s4], $0x0  }
0x19: {  	s7 =	sld [smem:$0x3F96]  }
0x1a: {  	s8 =	sadd.s32 $0xFFFFE003, lr  }
0x1b: {  	s9 =	sadd.s32 $0xFFFFFEF7, lr;
	s5 =	simm.s32 $0xFFFFFFFF;
	p2 =	slt.u32 s8, $0xFFFFF086  }
0x1c: {  	p1 =	slt.u32 s9, $0xF7A;
	s5 =	simm.s32 @!p2 $0x0  }
0x1d: {  	s5 =	simm.s32 @p1 $0x1;
	p0 =	seq.s32 s7, s2  }
0x1e: {  	s7 =	smul.u32 @!p0 $0xF7A, s2;
	p2 =	seq.s32 @!p0 s5, $0x0  }
0x1f: {  	s9 =	smul.u32 $0xF7A, s1;
	s8 =	simm.s32 @!p0 $0x1BF5;
	p2 =	por !p2, p0  }
0x20: {  	[sflag:s8] =	ssyncset.s32 @!p0 $0xFFFFF086;
	s6 =	sadd.s32 @!p0 s3, s7;
	s7 =	simm.s32 @!p0 $0x108  }
0x21: {  	s3 =	sadd.s32 s3, s9;
	s6 =	sadd.s32 @!p0 $0x88, s6;
	s7 =	simm.s32 @p2 $0x1082  }
0x22: {  	[simem:s7], [sflag:s8] =	dma.local @!p0 [hbm:s6], $0xF7A  }
0x23: {  	s9 =	sor.u32 $0xD0000000, s2;
	s6 =	simm.s32 $0x108;
	_ =	swait.ge @!p0 [sflag:s8], $0x0  }
0x24: {  	s3 =	sadd.s32 $0x88, s3;
	s6 =	simm.s32 @!p1 $0x1082;
	[sflag:s4] =	ssyncset.s32 $0xFFFFF086  }
0x25: {  	[simem:s6], [sflag:s4] =	dma.local [hbm:s3], $0xF7A  }
0x26: {  	[smem:$0x3F96] =	sst s1;
	(tag) =	ssettag s2;
	_ =	strace s9  }
0x27: {  	s1 =	sld [smem:$0x3FA6]  }
0x28: {  	s2 =	sld [smem:$0x3FA7]  }
0x29: {  	s4 =	sld [smem:$0x3FA9]  }
0x2a: {  	p0 =	seq.s32 s5, $0x0;
	s5 =	sld [smem:$0x3FAA]  }
0x2b: {  	s6 =	sld [smem:$0x3FAB]  }
0x2c: {  	s7 =	sld [smem:$0x3FAC]  }
0x2d: {  	s3 =	simm.s32 $0x108;
	s8 =	sld [smem:$0x3FAD]  }
0x2e: {  	s3 =	simm.s32 @!p0 $0x1082;
	s9 =	sld [smem:$0x3FAE]  }
0x2f: {  	lr =	sadd.s32 s0, s3;
	s0 =	sld [smem:$0x3FA5]  }
0x30: {  	s3 =	sld [smem:$0x3FA8]  }
0x31: {  	[smem:$0x3FB1] =	sst s10  }
0x32: {  	s10 =	sld [smem:$0x3FAF];
	_ =	sdelay $0x3  }
0x33: {  	p0 =	seq.s32 s10, $0x1;
	s10 =	sld [smem:$0x3FB1];
	_ =	sdelay $0x3  }
0x34: {  	[smem:$0x3FB1] =	sst s10  }
0x35: {  	s10 =	sld [smem:$0x3FB0];
	_ =	sdelay $0x3  }
0x36: {  	p1 =	seq.s32 s10, $0x1;
	s10 =	sld [smem:$0x3FB1];
	_ =	sdelay $0x3  }
0x37: {  	[smem:$0x3FB1] =	sst s10  }
0x38: {  	s10 =	sld [smem:$0x3FB2]  }
0x39: {  	_ = 	snop;
	(pc) =	sbr.ind lr, $3  }
0x3a: {  	_ = 	snop  }
0x3b: {  	_ = 	snop  }
0x3c: {  	p2 =	seq.s32 s10, $0x1;
	s10 =	sld [smem:$0x3FB1]  }
0x3d: {  	_ =	shalt  }
0x3e: {  	_ =	shalt  }
0x3f: {  	_ =	shalt  }
0x40: {  	_ =	shalt  }
0x41: {  	_ =	shalt  }
0x42: {  	_ =	shalt  }
0x43: {  	_ =	shalt  }
0x44: {  	_ =	shalt  }
0x45: {  	_ =	shalt  }
0x46: {  	_ =	shalt  }
0x47: {  	_ =	shalt  }
0x48: {  	_ =	shalt  }
0x49: {  	_ =	shalt  }
0x4a: {  	_ =	shalt  }
0x4b: {  	_ =	shalt  }
0x4c: {  	_ =	shalt  }
0x4d: {  	_ =	shalt  }
0x4e: {  	_ =	shalt  }
0x4f: {  	_ =	shalt  }
0x50: {  	_ =	shalt  }
0x51: {  	_ =	shalt  }
0x52: {  	_ =	shalt  }
0x53: {  	_ =	shalt  }
0x54: {  	_ =	shalt  }
0x55: {  	_ =	shalt  }
0x56: {  	_ =	shalt  }
0x57: {  	_ =	shalt  }
0x58: {  	_ =	shalt  }
0x59: {  	_ =	shalt  }
0x5a: {  	_ =	shalt  }
0x5b: {  	_ =	shalt  }
0x5c: {  	_ =	shalt  }
0x5d: {  	_ =	shalt  }
0x5e: {  	_ =	shalt  }
0x5f: {  	_ =	shalt  }
0x60: {  	_ =	shalt  }
0x61: {  	_ =	shalt  }
0x62: {  	_ =	shalt  }
0x63: {  	_ =	shalt  }
0x64: {  	_ =	shalt  }
0x65: {  	_ =	shalt  }
0x66: {  	_ =	shalt  }
0x67: {  	_ =	shalt  }
0x68: {  	_ =	shalt  }
0x69: {  	_ =	shalt  }
0x6a: {  	_ =	shalt  }
0x6b: {  	_ =	shalt  }
0x6c: {  	_ =	shalt  }
0x6d: {  	_ =	shalt  }
0x6e: {  	_ =	shalt  }
0x6f: {  	_ =	shalt  }
0x70: {  	_ =	shalt  }
0x71: {  	_ =	shalt  }
0x72: {  	_ =	shalt  }
0x73: {  	_ =	shalt  }
0x74: {  	_ =	shalt  }
0x75: {  	_ =	shalt  }
0x76: {  	_ =	shalt  }
0x77: {  	_ =	shalt  }
0x78: {  	_ =	shalt  }
0x79: {  	_ =	shalt  }
0x7a: {  	_ =	shalt  }
0x7b: {  	_ =	shalt  }
0x7c: {  	_ =	shalt  }
0x7d: {  	_ =	shalt  }
0x7e: {  	_ =	shalt  }
0x7f: {  	_ =	shalt  }
0x80: {  	_ =	shalt  }
0x81: {  	_ =	shalt  }
0x82: {  	_ =	shalt  }
0x83: {  	_ =	shalt  }
0x84: {  	_ =	shalt  }
0x85: {  	_ =	shalt  }
0x86: {  	_ =	shalt  }
0x87: {  	_ =	shalt  }
.Lfunc_end0:
.L_simem_size_0:
called_computation.2_lowered:
.L_overlay_start_0:
0x88: {  	s2 =	sld [smem:$0x3FD9]  }
0x89: {  	s3 =	sld [smem:$0x3FFE];
	_ =	sdelay $0x1  }
0x8a: {  	s1 =	srdreg.scid  }
0x8b: {  	s0 =	sand.u32 $0x1, s1  }
0x8c: {  	s17 =	sshll.u32 s0, $0xA;
	s2 =	sadd.s32 s3, s2  }
0x8d: {  	s2 =	sadd.s32 s2, s17  }
0x8e: {  	[smem:$0x3FBD] =	sst s2  }
0x8f: {  	_ = 	snop  }
0x90: {  	s2 =	sld [smem:$0x3FD0];
	(tm) =	ssettm $0x1  }
0x91: {  	s18 =	sld [smem:$0x3FFB];
	_ =	sdelay $0x3  }
0x92: {  	_ =	strace s18  }
0x93: {  	s3 =	sld [smem:$0x3FFC];
	_ =	sdelay $0x3  }
0x94: {  	_ =	strace s3  }
0x95: {  	s3 =	sld [smem:$0x3FFD];
	_ =	sdelay $0x3  }
0x96: {  	_ =	strace s3  }
0x97: {  	_ =	strace $0x8FFFFFFF  }
0x98: {  	s19 =	sld [smem:$0x3FDB];
	_ =	sdelay $0x1  }
0x99: {  	s4 =	simm.s32 $_scs_section_size  }
0x9a: {  	s5 =	simm.s32 $_size__tile_overlayer_lowered;
	s6 =	simm.s32 $_tile_overlayer_lowered  }
0x9b: {  	s22 =	simm.s32 $0x1BFF;
	s21 =	sshll.u32 s6, $0x1;
	s3 =	sadd.s32 s4, s19  }
0x9c: {  	s7 =	simm.s32 $0x0;
	s20 =	sshll.u32 s5, $0x1;
	s5 =	sadd.s32 s21, s3  }
0x9d: {  	[timem:s7], [sflag:s22] =	dma.local [hbm:s5], s20  }
0x9e: {  	_ =	swait.ge [sflag:s22], s20  }
0x9f: {  	s4 =	ssub.s32 $0x0, s20;
	[sflag:s22] =	ssyncset.done $0x0  }
0xa0: {  	[sflag:s22] =	ssyncadd.s32 s4;
	_ =	sdelay $0x1  }
0xa1: {  	s23 =	simm.s32 $0x1B8B  }
0xa2: {  	_ =	swait.ge [sflag:s23], $0x1  }
0xa3: {  	[sflag:s23] =	ssyncset.done $0x0  }
0xa4: {  	s25 =	simm.s32 $0x1B8E;
	s24 =	sld [smem:$0x3FFE];
	[sflag:s23] =	ssyncadd.s32 $0xFFFFFFFF  }
0xa5: {  	s26 =	simm.s32 $execute0_lowered;
	[smem:$0x3FD2] =	sst s25  }
0xa6: {  	s5 =	sshll.u32 s26, $0x1;
	_ =	strace $0x8000004C;
	[dreg:$0x1] =	wrdreg $0xFFFFFFFF  }
0xa7: {  	s28 =	simm.s32 $_size_execute0_lowered;
	s3 =	sadd.s32 s3, s5;
	[dreg:$0x0] =	wrdreg $0x0  }
0xa8: {  	s5 =	sshll.u32 s28, $0x1;
	[dreg:$0x2] =	wrdreg s3  }
0xa9: {  	[dreg:$0x3] =	wrdreg s5  }
0xaa: {  	[dreg:$0x4] =	wrdreg $0xC0  }
0xab: {  	_ =	task [dreg:s7], $0x5FFFF  }
0xac: {  	[dreg:$0x1] =	wrdreg $0xFFFFFFFF  }
0xad: {  	[dreg:$0x0] =	wrdreg $0x60  }
0xae: {  	[dreg:$0x2] =	wrdreg s24  }
0xaf: {  	[dreg:$0x3] =	wrdreg s2  }
0xb0: {  	[dreg:$0x4] =	wrdreg $0x76200  }
0xb1: {  	[dreg:$0x5] =	wrdreg $0x9  }
0xb2: {  	_ =	task.clear_ibuf [dreg:s7], $0x6FFFF;
	_ =	strace $0x9000004C  }
0xb3: {  	s29 =	simm.s32 $0x9;
	_ =	strace $0x8000004E  }
0xb4: {  	_ =	swait.ge [sflag:s29], $0x1  }
0xb5: {  	[sflag:s29] =	ssyncadd.s32 $0xFFFFFFFF  }
0xb6: {  	_ =	strace $0x9000004E  }
0xb7: {  	_ =	sfence  }
0xb8: {  	s30 =	sld [smem:$0x0];
	_ =	sdelay $0x2  }
0xb9: {  	s31 =	sshll.u32 s1, $0xD;
	s1 =	sshrl.u32 s1, $0x2  }
0xba: {  	s3 =	sand.u32 $0x4000, s31;
	s1 =	sadd.s32 s1, s30  }
0xbb: {  	s0 =	sor.u32 s3, s0;
	s1 =	sshll.u32 s1, $0x11  }
0xbc: {  	s0 =	sor.u32 s1, s0  }
0xbd: {  	s0 =	sadd.s32 $0x8F2B, s0  }
0xbe: {  	[sflag:s0] =	ssyncadd.remote.s32 $0x1  }
0xbf: {  	_ =	sfence.sel $0xFFFF  }
0xc0: {  	[dreg:$0x0] =	wrdreg $0xFFFFFFFF;
	(pc) =	sbr.abs _section_cstart, $3  }
0xc1: {  	[dreg:$0x1] =	wrdreg $0xFFFFFFFF  }
0xc2: {  	_ =	task.clear_ibuf [dreg:s7], $0x2FFFF;
	_ =	strace $0x9FFFFFFF  }
0xc3: {  	(tm) =	ssettm $0x7FFFFFFF  }
tec
execute0_lowered:
.L_overlay_start_1:
0x0: {  	(tag) =	ssettag $0x1  }
0x1: {  	s6 =	rddreg [dreg:$0x0]  }
0x2: {  	s7 =	rddreg [dreg:$0x1]  }
0x3: {  	s0 =	srdreg.scid;
	s2 =	rddreg [dreg:$0x2]  }
0x4: {  	s3 =	simm.s32 $0x0;
	s14 =	simm.s32 $0x50;
	s15 =	simm.s32 $0x4E20  }
0x5: {  	s16 =	simm.s32 $0x6220;
	s17 =	simm.s32 $0x1;
	s18 =	simm.s32 $0x2  }
0x6: {  	s19 =	simm.s32 $0x0;
	s5 =	sand.u32 $0x1, s0;
	s0 =	stileid.u32  }
0x7: {  	[smem:$0x7FF] =	sst s3;
	s4 =	sadd.s32 $0x20400, s6;
	s9 =	smul.u32 $0xA000, s0  }
0x8: {  	s1 =	sshll.u32 s5, $0x4;
	s10 =	smul.u32 $0xA0000, s5;
	s12 =	ssub.s32 $0x2, s5  }
0x9: {  	s5 =	sadd.s32 $0xC400, s6;
	s31 =	sshll.u32 s0, $0x6;
	s1 =	sor.u32 s0, s1  }
0xa: {  	s13 =	sshrl.u32 s12, $0x1;
	s8 =	smul.u32 $0x4E2, s1;
	s1 =	rddreg [dreg:$0x3]  }
0xb: {  	_ =	strace $0x8000004D;
	s10 =	sadd.s32 s9, s10;
	s12 =	ssub.s32 s12, s13  }
0xc: {  	s30 =	sadd.s32 s9, s2;
	s10 =	sshrl.u32 s10, $0x3;
	s9 =	smax.u32 s12, $0x1  }
0xd: {  	s12 =	sor.u32 $0x1C03, s31;
	s13 =	sshrl.u32 s30, $0x3;
	s11 =	sadd.s32 s8, s6  }
0xe: {  	s10 =	sadd.s32 s10, s6;
	s7 =	sadd.s32 s7, s8;
	s6 =	sadd.s32 $0x2600, s11  }
0xf: {  	s8 =	sadd.s32 $0x21800, s10;
	s10 =	simm.s32 $0x3;
	s11 =	simm.s32 $0x2710  }
.LBB2_1:
0x10: {  	[tilespmem:s3], [sflag:$0x3] =	stream.linear.gather [hbm4b:s6+s3], $0x2710, $0x38;
	[tilespmem:$0x11620] =	vst v63  }
0x11: {  	_ =	swait.ge [sflag:s10], $0x2710  }
0x12: {  	[sflag:s10] =	ssyncset.done $0x0  }
0x13: {  	[sflag:s10] =	ssyncadd.s32 $0xFFFFD8F0  }
0x14: {  	[tilespmem:s11], [sflag:$0x3] =	stream.linear.gather [hbm4b:s7+s3], $0x2710, $0x38;
	[tilespmem:$0x11620] =	vst v63  }
0x15: {  	_ =	swait.ge [sflag:s10], $0x2710  }
0x16: {  	[sflag:s10] =	ssyncset.done $0x0  }
0x17: {  	[sflag:s10] =	ssyncadd.s32 $0xFFFFD8F0  }
0x18: {  	[spmem:s13], [sflag:s12] =	dma.local [hbm:s4], $0x1400  }
0x19: {  	_ =	swait.ge [sflag:s10], $0x1400  }
0x1a: {  	[sflag:s10] =	ssyncset.done $0x0  }
0x1b: {  	[sflag:s10] =	ssyncadd.s32 $0xFFFFEC00  }
0x1c: {  	s20 =	simm.s32 $0x0;
	[bflag:$0x0] =	sbarrier.arrive $0xFFFF  }
0x1d: {  	[tilespmem:s15], [sflag:$0x1] =	stream.indirect.gather [hbm4b:s5+s14], $0x40, s20, s14, $0xb8;
	[tilespmem:$0x11620] =	vst v63  }
0x1e: {  	s22 =	simm.s32 $0x50  }
0x1f: {  	[tilespmem:s16], [sflag:$0x2] =	stream.indirect.gather [hbm4b:s5+s14], $0x40, s22, s14, $0xb8;
	[tilespmem:$0x11620] =	vst v63  }
0x20: {  	_ =	swait.ge [sflag:s17], $0x1400  }
0x21: {  	[sflag:s17] =	ssyncset.done $0x0  }
0x22: {  	s23 =	simm.s32 $0x2710;
	[sflag:s17] =	ssyncadd.s32 $0xFFFFEC00  }
0x23: {  	[spmem:s2] =	stream.indirect.scatter.add.f32 [tilespmem:s15], [sflag:$0x3], $0x40, s23, s14, $0xb8;
	[tilespmem:$0x11620] =	vst v63  }
0x24: {  	_ =	swait.ge [sflag:s10], $0x1400  }
0x25: {  	[sflag:s10] =	ssyncset.done $0x0  }
0x26: {  	s24 =	simm.s32 $0xA0;
	[sflag:s10] =	ssyncadd.s32 $0xFFFFEC00  }
0x27: {  	[tilespmem:s15], [sflag:$0x1] =	stream.indirect.gather [hbm4b:s5+s14], $0x40, s24, s14, $0xb8;
	[tilespmem:$0x11620] =	vst v63  }
0x28: {  	_ =	swait.ge [sflag:s18], $0x1400  }
0x29: {  	[sflag:s18] =	ssyncset.done $0x0  }
0x2a: {  	s25 =	simm.s32 $0x2760;
	[sflag:s18] =	ssyncadd.s32 $0xFFFFEC00  }
0x2b: {  	[spmem:s2] =	stream.indirect.scatter.add.f32 [tilespmem:s16], [sflag:$0x3], $0x40, s25, s14, $0xb8;
	[tilespmem:$0x11620] =	vst v63  }
0x2c: {  	_ =	swait.ge [sflag:s10], $0x1400  }
0x2d: {  	[sflag:s10] =	ssyncset.done $0x0  }
0x2e: {  	s26 =	simm.s32 $0xF0;
	[sflag:s10] =	ssyncadd.s32 $0xFFFFEC00  }
0x2f: {  	[tilespmem:s16], [sflag:$0x2] =	stream.indirect.gather [hbm4b:s5+s14], $0x40, s26, s14, $0xb8;
	[tilespmem:$0x11620] =	vst v63  }
0x30: {  	_ =	swait.ge [sflag:s17], $0x1400  }
0x31: {  	[sflag:s17] =	ssyncset.done $0x0  }
0x32: {  	s28 =	simm.s32 $0x27B0;
	[sflag:s17] =	ssyncadd.s32 $0xFFFFEC00  }
0x33: {  	[spmem:s2] =	stream.indirect.scatter.add.f32 [tilespmem:s15], [sflag:$0x3], $0x40, s28, s14, $0xb8;
	[tilespmem:$0x11620] =	vst v63  }
0x34: {  	_ =	swait.ge [sflag:s10], $0x1400  }
0x35: {  	[sflag:s10] =	ssyncset.done $0x0  }
0x36: {  	s29 =	simm.s32 $0x140;
	[sflag:s10] =	ssyncadd.s32 $0xFFFFEC00  }
0x37: {  	[tilespmem:s15], [sflag:$0x1] =	stream.indirect.gather [hbm4b:s5+s14], $0x40, s29, s14, $0xb8;
	[tilespmem:$0x11620] =	vst v63  }
0x38: {  	_ =	swait.ge [sflag:s18], $0x1400  }
0x39: {  	[sflag:s18] =	ssyncset.done $0x0  }
0x3a: {  	s30 =	simm.s32 $0x2800;
	[sflag:s18] =	ssyncadd.s32 $0xFFFFEC00  }
0x3b: {  	[spmem:s2] =	stream.indirect.scatter.add.f32 [tilespmem:s16], [sflag:$0x3], $0x40, s30, s14, $0xb8;
	[tilespmem:$0x11620] =	vst v63  }
0x3c: {  	_ =	swait.ge [sflag:s10], $0x1400  }
0x3d: {  	[sflag:s10] =	ssyncset.done $0x0  }
0x3e: {  	[sflag:s10] =	ssyncadd.s32 $0xFFFFEC00  }
0x3f: {  	_ =	swait.ge [sflag:s17], $0x1400  }
0x40: {  	[sflag:s17] =	ssyncset.done $0x0  }
0x41: {  	s31 =	simm.s32 $0x2850;
	[sflag:s17] =	ssyncadd.s32 $0xFFFFEC00  }
0x42: {  	[spmem:s2] =	stream.indirect.scatter.add.f32 [tilespmem:s15], [sflag:$0x3], $0x40, s31, s14, $0xb8;
	[tilespmem:$0x11620] =	vst v63  }
0x43: {  	_ =	swait.ge [sflag:s10], $0x1400  }
0x44: {  	s20 =	simm.s32 $0x640;
	s23 =	simm.s32 $0xC80;
	[sflag:s10] =	ssyncset.done $0x0  }
.LBB2_2:
0x45: {  	s22 =	sshra.s32 s20, $0x2  }
0x46: {  	[sflag:s10] =	ssyncadd.s32 $0xFFFFEC00;
	s20 =	smov.u32 s23;
	s21 =	sadd.s32 $0x640, s23  }
0x47: {  	[tilespmem:s15], [sflag:$0x1] =	stream.indirect.gather [hbm4b:s5+s14], $0x40, s22, s14, $0xb8;
	[tilespmem:$0x11620] =	vst v63  }
0x48: {  	p0 =	sne.s32 s23, $0x9600;
	s23 =	sadd.s32 $0x50, s22  }
0x49: {  	[tilespmem:s16], [sflag:$0x2] =	stream.indirect.gather [hbm4b:s5+s14], $0x40, s23, s14, $0xb8;
	[tilespmem:$0x11620] =	vst v63  }
0x4a: {  	_ =	swait.ge [sflag:s17], $0x1400  }
0x4b: {  	[sflag:s17] =	ssyncset.done $0x0  }
0x4c: {  	s23 =	sadd.s32 $0x2710, s22;
	[sflag:s17] =	ssyncadd.s32 $0xFFFFEC00  }
0x4d: {  	[spmem:s2] =	stream.indirect.scatter.add.f32 [tilespmem:s15], [sflag:$0x3], $0x40, s23, s14, $0xb8;
	[tilespmem:$0x11620] =	vst v63  }
0x4e: {  	_ =	swait.ge [sflag:s10], $0x1400  }
0x4f: {  	[sflag:s10] =	ssyncset.done $0x0  }
0x50: {  	s23 =	sadd.s32 $0xA0, s22;
	[sflag:s10] =	ssyncadd.s32 $0xFFFFEC00  }
0x51: {  	[tilespmem:s15], [sflag:$0x1] =	stream.indirect.gather [hbm4b:s5+s14], $0x40, s23, s14, $0xb8;
	[tilespmem:$0x11620] =	vst v63  }
0x52: {  	_ =	swait.ge [sflag:s18], $0x1400  }
0x53: {  	[sflag:s18] =	ssyncset.done $0x0  }
0x54: {  	s23 =	sadd.s32 $0x2760, s22;
	[sflag:s18] =	ssyncadd.s32 $0xFFFFEC00  }
0x55: {  	[spmem:s2] =	stream.indirect.scatter.add.f32 [tilespmem:s16], [sflag:$0x3], $0x40, s23, s14, $0xb8;
	[tilespmem:$0x11620] =	vst v63  }
0x56: {  	_ =	swait.ge [sflag:s10], $0x1400  }
0x57: {  	[sflag:s10] =	ssyncset.done $0x0  }
0x58: {  	s23 =	sadd.s32 $0xF0, s22;
	[sflag:s10] =	ssyncadd.s32 $0xFFFFEC00  }
0x59: {  	[tilespmem:s16], [sflag:$0x2] =	stream.indirect.gather [hbm4b:s5+s14], $0x40, s23, s14, $0xb8;
	[tilespmem:$0x11620] =	vst v63  }
0x5a: {  	_ =	swait.ge [sflag:s17], $0x1400  }
0x5b: {  	[sflag:s17] =	ssyncset.done $0x0  }
0x5c: {  	s23 =	sadd.s32 $0x27B0, s22;
	[sflag:s17] =	ssyncadd.s32 $0xFFFFEC00  }
0x5d: {  	[spmem:s2] =	stream.indirect.scatter.add.f32 [tilespmem:s15], [sflag:$0x3], $0x40, s23, s14, $0xb8;
	[tilespmem:$0x11620] =	vst v63  }
0x5e: {  	_ =	swait.ge [sflag:s10], $0x1400  }
0x5f: {  	[sflag:s10] =	ssyncset.done $0x0  }
0x60: {  	s23 =	sadd.s32 $0x140, s22;
	[sflag:s10] =	ssyncadd.s32 $0xFFFFEC00  }
0x61: {  	[tilespmem:s15], [sflag:$0x1] =	stream.indirect.gather [hbm4b:s5+s14], $0x40, s23, s14, $0xb8;
	[tilespmem:$0x11620] =	vst v63  }
0x62: {  	_ =	swait.ge [sflag:s18], $0x1400  }
0x63: {  	[sflag:s18] =	ssyncset.done $0x0  }
0x64: {  	s23 =	sadd.s32 $0x2800, s22;
	[sflag:s18] =	ssyncadd.s32 $0xFFFFEC00  }
0x65: {  	[spmem:s2] =	stream.indirect.scatter.add.f32 [tilespmem:s16], [sflag:$0x3], $0x40, s23, s14, $0xb8;
	[tilespmem:$0x11620] =	vst v63  }
0x66: {  	_ =	swait.ge [sflag:s10], $0x1400  }
0x67: {  	[sflag:s10] =	ssyncset.done $0x0  }
0x68: {  	[sflag:s10] =	ssyncadd.s32 $0xFFFFEC00  }
0x69: {  	_ =	swait.ge [sflag:s17], $0x1400  }
.Ltmp0:
0x6a: {  	[sflag:s17] =	ssyncset.done $0x0;
	(pc) =	sbr.rel @p0 .LBB2_2-.Ltmp0, $4  }
0x6b: {  	s22 =	sadd.s32 $0x2850, s22;
	[sflag:s17] =	ssyncadd.s32 $0xFFFFEC00  }
0x6c: {  	[spmem:s2] =	stream.indirect.scatter.add.f32 [tilespmem:s15], [sflag:$0x3], $0x40, s22, s14, $0xb8;
	[tilespmem:$0x11620] =	vst v63  }
0x6d: {  	_ =	swait.ge [sflag:s10], $0x1400  }
0x6e: {  	s23 =	smov.u32 s21;
	[sflag:s10] =	ssyncset.done $0x0  }
0x6f: {  	s20 =	sshra.s32 s20, $0x2;
	[sflag:s10] =	ssyncadd.s32 $0xFFFFEC00  }
0x70: {  	[tilespmem:s15], [sflag:$0x1] =	stream.indirect.gather [hbm4b:s5+s14], $0x40, s20, s14, $0xb8;
	[tilespmem:$0x11620] =	vst v63  }
0x71: {  	s21 =	sadd.s32 $0x50, s20  }
0x72: {  	[tilespmem:s16], [sflag:$0x2] =	stream.indirect.gather [hbm4b:s5+s14], $0x40, s21, s14, $0xb8;
	[tilespmem:$0x11620] =	vst v63  }
0x73: {  	_ =	swait.ge [sflag:s17], $0x1400  }
0x74: {  	[sflag:s17] =	ssyncset.done $0x0  }
0x75: {  	s24 =	sadd.s32 $0x2710, s20;
	[sflag:s17] =	ssyncadd.s32 $0xFFFFEC00  }
0x76: {  	[spmem:s2] =	stream.indirect.scatter.add.f32 [tilespmem:s15], [sflag:$0x3], $0x40, s24, s14, $0xb8;
	[tilespmem:$0x11620] =	vst v63  }
0x77: {  	_ =	swait.ge [sflag:s10], $0x1400  }
0x78: {  	[sflag:s10] =	ssyncset.done $0x0  }
0x79: {  	s25 =	sadd.s32 $0xA0, s20;
	[sflag:s10] =	ssyncadd.s32 $0xFFFFEC00  }
0x7a: {  	[tilespmem:s15], [sflag:$0x1] =	stream.indirect.gather [hbm4b:s5+s14], $0x40, s25, s14, $0xb8;
	[tilespmem:$0x11620] =	vst v63  }
0x7b: {  	_ =	swait.ge [sflag:s18], $0x1400  }
0x7c: {  	[sflag:s18] =	ssyncset.done $0x0  }
0x7d: {  	s26 =	sadd.s32 $0x2760, s20;
	[sflag:s18] =	ssyncadd.s32 $0xFFFFEC00  }
0x7e: {  	[spmem:s2] =	stream.indirect.scatter.add.f32 [tilespmem:s16], [sflag:$0x3], $0x40, s26, s14, $0xb8;
	[tilespmem:$0x11620] =	vst v63  }
0x7f: {  	_ =	swait.ge [sflag:s10], $0x1400  }
0x80: {  	[sflag:s10] =	ssyncset.done $0x0  }
0x81: {  	s28 =	sadd.s32 $0xF0, s20;
	[sflag:s10] =	ssyncadd.s32 $0xFFFFEC00  }
0x82: {  	[tilespmem:s16], [sflag:$0x2] =	stream.indirect.gather [hbm4b:s5+s14], $0x40, s28, s14, $0xb8;
	[tilespmem:$0x11620] =	vst v63  }
0x83: {  	_ =	swait.ge [sflag:s17], $0x1400  }
0x84: {  	[sflag:s17] =	ssyncset.done $0x0  }
0x85: {  	s29 =	sadd.s32 $0x27B0, s20;
	[sflag:s17] =	ssyncadd.s32 $0xFFFFEC00  }
0x86: {  	[spmem:s2] =	stream.indirect.scatter.add.f32 [tilespmem:s15], [sflag:$0x3], $0x40, s29, s14, $0xb8;
	[tilespmem:$0x11620] =	vst v63  }
0x87: {  	_ =	swait.ge [sflag:s10], $0x1400  }
0x88: {  	[sflag:s10] =	ssyncset.done $0x0  }
0x89: {  	s30 =	sadd.s32 $0x140, s20;
	[sflag:s10] =	ssyncadd.s32 $0xFFFFEC00  }
0x8a: {  	[tilespmem:s15], [sflag:$0x1] =	stream.indirect.gather [hbm4b:s5+s14], $0x40, s30, s14, $0xb8;
	[tilespmem:$0x11620] =	vst v63  }
0x8b: {  	_ =	swait.ge [sflag:s18], $0x1400  }
0x8c: {  	[sflag:s18] =	ssyncset.done $0x0  }
0x8d: {  	s31 =	sadd.s32 $0x2800, s20;
	[sflag:s18] =	ssyncadd.s32 $0xFFFFEC00  }
0x8e: {  	[spmem:s2] =	stream.indirect.scatter.add.f32 [tilespmem:s16], [sflag:$0x3], $0x40, s31, s14, $0xb8;
	[tilespmem:$0x11620] =	vst v63  }
0x8f: {  	_ =	swait.ge [sflag:s10], $0x1400  }
0x90: {  	[sflag:s10] =	ssyncset.done $0x0  }
0x91: {  	[sflag:s10] =	ssyncadd.s32 $0xFFFFEC00  }
0x92: {  	_ =	swait.ge [sflag:s17], $0x1400  }
0x93: {  	[sflag:s17] =	ssyncset.done $0x0  }
0x94: {  	s20 =	sadd.s32 $0x2850, s20;
	[sflag:s17] =	ssyncadd.s32 $0xFFFFEC00  }
0x95: {  	[spmem:s2] =	stream.indirect.scatter.add.f32 [tilespmem:s15], [sflag:$0x3], $0x40, s20, s14, $0xb8;
	[tilespmem:$0x11620] =	vst v63  }
0x96: {  	_ =	swait.ge [sflag:s10], $0x1400  }
0x97: {  	s19 =	sadd.s32 $0x1, s19;
	[sflag:s10] =	ssyncset.done $0x0  }
0x98: {  	p0 =	sne.s32 s19, s9;
	[sflag:s10] =	ssyncadd.s32 $0xFFFFEC00  }
.Ltmp1:
0x99: {  	[bflag:$0x0] =	sbarrier.arrive $0xFFFF;
	(pc) =	sbr.rel @p0 .LBB2_1-.Ltmp1, $4  }
0x9a: {  	[hbm:s8], [sflag:s12] =	dma.local [spmem:s13], $0x1400  }
0x9b: {  	_ =	swait.ge [sflag:s10], $0x1400  }
0x9c: {  	[sflag:s10] =	ssyncset.done $0x0  }
0x9d: {  	[sflag:s10] =	ssyncadd.s32 $0xFFFFEC00  }
0x9e: {  	_ =	sfence.sel $0x180000  }
0x9f: {  	[bflag:$0x0] =	sbarrier.arrive $0xFFFF  }
0xa0: {  	p0 =	sne.s32 s0, $0x0;
	_ =	strace $0x9000004D  }
0xa1: {  	s0 =	sadd.s32 @!p0 $0x100000, s1;
	[bflag:$0x2] =	sbarrier.arrive $0xFFFF  }
0xa2: {  	[sflag:s0] =	ssyncadd.tile.s32 @!p0 $0x1;
	_ =	shalt  }
.Lfunc_end2:
_tile_overlayer_lowered:
.L_overlay_start_2:
0xa3: {  	(tag) =	ssettag $0x2  }
0xa4: {  	s0 =	rddreg [dreg:$0x0];
	s2 =	stileid.u32  }
0xa5: {  	s1 =	rddreg [dreg:$0x1];
	p0 =	sne.s32 s2, $0x0  }
0xa6: {  	s3 =	rddreg [dreg:$0x2];
	[bflag:$0x3] =	sbarrier.arrive $0xFFFF;
	s2 =	simm.s32 @!p0 $0x1C03  }
0xa7: {  	[timem:s3], [sflag:s2] =	dma.local @!p0 [hbm:s0], s1  }
0xa8: {  	s0 =	simm.s32 @!p0 $0x3  }
0xa9: {  	_ =	swait.ge @!p0 [sflag:s0], s1  }
0xaa: {  	s1 =	ssub.s32 @!p0 $0x0, s1;
	[sflag:s0] =	ssyncset.done @!p0 $0x0  }
0xab: {  	[sflag:s0] =	ssyncadd.s32 @!p0 s1  }
0xac: {  	[bflag:$0x3] =	sbarrier.arrive $0xFFFF  }
0xad: {  	_ =	shalt  }

// kernel: kernel.9.cloned.1.call-start
scs
__scs_entry_jumppad:
0x0: {  	(pc) =	sbr.rel $0x88, $3  }
0x1: {  	(tag) =	ssettag $0x0;
	lr =	simm.s32 $0x1  }
0x2: {  	[smem:$0x3F96] =	sst lr;
	_ =	strace $0xD0000000  }
0x3: {  	_ = 	snop  }
0x4: {  	_ = 	snop  }
0x5: {  	_ = 	snop  }
0x6: {  	_ = 	snop  }
0x7: {  	_ = 	snop  }
__scs_overlays_trampoline_lowered:
0x8: {  	[smem:$0x3FA5] =	sst s0  }
0x9: {  	[smem:$0x3FA6] =	sst s1  }
0xa: {  	[smem:$0x3FA7] =	sst s2  }
0xb: {  	[smem:$0x3FA8] =	sst s3  }
0xc: {  	[smem:$0x3FA9] =	sst s4  }
0xd: {  	[smem:$0x3FAA] =	sst s5  }
0xe: {  	[smem:$0x3FAB] =	sst s6  }
0xf: {  	[smem:$0x3FAC] =	sst s7  }
0x10: {  	[smem:$0x3FAD] =	sst s8  }
0x11: {  	[smem:$0x3FAE] =	sst s9;
	s0 =	simm.s32 @!p0 $0x0  }
0x12: {  	s1 =	sld [smem:$0x3F94];
	s0 =	simm.s32 @p0 $0x1  }
0x13: {  	[smem:$0x3FAF] =	sst s0;
	s0 =	simm.s32 @!p1 $0x0  }
0x14: {  	s2 =	sld [smem:$0x3F93];
	s0 =	simm.s32 @p1 $0x1  }
0x15: {  	[smem:$0x3FB0] =	sst s0;
	s0 =	simm.s32 @!p2 $0x0  }
0x16: {  	s3 =	sld [smem:$0x3FDB];
	s0 =	simm.s32 @p2 $0x1  }
0x17: {  	s4 =	simm.s32 $0x1BF5;
	[smem:$0x3FB2] =	sst s0  }
0x18: {  	s0 =	sld [smem:$0x3F95];
	_ =	swait.ge [sflag:s4], $0x0  }
0x19: {  	s7 =	sld [smem:$0x3F96]  }
0x1a: {  	s8 =	sadd.s32 $0xFFFFE003, lr  }
0x1b: {  	s9 =	sadd.s32 $0xFFFFFEF7, lr;
	s5 =	simm.s32 $0xFFFFFFFF;
	p2 =	slt.u32 s8, $0xFFFFF086  }
0x1c: {  	p1 =	slt.u32 s9, $0xF7A;
	s5 =	simm.s32 @!p2 $0x0  }
0x1d: {  	s5 =	simm.s32 @p1 $0x1;
	p0 =	seq.s32 s7, s2  }
0x1e: {  	s7 =	smul.u32 @!p0 $0xF7A, s2;
	p2 =	seq.s32 @!p0 s5, $0x0  }
0x1f: {  	s9 =	smul.u32 $0xF7A, s1;
	s8 =	simm.s32 @!p0 $0x1BF5;
	p2 =	por !p2, p0  }
0x20: {  	[sflag:s8] =	ssyncset.s32 @!p0 $0xFFFFF086;
	s6 =	sadd.s32 @!p0 s3, s7;
	s7 =	simm.s32 @!p0 $0x108  }
0x21: {  	s3 =	sadd.s32 s3, s9;
	s6 =	sadd.s32 @!p0 $0x88, s6;
	s7 =	simm.s32 @p2 $0x1082  }
0x22: {  	[simem:s7], [sflag:s8] =	dma.local @!p0 [hbm:s6], $0xF7A  }
0x23: {  	s9 =	sor.u32 $0xD0000000, s2;
	s6 =	simm.s32 $0x108;
	_ =	swait.ge @!p0 [sflag:s8], $0x0  }
0x24: {  	s3 =	sadd.s32 $0x88, s3;
	s6 =	simm.s32 @!p1 $0x1082;
	[sflag:s4] =	ssyncset.s32 $0xFFFFF086  }
0x25: {  	[simem:s6], [sflag:s4] =	dma.local [hbm:s3], $0xF7A  }
0x26: {  	[smem:$0x3F96] =	sst s1;
	(tag) =	ssettag s2;
	_ =	strace s9  }
0x27: {  	s1 =	sld [smem:$0x3FA6]  }
0x28: {  	s2 =	sld [smem:$0x3FA7]  }
0x29: {  	s4 =	sld [smem:$0x3FA9]  }
0x2a: {  	p0 =	seq.s32 s5, $0x0;
	s5 =	sld [smem:$0x3FAA]  }
0x2b: {  	s6 =	sld [smem:$0x3FAB]  }
0x2c: {  	s7 =	sld [smem:$0x3FAC]  }
0x2d: {  	s3 =	simm.s32 $0x108;
	s8 =	sld [smem:$0x3FAD]  }
0x2e: {  	s3 =	simm.s32 @!p0 $0x1082;
	s9 =	sld [smem:$0x3FAE]  }
0x2f: {  	lr =	sadd.s32 s0, s3;
	s0 =	sld [smem:$0x3FA5]  }
0x30: {  	s3 =	sld [smem:$0x3FA8]  }
0x31: {  	[smem:$0x3FB1] =	sst s10  }
0x32: {  	s10 =	sld [smem:$0x3FAF];
	_ =	sdelay $0x3  }
0x33: {  	p0 =	seq.s32 s10, $0x1;
	s10 =	sld [smem:$0x3FB1];
	_ =	sdelay $0x3  }
0x34: {  	[smem:$0x3FB1] =	sst s10  }
0x35: {  	s10 =	sld [smem:$0x3FB0];
	_ =	sdelay $0x3  }
0x36: {  	p1 =	seq.s32 s10, $0x1;
	s10 =	sld [smem:$0x3FB1];
	_ =	sdelay $0x3  }
0x37: {  	[smem:$0x3FB1] =	sst s10  }
0x38: {  	s10 =	sld [smem:$0x3FB2]  }
0x39: {  	_ = 	snop;
	(pc) =	sbr.ind lr, $3  }
0x3a: {  	_ = 	snop  }
0x3b: {  	_ = 	snop  }
0x3c: {  	p2 =	seq.s32 s10, $0x1;
	s10 =	sld [smem:$0x3FB1]  }
0x3d: {  	_ =	shalt  }
0x3e: {  	_ =	shalt  }
0x3f: {  	_ =	shalt  }
0x40: {  	_ =	shalt  }
0x41: {  	_ =	shalt  }
0x42: {  	_ =	shalt  }
0x43: {  	_ =	shalt  }
0x44: {  	_ =	shalt  }
0x45: {  	_ =	shalt  }
0x46: {  	_ =	shalt  }
0x47: {  	_ =	shalt  }
0x48: {  	_ =	shalt  }
0x49: {  	_ =	shalt  }
0x4a: {  	_ =	shalt  }
0x4b: {  	_ =	shalt  }
0x4c: {  	_ =	shalt  }
0x4d: {  	_ =	shalt  }
0x4e: {  	_ =	shalt  }
0x4f: {  	_ =	shalt  }
0x50: {  	_ =	shalt  }
0x51: {  	_ =	shalt  }
0x52: {  	_ =	shalt  }
0x53: {  	_ =	shalt  }
0x54: {  	_ =	shalt  }
0x55: {  	_ =	shalt  }
0x56: {  	_ =	shalt  }
0x57: {  	_ =	shalt  }
0x58: {  	_ =	shalt  }
0x59: {  	_ =	shalt  }
0x5a: {  	_ =	shalt  }
0x5b: {  	_ =	shalt  }
0x5c: {  	_ =	shalt  }
0x5d: {  	_ =	shalt  }
0x5e: {  	_ =	shalt  }
0x5f: {  	_ =	shalt  }
0x60: {  	_ =	shalt  }
0x61: {  	_ =	shalt  }
0x62: {  	_ =	shalt  }
0x63: {  	_ =	shalt  }
0x64: {  	_ =	shalt  }
0x65: {  	_ =	shalt  }
0x66: {  	_ =	shalt  }
0x67: {  	_ =	shalt  }
0x68: {  	_ =	shalt  }
0x69: {  	_ =	shalt  }
0x6a: {  	_ =	shalt  }
0x6b: {  	_ =	shalt  }
0x6c: {  	_ =	shalt  }
0x6d: {  	_ =	shalt  }
0x6e: {  	_ =	shalt  }
0x6f: {  	_ =	shalt  }
0x70: {  	_ =	shalt  }
0x71: {  	_ =	shalt  }
0x72: {  	_ =	shalt  }
0x73: {  	_ =	shalt  }
0x74: {  	_ =	shalt  }
0x75: {  	_ =	shalt  }
0x76: {  	_ =	shalt  }
0x77: {  	_ =	shalt  }
0x78: {  	_ =	shalt  }
0x79: {  	_ =	shalt  }
0x7a: {  	_ =	shalt  }
0x7b: {  	_ =	shalt  }
0x7c: {  	_ =	shalt  }
0x7d: {  	_ =	shalt  }
0x7e: {  	_ =	shalt  }
0x7f: {  	_ =	shalt  }
0x80: {  	_ =	shalt  }
0x81: {  	_ =	shalt  }
0x82: {  	_ =	shalt  }
0x83: {  	_ =	shalt  }
0x84: {  	_ =	shalt  }
0x85: {  	_ =	shalt  }
0x86: {  	_ =	shalt  }
0x87: {  	_ =	shalt  }
.Lfunc_end0:
.L_simem_size_0:
called_computation_lowered:
.L_overlay_start_0:
0x88: {  	s2 =	sld [smem:$0x3FD9]  }
0x89: {  	s3 =	sld [smem:$0x3FFE];
	_ =	sdelay $0x1  }
0x8a: {  	s1 =	srdreg.scid  }
0x8b: {  	s0 =	sand.u32 $0x1, s1  }
0x8c: {  	s17 =	sshll.u32 s0, $0xA;
	s2 =	sadd.s32 s3, s2  }
0x8d: {  	s2 =	sadd.s32 s2, s17  }
0x8e: {  	[smem:$0x3FBD] =	sst s2  }
0x8f: {  	_ = 	snop  }
0x90: {  	s2 =	sld [smem:$0x3FD0];
	(tm) =	ssettm $0x1  }
0x91: {  	s18 =	sld [smem:$0x3FFB];
	_ =	sdelay $0x3  }
0x92: {  	_ =	strace s18  }
0x93: {  	s3 =	sld [smem:$0x3FFC];
	_ =	sdelay $0x3  }
0x94: {  	_ =	strace s3  }
0x95: {  	s3 =	sld [smem:$0x3FFD];
	_ =	sdelay $0x3  }
0x96: {  	_ =	strace s3  }
0x97: {  	_ =	strace $0x8FFFFFFF  }
0x98: {  	s19 =	sld [smem:$0x3FDB];
	_ =	sdelay $0x1  }
0x99: {  	s4 =	simm.s32 $_scs_section_size  }
0x9a: {  	s5 =	simm.s32 $_size__tile_overlayer_lowered;
	s6 =	simm.s32 $_tile_overlayer_lowered  }
0x9b: {  	s22 =	simm.s32 $0x1BFF;
	s21 =	sshll.u32 s6, $0x1;
	s3 =	sadd.s32 s4, s19  }
0x9c: {  	s7 =	simm.s32 $0x0;
	s20 =	sshll.u32 s5, $0x1;
	s5 =	sadd.s32 s21, s3  }
0x9d: {  	[timem:s7], [sflag:s22] =	dma.local [hbm:s5], s20  }
0x9e: {  	_ =	swait.ge [sflag:s22], s20  }
0x9f: {  	s4 =	ssub.s32 $0x0, s20;
	[sflag:s22] =	ssyncset.done $0x0  }
0xa0: {  	[sflag:s22] =	ssyncadd.s32 s4;
	_ =	sdelay $0x1  }
0xa1: {  	s23 =	simm.s32 $0x1B8B  }
0xa2: {  	_ =	swait.ge [sflag:s23], $0x1  }
0xa3: {  	[sflag:s23] =	ssyncset.done $0x0  }
0xa4: {  	s25 =	simm.s32 $0x1B8E;
	s24 =	sld [smem:$0x3FFE];
	[sflag:s23] =	ssyncadd.s32 $0xFFFFFFFF  }
0xa5: {  	s26 =	simm.s32 $execute0_lowered;
	[smem:$0x3FD2] =	sst s25  }
0xa6: {  	s5 =	sshll.u32 s26, $0x1;
	_ =	strace $0x80000046;
	[dreg:$0x1] =	wrdreg $0xFFFFFFFF  }
0xa7: {  	s28 =	simm.s32 $_size_execute0_lowered;
	s3 =	sadd.s32 s3, s5;
	[dreg:$0x0] =	wrdreg $0x0  }
0xa8: {  	s5 =	sshll.u32 s28, $0x1;
	[dreg:$0x2] =	wrdreg s3  }
0xa9: {  	[dreg:$0x3] =	wrdreg s5  }
0xaa: {  	[dreg:$0x4] =	wrdreg $0xC0  }
0xab: {  	_ =	task [dreg:s7], $0x5FFFF  }
0xac: {  	[dreg:$0x1] =	wrdreg $0xFFFFFFFF  }
0xad: {  	[dreg:$0x0] =	wrdreg $0x60  }
0xae: {  	[dreg:$0x2] =	wrdreg s24  }
0xaf: {  	[dreg:$0x3] =	wrdreg s2  }
0xb0: {  	[dreg:$0x4] =	wrdreg $0x9E200  }
0xb1: {  	[dreg:$0x5] =	wrdreg $0x1DE700  }
0xb2: {  	[dreg:$0x6] =	wrdreg $0x9  }
0xb3: {  	_ =	task.clear_ibuf [dreg:s7], $0x7FFFF;
	_ =	strace $0x90000046  }
0xb4: {  	s29 =	simm.s32 $0x9;
	_ =	strace $0x80000048  }
0xb5: {  	_ =	swait.ge [sflag:s29], $0x1  }
0xb6: {  	[sflag:s29] =	ssyncadd.s32 $0xFFFFFFFF  }
0xb7: {  	_ =	strace $0x90000048  }
0xb8: {  	_ =	sfence  }
0xb9: {  	s30 =	sld [smem:$0x0];
	_ =	sdelay $0x2  }
0xba: {  	s31 =	sshll.u32 s1, $0xD;
	s1 =	sshrl.u32 s1, $0x2  }
0xbb: {  	s3 =	sand.u32 $0x4000, s31;
	s1 =	sadd.s32 s1, s30  }
0xbc: {  	s0 =	sor.u32 s3, s0;
	s1 =	sshll.u32 s1, $0x11  }
0xbd: {  	s0 =	sor.u32 s1, s0  }
0xbe: {  	s0 =	sadd.s32 $0x8F2B, s0  }
0xbf: {  	[sflag:s0] =	ssyncadd.remote.s32 $0x1  }
0xc0: {  	_ =	sfence.sel $0xFFFF  }
0xc1: {  	[dreg:$0x0] =	wrdreg $0xFFFFFFFF;
	(pc) =	sbr.abs _section_cstart, $3  }
0xc2: {  	[dreg:$0x1] =	wrdreg $0xFFFFFFFF  }
0xc3: {  	_ =	task.clear_ibuf [dreg:s7], $0x2FFFF;
	_ =	strace $0x9FFFFFFF  }
0xc4: {  	(tm) =	ssettm $0x7FFFFFFF  }
0xc5: {  	_ =	shalt  }
tec
execute0_lowered:
.L_overlay_start_1:
0x0: {  	(tag) =	ssettag $0x1  }
0x1: {  	s10 =	rddreg [dreg:$0x0]  }
0x2: {  	s11 =	rddreg [dreg:$0x1]  }
0x3: {  	s0 =	srdreg.scid;
	s2 =	rddreg [dreg:$0x2]  }
0x4: {  	s3 =	rddreg [dreg:$0x3];
	s4 =	simm.s32 $0x0;
	s20 =	simm.s32 $0x50  }
0x5: {  	s21 =	simm.s32 $0x4E20;
	s22 =	simm.s32 $0x7620;
	s23 =	simm.s32 $0x1  }
0x6: {  	s24 =	simm.s32 $0x2;
	s9 =	sand.u32 $0x1, s0;
	s0 =	stileid.u32  }
0x7: {  	s25 =	simm.s32 $0x0;
	[smem:$0x7FF] =	sst s4;
	s13 =	smul.u32 $0x14000, s0  }
0x8: {  	s5 =	sadd.s32 $0x34400, s10;
	s6 =	sadd.s32 $0xC400, s10;
	s14 =	smul.u32 $0x140000, s9  }
0x9: {  	s7 =	sadd.s32 $0x36E00, s10;
	s8 =	sadd.s32 $0x36C00, s10;
	s15 =	smul.u32 $0x280, s0  }
0xa: {  	s1 =	sshll.u32 s9, $0x4;
	s16 =	smul.u32 $0x2800, s9;
	s9 =	ssub.s32 $0x2, s9  }
0xb: {  	s31 =	sshll.u32 s0, $0x6;
	s1 =	sor.u32 s0, s1;
	s29 =	sshrl.u32 s9, $0x1  }
0xc: {  	s12 =	smul.u32 $0x4E2, s1;
	s1 =	rddreg [dreg:$0x4];
	_ =	strace $0x80000047  }
0xd: {  	s14 =	sadd.s32 s13, s14;
	s16 =	sadd.s32 s15, s16;
	s18 =	ssub.s32 s9, s29  }
0xe: {  	s30 =	sadd.s32 s13, s2;
	s19 =	sadd.s32 s15, s3;
	s15 =	simm.s32 $0x2710  }
0xf: {  	s14 =	sshrl.u32 s14, $0x3;
	s16 =	sshrl.u32 s16, $0x3;
	s13 =	smax.u32 s18, $0x1  }
0x10: {  	s18 =	simm.s32 $0x1DE20;
	s19 =	sshrl.u32 s19, $0x3;
	s17 =	sadd.s32 s12, s10  }
0x11: {  	s14 =	sadd.s32 s14, s10;
	s16 =	sadd.s32 s16, s10;
	s10 =	sadd.s32 s11, s12  }
0x12: {  	s9 =	sadd.s32 $0x2600, s17;
	s11 =	sadd.s32 $0x37A00, s14;
	s12 =	sadd.s32 $0x37000, s16  }
0x13: {  	s14 =	simm.s32 $0x3;
	s16 =	sor.u32 $0x1C03, s31;
	s17 =	sshrl.u32 s30, $0x3  }
.LBB2_1:
0x14: {  	[tilespmem:s4], [sflag:$0x3] =	stream.linear.gather [hbm4b:s9+s4], $0x2710, $0x38;
	[tilespmem:$0x1E0F0] =	vst v63  }
0x15: {  	_ =	swait.ge [sflag:s14], $0x2710  }
0x16: {  	[sflag:s14] =	ssyncset.done $0x0  }
0x17: {  	[sflag:s14] =	ssyncadd.s32 $0xFFFFD8F0  }
0x18: {  	[tilespmem:s15], [sflag:$0x3] =	stream.linear.gather [hbm4b:s10+s4], $0x2710, $0x38;
	[tilespmem:$0x1E0F0] =	vst v63  }
0x19: {  	_ =	swait.ge [sflag:s14], $0x2710  }
0x1a: {  	[sflag:s14] =	ssyncset.done $0x0  }
0x1b: {  	[sflag:s14] =	ssyncadd.s32 $0xFFFFD8F0  }
0x1c: {  	[spmem:s17], [sflag:s16] =	dma.local [hbm:s5], $0x2800  }
0x1d: {  	_ =	swait.ge [sflag:s14], $0x2800  }
0x1e: {  	[sflag:s14] =	ssyncset.done $0x0  }
0x1f: {  	[sflag:s14] =	ssyncadd.s32 $0xFFFFD800  }
0x20: {  	[tilespmem:s18], [sflag:$0x3] =	stream.linear.gather [hbm4b:s7+s4], $0x50, $0x38;
	[tilespmem:$0x1E0F0] =	vst v63  }
0x21: {  	_ =	swait.ge [sflag:s14], $0x50  }
0x22: {  	[sflag:s14] =	ssyncset.done $0x0  }
0x23: {  	[sflag:s14] =	ssyncadd.s32 $0xFFFFFFB0  }
0x24: {  	[spmem:s19], [sflag:s16] =	dma.local [hbm:s8], $0x50  }
0x25: {  	_ =	swait.ge [sflag:s14], $0x50  }
0x26: {  	[sflag:s14] =	ssyncset.done $0x0  }
0x27: {  	[sflag:s14] =	ssyncadd.s32 $0xFFFFFFB0  }
0x28: {  	s26 =	simm.s32 $0x0;
	[bflag:$0x0] =	sbarrier.arrive $0xFFFF  }
0x29: {  	[tilespmem:s21], [sflag:$0x1] =	stream.indirect.gather [hbm4b:s6+s20], $0x80, s26, s20, $0xb8;
	[tilespmem:$0x1E0F0] =	vst v63  }
0x2a: {  	s28 =	simm.s32 $0x50  }
0x2b: {  	[tilespmem:s22], [sflag:$0x2] =	stream.indirect.gather [hbm4b:s6+s20], $0x80, s28, s20, $0xb8;
	[tilespmem:$0x1E0F0] =	vst v63  }
0x2c: {  	_ =	swait.ge [sflag:s23], $0x2800  }
0x2d: {  	[sflag:s23] =	ssyncset.done $0x0  }
0x2e: {  	s29 =	simm.s32 $0x2710;
	[sflag:s23] =	ssyncadd.s32 $0xFFFFD800  }
0x2f: {  	[spmem:s2] =	stream.indirect.scatter.add.f32 [tilespmem:s21], [sflag:$0x3], $0x80, s29, s20, $0xb8;
	[tilespmem:$0x1E0F0] =	vst v63  }
0x30: {  	_ =	swait.ge [sflag:s14], $0x2800  }
0x31: {  	[sflag:s14] =	ssyncset.done $0x0  }
0x32: {  	[sflag:s14] =	ssyncadd.s32 $0xFFFFD800  }
0x33: {  	[spmem:s3] =	stream.indirect.scatter.add.f32 [tilespmem:s18], [sflag:$0x3], $0x1, s29, s20, $0xb8;
	[tilespmem:$0x1E0F0] =	vst v63  }
0x34: {  	_ =	swait.ge [sflag:s14], $0x50  }
0x35: {  	[sflag:s14] =	ssyncset.done $0x0  }
0x36: {  	s31 =	simm.s32 $0xA0;
	[sflag:s14] =	ssyncadd.s32 $0xFFFFFFB0  }
0x37: {  	[tilespmem:s21], [sflag:$0x1] =	stream.indirect.gather [hbm4b:s6+s20], $0x80, s31, s20, $0xb8;
	[tilespmem:$0x1E0F0] =	vst v63  }
0x38: {  	_ =	swait.ge [sflag:s24], $0x2800  }
0x39: {  	[sflag:s24] =	ssyncset.done $0x0  }
0x3a: {  	s28 =	simm.s32 $0x2760;
	[sflag:s24] =	ssyncadd.s32 $0xFFFFD800  }
0x3b: {  	[spmem:s2] =	stream.indirect.scatter.add.f32 [tilespmem:s22], [sflag:$0x3], $0x80, s28, s20, $0xb8;
	[tilespmem:$0x1E0F0] =	vst v63  }
0x3c: {  	_ =	swait.ge [sflag:s14], $0x2800  }
0x3d: {  	[sflag:s14] =	ssyncset.done $0x0  }
0x3e: {  	[sflag:s14] =	ssyncadd.s32 $0xFFFFD800  }
0x3f: {  	[spmem:s3] =	stream.indirect.scatter.add.f32 [tilespmem:s18], [sflag:$0x3], $0x1, s28, s20, $0xb8;
	[tilespmem:$0x1E0F0] =	vst v63  }
0x40: {  	_ =	swait.ge [sflag:s14], $0x50  }
0x41: {  	[sflag:s14] =	ssyncset.done $0x0  }
0x42: {  	s29 =	simm.s32 $0xF0;
	[sflag:s14] =	ssyncadd.s32 $0xFFFFFFB0  }
0x43: {  	[tilespmem:s22], [sflag:$0x2] =	stream.indirect.gather [hbm4b:s6+s20], $0x80, s29, s20, $0xb8;
	[tilespmem:$0x1E0F0] =	vst v63  }
0x44: {  	_ =	swait.ge [sflag:s23], $0x2800  }
0x45: {  	[sflag:s23] =	ssyncset.done $0x0  }
0x46: {  	s31 =	simm.s32 $0x27B0;
	[sflag:s23] =	ssyncadd.s32 $0xFFFFD800  }
0x47: {  	[spmem:s2] =	stream.indirect.scatter.add.f32 [tilespmem:s21], [sflag:$0x3], $0x80, s31, s20, $0xb8;
	[tilespmem:$0x1E0F0] =	vst v63  }
0x48: {  	_ =	swait.ge [sflag:s14], $0x2800  }
0x49: {  	[sflag:s14] =	ssyncset.done $0x0  }
0x4a: {  	[sflag:s14] =	ssyncadd.s32 $0xFFFFD800  }
0x4b: {  	[spmem:s3] =	stream.indirect.scatter.add.f32 [tilespmem:s18], [sflag:$0x3], $0x1, s31, s20, $0xb8;
	[tilespmem:$0x1E0F0] =	vst v63  }
0x4c: {  	_ =	swait.ge [sflag:s14], $0x50  }
0x4d: {  	[sflag:s14] =	ssyncset.done $0x0  }
0x4e: {  	s28 =	simm.s32 $0x140;
	[sflag:s14] =	ssyncadd.s32 $0xFFFFFFB0  }
0x4f: {  	[tilespmem:s21], [sflag:$0x1] =	stream.indirect.gather [hbm4b:s6+s20], $0x80, s28, s20, $0xb8;
	[tilespmem:$0x1E0F0] =	vst v63  }
0x50: {  	_ =	swait.ge [sflag:s24], $0x2800  }
0x51: {  	[sflag:s24] =	ssyncset.done $0x0  }
0x52: {  	s29 =	simm.s32 $0x2800;
	[sflag:s24] =	ssyncadd.s32 $0xFFFFD800  }
0x53: {  	[spmem:s2] =	stream.indirect.scatter.add.f32 [tilespmem:s22], [sflag:$0x3], $0x80, s29, s20, $0xb8;
	[tilespmem:$0x1E0F0] =	vst v63  }
0x54: {  	_ =	swait.ge [sflag:s14], $0x2800  }
0x55: {  	[sflag:s14] =	ssyncset.done $0x0  }
0x56: {  	[sflag:s14] =	ssyncadd.s32 $0xFFFFD800  }
0x57: {  	[spmem:s3] =	stream.indirect.scatter.add.f32 [tilespmem:s18], [sflag:$0x3], $0x1, s29, s20, $0xb8;
	[tilespmem:$0x1E0F0] =	vst v63  }
0x58: {  	_ =	swait.ge [sflag:s14], $0x50  }
0x59: {  	[sflag:s14] =	ssyncset.done $0x0  }
0x5a: {  	[sflag:s14] =	ssyncadd.s32 $0xFFFFFFB0  }
0x5b: {  	_ =	swait.ge [sflag:s23], $0x2800  }
0x5c: {  	[sflag:s23] =	ssyncset.done $0x0  }
0x5d: {  	s31 =	simm.s32 $0x2850;
	[sflag:s23] =	ssyncadd.s32 $0xFFFFD800  }
0x5e: {  	[spmem:s2] =	stream.indirect.scatter.add.f32 [tilespmem:s21], [sflag:$0x3], $0x80, s31, s20, $0xb8;
	[tilespmem:$0x1E0F0] =	vst v63  }
0x5f: {  	_ =	swait.ge [sflag:s14], $0x2800  }
0x60: {  	[sflag:s14] =	ssyncset.done $0x0  }
0x61: {  	[sflag:s14] =	ssyncadd.s32 $0xFFFFD800  }
0x62: {  	[spmem:s3] =	stream.indirect.scatter.add.f32 [tilespmem:s18], [sflag:$0x3], $0x1, s31, s20, $0xb8;
	[tilespmem:$0x1E0F0] =	vst v63  }
0x63: {  	_ =	swait.ge [sflag:s14], $0x50  }
0x64: {  	s30 =	simm.s32 $0xC80;
	s26 =	simm.s32 $0x640;
	[sflag:s14] =	ssyncset.done $0x0  }
.LBB2_2:
0x65: {  	s29 =	sshra.s32 s26, $0x2  }
0x66: {  	[sflag:s14] =	ssyncadd.s32 $0xFFFFFFB0;
	s26 =	smov.u32 s30;
	s28 =	sadd.s32 $0x640, s30  }
0x67: {  	[tilespmem:s21], [sflag:$0x1] =	stream.indirect.gather [hbm4b:s6+s20], $0x80, s29, s20, $0xb8;
	[tilespmem:$0x1E0F0] =	vst v63  }
0x68: {  	p0 =	sne.s32 s30, $0x9600;
	s30 =	sadd.s32 $0x50, s29  }
0x69: {  	[tilespmem:s22], [sflag:$0x2] =	stream.indirect.gather [hbm4b:s6+s20], $0x80, s30, s20, $0xb8;
	[tilespmem:$0x1E0F0] =	vst v63  }
0x6a: {  	_ =	swait.ge [sflag:s23], $0x2800  }
0x6b: {  	[sflag:s23] =	ssyncset.done $0x0  }
0x6c: {  	s30 =	sadd.s32 $0x2710, s29;
	[sflag:s23] =	ssyncadd.s32 $0xFFFFD800  }
0x6d: {  	[spmem:s2] =	stream.indirect.scatter.add.f32 [tilespmem:s21], [sflag:$0x3], $0x80, s30, s20, $0xb8;
	[tilespmem:$0x1E0F0] =	vst v63  }
0x6e: {  	_ =	swait.ge [sflag:s14], $0x2800  }
0x6f: {  	[sflag:s14] =	ssyncset.done $0x0  }
0x70: {  	[sflag:s14] =	ssyncadd.s32 $0xFFFFD800  }
0x71: {  	[spmem:s3] =	stream.indirect.scatter.add.f32 [tilespmem:s18], [sflag:$0x3], $0x1, s30, s20, $0xb8;
	[tilespmem:$0x1E0F0] =	vst v63  }
0x72: {  	_ =	swait.ge [sflag:s14], $0x50  }
0x73: {  	[sflag:s14] =	ssyncset.done $0x0  }
0x74: {  	s30 =	sadd.s32 $0xA0, s29;
	[sflag:s14] =	ssyncadd.s32 $0xFFFFFFB0  }
0x75: {  	[tilespmem:s21], [sflag:$0x1] =	stream.indirect.gather [hbm4b:s6+s20], $0x80, s30, s20, $0xb8;
	[tilespmem:$0x1E0F0] =	vst v63  }
0x76: {  	_ =	swait.ge [sflag:s24], $0x2800  }
0x77: {  	[sflag:s24] =	ssyncset.done $0x0  }
0x78: {  	s30 =	sadd.s32 $0x2760, s29;
	[sflag:s24] =	ssyncadd.s32 $0xFFFFD800  }
0x79: {  	[spmem:s2] =	stream.indirect.scatter.add.f32 [tilespmem:s22], [sflag:$0x3], $0x80, s30, s20, $0xb8;
	[tilespmem:$0x1E0F0] =	vst v63  }
0x7a: {  	_ =	swait.ge [sflag:s14], $0x2800  }
0x7b: {  	[sflag:s14] =	ssyncset.done $0x0  }
0x7c: {  	[sflag:s14] =	ssyncadd.s32 $0xFFFFD800  }
0x7d: {  	[spmem:s3] =	stream.indirect.scatter.add.f32 [tilespmem:s18], [sflag:$0x3], $0x1, s30, s20, $0xb8;
	[tilespmem:$0x1E0F0] =	vst v63  }
0x7e: {  	_ =	swait.ge [sflag:s14], $0x50  }
0x7f: {  	[sflag:s14] =	ssyncset.done $0x0  }
0x80: {  	s30 =	sadd.s32 $0xF0, s29;
	[sflag:s14] =	ssyncadd.s32 $0xFFFFFFB0  }
0x81: {  	[tilespmem:s22], [sflag:$0x2] =	stream.indirect.gather [hbm4b:s6+s20], $0x80, s30, s20, $0xb8;
	[tilespmem:$0x1E0F0] =	vst v63  }
0x82: {  	_ =	swait.ge [sflag:s23], $0x2800  }
0x83: {  	[sflag:s23] =	ssyncset.done $0x0  }
0x84: {  	s30 =	sadd.s32 $0x27B0, s29;
	[sflag:s23] =	ssyncadd.s32 $0xFFFFD800  }
0x85: {  	[spmem:s2] =	stream.indirect.scatter.add.f32 [tilespmem:s21], [sflag:$0x3], $0x80, s30, s20, $0xb8;
	[tilespmem:$0x1E0F0] =	vst v63  }
0x86: {  	_ =	swait.ge [sflag:s14], $0x2800  }
0x87: {  	[sflag:s14] =	ssyncset.done $0x0  }
0x88: {  	[sflag:s14] =	ssyncadd.s32 $0xFFFFD800  }
0x89: {  	[spmem:s3] =	stream.indirect.scatter.add.f32 [tilespmem:s18], [sflag:$0x3], $0x1, s30, s20, $0xb8;
	[tilespmem:$0x1E0F0] =	vst v63  }
0x8a: {  	_ =	swait.ge [sflag:s14], $0x50  }
0x8b: {  	[sflag:s14] =	ssyncset.done $0x0  }
0x8c: {  	s30 =	sadd.s32 $0x140, s29;
	[sflag:s14] =	ssyncadd.s32 $0xFFFFFFB0  }
0x8d: {  	[tilespmem:s21], [sflag:$0x1] =	stream.indirect.gather [hbm4b:s6+s20], $0x80, s30, s20, $0xb8;
	[tilespmem:$0x1E0F0] =	vst v63  }
0x8e: {  	_ =	swait.ge [sflag:s24], $0x2800  }
0x8f: {  	[sflag:s24] =	ssyncset.done $0x0  }
0x90: {  	s30 =	sadd.s32 $0x2800, s29;
	[sflag:s24] =	ssyncadd.s32 $0xFFFFD800  }
0x91: {  	[spmem:s2] =	stream.indirect.scatter.add.f32 [tilespmem:s22], [sflag:$0x3], $0x80, s30, s20, $0xb8;
	[tilespmem:$0x1E0F0] =	vst v63  }
0x92: {  	_ =	swait.ge [sflag:s14], $0x2800  }
0x93: {  	[sflag:s14] =	ssyncset.done $0x0  }
0x94: {  	[sflag:s14] =	ssyncadd.s32 $0xFFFFD800  }
0x95: {  	[spmem:s3] =	stream.indirect.scatter.add.f32 [tilespmem:s18], [sflag:$0x3], $0x1, s30, s20, $0xb8;
	[tilespmem:$0x1E0F0] =	vst v63  }
0x96: {  	_ =	swait.ge [sflag:s14], $0x50  }
0x97: {  	[sflag:s14] =	ssyncset.done $0x0  }
0x98: {  	[sflag:s14] =	ssyncadd.s32 $0xFFFFFFB0  }
0x99: {  	_ =	swait.ge [sflag:s23], $0x2800  }
0x9a: {  	[sflag:s23] =	ssyncset.done $0x0  }
0x9b: {  	s29 =	sadd.s32 $0x2850, s29;
	[sflag:s23] =	ssyncadd.s32 $0xFFFFD800  }
0x9c: {  	[spmem:s2] =	stream.indirect.scatter.add.f32 [tilespmem:s21], [sflag:$0x3], $0x80, s29, s20, $0xb8;
	[tilespmem:$0x1E0F0] =	vst v63  }
0x9d: {  	_ =	swait.ge [sflag:s14], $0x2800  }
.Ltmp0:
0x9e: {  	[sflag:s14] =	ssyncset.done $0x0;
	(pc) =	sbr.rel @p0 .LBB2_2-.Ltmp0, $4  }
0x9f: {  	[sflag:s14] =	ssyncadd.s32 $0xFFFFD800  }
0xa0: {  	[spmem:s3] =	stream.indirect.scatter.add.f32 [tilespmem:s18], [sflag:$0x3], $0x1, s29, s20, $0xb8;
	[tilespmem:$0x1E0F0] =	vst v63  }
0xa1: {  	_ =	swait.ge [sflag:s14], $0x50  }
0xa2: {  	s30 =	smov.u32 s28;
	[sflag:s14] =	ssyncset.done $0x0  }
0xa3: {  	s26 =	sshra.s32 s26, $0x2;
	[sflag:s14] =	ssyncadd.s32 $0xFFFFFFB0  }
0xa4: {  	[tilespmem:s21], [sflag:$0x1] =	stream.indirect.gather [hbm4b:s6+s20], $0x80, s26, s20, $0xb8;
	[tilespmem:$0x1E0F0] =	vst v63  }
0xa5: {  	s28 =	sadd.s32 $0x50, s26  }
0xa6: {  	[tilespmem:s22], [sflag:$0x2] =	stream.indirect.gather [hbm4b:s6+s20], $0x80, s28, s20, $0xb8;
	[tilespmem:$0x1E0F0] =	vst v63  }
0xa7: {  	_ =	swait.ge [sflag:s23], $0x2800  }
0xa8: {  	[sflag:s23] =	ssyncset.done $0x0  }
0xa9: {  	s31 =	sadd.s32 $0x2710, s26;
	[sflag:s23] =	ssyncadd.s32 $0xFFFFD800  }
0xaa: {  	[spmem:s2] =	stream.indirect.scatter.add.f32 [tilespmem:s21], [sflag:$0x3], $0x80, s31, s20, $0xb8;
	[tilespmem:$0x1E0F0] =	vst v63  }
0xab: {  	_ =	swait.ge [sflag:s14], $0x2800  }
0xac: {  	[sflag:s14] =	ssyncset.done $0x0  }
0xad: {  	[sflag:s14] =	ssyncadd.s32 $0xFFFFD800  }
0xae: {  	[spmem:s3] =	stream.indirect.scatter.add.f32 [tilespmem:s18], [sflag:$0x3], $0x1, s31, s20, $0xb8;
	[tilespmem:$0x1E0F0] =	vst v63  }
0xaf: {  	_ =	swait.ge [sflag:s14], $0x50  }
0xb0: {  	[sflag:s14] =	ssyncset.done $0x0  }
0xb1: {  	s29 =	sadd.s32 $0xA0, s26;
	[sflag:s14] =	ssyncadd.s32 $0xFFFFFFB0  }
0xb2: {  	[tilespmem:s21], [sflag:$0x1] =	stream.indirect.gather [hbm4b:s6+s20], $0x80, s29, s20, $0xb8;
	[tilespmem:$0x1E0F0] =	vst v63  }
0xb3: {  	_ =	swait.ge [sflag:s24], $0x2800  }
0xb4: {  	[sflag:s24] =	ssyncset.done $0x0  }
0xb5: {  	s30 =	sadd.s32 $0x2760, s26;
	[sflag:s24] =	ssyncadd.s32 $0xFFFFD800  }
0xb6: {  	[spmem:s2] =	stream.indirect.scatter.add.f32 [tilespmem:s22], [sflag:$0x3], $0x80, s30, s20, $0xb8;
	[tilespmem:$0x1E0F0] =	vst v63  }
0xb7: {  	_ =	swait.ge [sflag:s14], $0x2800  }
0xb8: {  	[sflag:s14] =	ssyncset.done $0x0  }
0xb9: {  	[sflag:s14] =	ssyncadd.s32 $0xFFFFD800  }
0xba: {  	[spmem:s3] =	stream.indirect.scatter.add.f32 [tilespmem:s18], [sflag:$0x3], $0x1, s30, s20, $0xb8;
	[tilespmem:$0x1E0F0] =	vst v63  }
0xbb: {  	_ =	swait.ge [sflag:s14], $0x50  }
0xbc: {  	[sflag:s14] =	ssyncset.done $0x0  }
0xbd: {  	s31 =	sadd.s32 $0xF0, s26;
	[sflag:s14] =	ssyncadd.s32 $0xFFFFFFB0  }
0xbe: {  	[tilespmem:s22], [sflag:$0x2] =	stream.indirect.gather [hbm4b:s6+s20], $0x80, s31, s20, $0xb8;
	[tilespmem:$0x1E0F0] =	vst v63  }
0xbf: {  	_ =	swait.ge [sflag:s23], $0x2800  }
0xc0: {  	[sflag:s23] =	ssyncset.done $0x0  }
0xc1: {  	s29 =	sadd.s32 $0x27B0, s26;
	[sflag:s23] =	ssyncadd.s32 $0xFFFFD800  }
0xc2: {  	[spmem:s2] =	stream.indirect.scatter.add.f32 [tilespmem:s21], [sflag:$0x3], $0x80, s29, s20, $0xb8;
	[tilespmem:$0x1E0F0] =	vst v63  }
0xc3: {  	_ =	swait.ge [sflag:s14], $0x2800  }
0xc4: {  	[sflag:s14] =	ssyncset.done $0x0  }
0xc5: {  	[sflag:s14] =	ssyncadd.s32 $0xFFFFD800  }
0xc6: {  	[spmem:s3] =	stream.indirect.scatter.add.f32 [tilespmem:s18], [sflag:$0x3], $0x1, s29, s20, $0xb8;
	[tilespmem:$0x1E0F0] =	vst v63  }
0xc7: {  	_ =	swait.ge [sflag:s14], $0x50  }
0xc8: {  	[sflag:s14] =	ssyncset.done $0x0  }
0xc9: {  	s30 =	sadd.s32 $0x140, s26;
	[sflag:s14] =	ssyncadd.s32 $0xFFFFFFB0  }
0xca: {  	[tilespmem:s21], [sflag:$0x1] =	stream.indirect.gather [hbm4b:s6+s20], $0x80, s30, s20, $0xb8;
	[tilespmem:$0x1E0F0] =	vst v63  }
0xcb: {  	_ =	swait.ge [sflag:s24], $0x2800  }
0xcc: {  	[sflag:s24] =	ssyncset.done $0x0  }
0xcd: {  	s31 =	sadd.s32 $0x2800, s26;
	[sflag:s24] =	ssyncadd.s32 $0xFFFFD800  }
0xce: {  	[spmem:s2] =	stream.indirect.scatter.add.f32 [tilespmem:s22], [sflag:$0x3], $0x80, s31, s20, $0xb8;
	[tilespmem:$0x1E0F0] =	vst v63  }
0xcf: {  	_ =	swait.ge [sflag:s14], $0x2800  }
0xd0: {  	[sflag:s14] =	ssyncset.done $0x0  }
0xd1: {  	[sflag:s14] =	ssyncadd.s32 $0xFFFFD800  }
0xd2: {  	[spmem:s3] =	stream.indirect.scatter.add.f32 [tilespmem:s18], [sflag:$0x3], $0x1, s31, s20, $0xb8;
	[tilespmem:$0x1E0F0] =	vst v63  }
0xd3: {  	_ =	swait.ge [sflag:s14], $0x50  }
0xd4: {  	[sflag:s14] =	ssyncset.done $0x0  }
0xd5: {  	[sflag:s14] =	ssyncadd.s32 $0xFFFFFFB0  }
0xd6: {  	_ =	swait.ge [sflag:s23], $0x2800  }
0xd7: {  	[sflag:s23] =	ssyncset.done $0x0  }
0xd8: {  	s26 =	sadd.s32 $0x2850, s26;
	[sflag:s23] =	ssyncadd.s32 $0xFFFFD800  }
0xd9: {  	[spmem:s2] =	stream.indirect.scatter.add.f32 [tilespmem:s21], [sflag:$0x3], $0x80, s26, s20, $0xb8;
	[tilespmem:$0x1E0F0] =	vst v63  }
0xda: {  	_ =	swait.ge [sflag:s14], $0x2800  }
0xdb: {  	[sflag:s14] =	ssyncset.done $0x0  }
0xdc: {  	[sflag:s14] =	ssyncadd.s32 $0xFFFFD800  }
0xdd: {  	[spmem:s3] =	stream.indirect.scatter.add.f32 [tilespmem:s18], [sflag:$0x3], $0x1, s26, s20, $0xb8;
	[tilespmem:$0x1E0F0] =	vst v63  }
0xde: {  	_ =	swait.ge [sflag:s14], $0x50  }
0xdf: {  	[sflag:s14] =	ssyncset.done $0x0  }
0xe0: {  	[sflag:s14] =	ssyncadd.s32 $0xFFFFFFB0  }
0xe1: {  	[bflag:$0x0] =	sbarrier.arrive $0xFFFF  }
0xe2: {  	[hbm:s11], [sflag:s16] =	dma.local [spmem:s17], $0x2800  }
0xe3: {  	s25 =	sadd.s32 $0x1, s25;
	_ =	swait.ge [sflag:s14], $0x2800  }
0xe4: {  	p0 =	sne.s32 s25, s13;
	[sflag:s14] =	ssyncset.done $0x0  }
.Ltmp1:
0xe5: {  	[sflag:s14] =	ssyncadd.s32 $0xFFFFD800;
	(pc) =	sbr.rel @p0 .LBB2_1-.Ltmp1, $4  }
0xe6: {  	[hbm:s12], [sflag:s16] =	dma.local [spmem:s19], $0x50  }
0xe7: {  	_ =	swait.ge [sflag:s14], $0x50  }
0xe8: {  	[sflag:s14] =	ssyncset.done $0x0  }
0xe9: {  	[sflag:s14] =	ssyncadd.s32 $0xFFFFFFB0  }
0xea: {  	_ =	sfence.sel $0x180000  }
0xeb: {  	[bflag:$0x0] =	sbarrier.arrive $0xFFFF  }
0xec: {  	p0 =	sne.s32 s0, $0x0;
	_ =	strace $0x90000047  }
0xed: {  	s0 =	sadd.s32 @!p0 $0x100000, s1;
	[bflag:$0x2] =	sbarrier.arrive $0xFFFF  }
0xee: {  	[sflag:s0] =	ssyncadd.tile.s32 @!p0 $0x1;
	_ =	shalt  }
.Lfunc_end2:
_tile_overlayer_lowered:
.L_overlay_start_2:
0xef: {  	(tag) =	ssettag $0x2  }
0xf0: {  	s0 =	rddreg [dreg:$0x0];
	s2 =	stileid.u32  }
0xf1: {  	s1 =	rddreg [dreg:$0x1];
	p0 =	sne.s32 s2, $0x0  }
0xf2: {  	s3 =	rddreg [dreg:$0x2];
	[bflag:$0x3] =	sbarrier.arrive $0xFFFF;
	s2 =	simm.s32 @!p0 $0x1C03  }
0xf3: {  	[timem:s3], [sflag:s2] =	dma.local @!p0 [hbm:s0], s1  }
0xf4: {  	s0 =	simm.s32 @!p0 $0x3  }
0xf5: {  	_ =	swait.ge @!p0 [sflag:s0], s1  }
0xf6: {  	s1 =	ssub.s32 @!p0 $0x0, s1;
	[sflag:s0] =	ssyncset.done @!p0 $0x0  }
0xf7: {  	[sflag:s0] =	ssyncadd.s32 @!p0 s1  }
0xf8: {  	[bflag:$0x3] =	sbarrier.arrive $0xFFFF  }
0xf9: {  	_ =	shalt  }

</sc_bundles>
